<compile_context>
chip_gen: v7x
topology: tpu7x:2x2x1
jax: 0.10.2.dev20260603
libtpu: 0.0.44.dev20260713+nightly
codegen_flags: <defaults>
</compile_context>

<pallas_src>
import functools

import jax
import jax.numpy as jnp
from jax import lax
from jax.experimental import pallas as pl
from jax.experimental.pallas import tpu as pltpu
from jax.experimental.pallas import tpu_sc as plsc

NC = 2
NS = 16
L = 16
NW = NC * NS
S = 32
D = 128
NODES_PER_W = 320
NBLK = 3
BLK_ROWS = (128, 128, 64)
BLK_PAD = 128
N_PAD = NW * NODES_PER_W
N_TABLE = 10000
ROWS_PER_STAGER = 632
WINDOW = 8

_mesh = plsc.VectorSubcoreMesh(
    core_axis_name="c", subcore_axis_name="s", num_cores=NC)


N_OUT = 10000


@functools.partial(
    pl.kernel,
    out_type=(jax.ShapeDtypeStruct((N_OUT, D), jnp.float32),
              jax.ShapeDtypeStruct((BLK_PAD, D), jnp.float32)),
    mesh=_mesh,
    scratch_types=[
        pltpu.VMEM_SHARED((N_TABLE, D), jnp.float32),
        pltpu.VMEM((NBLK, S, BLK_PAD), jnp.int32),
        pltpu.VMEM((BLK_PAD, D), jnp.float32),
        pltpu.VMEM((BLK_PAD, D), jnp.float32),
        pltpu.SemaphoreType.DMA,
        pltpu.SemaphoreType.DMA,
        pltpu.SemaphoreType.DMA,
        pltpu.SemaphoreType.DMA,
        pltpu.SemaphoreType.DMA,
    ],
)
def _agg_kernel(idx_hbm, table_hbm, out_hbm, spill_hbm,
                table_sp, idx_v, acc_a, acc_b, gsem_a, gsem_b,
                fsem_a, fsem_b, tsem):
    sid = lax.axis_index("s")
    wid = sid * NC + lax.axis_index("c")
    out_base = wid * NODES_PER_W

    accs = (acc_a, acc_b)
    gsems = (gsem_a, gsem_b)
    fsems = (fsem_a, fsem_b)
    zeros = jnp.zeros((L,), jnp.float32)

    def zero_acc(nb):
        acc = accs[nb & 1]

        def zero_body(r, carry):
            for c in range(D // L):
                acc[r, pl.ds(c * L, L)] = zeros
            return carry

        lax.fori_loop(0, BLK_ROWS[nb], zero_body, 0, unroll=4)

    stage_base = pl.multiple_of(
        jnp.minimum(sid * ROWS_PER_STAGER, N_TABLE - ROWS_PER_STAGER), 8)
    stage = pltpu.make_async_copy(
        table_hbm.at[pl.ds(stage_base, ROWS_PER_STAGER)],
        table_sp.at[pl.ds(stage_base, ROWS_PER_STAGER)], tsem)
    stage.start()
    pltpu.sync_copy(idx_hbm.at[wid], idx_v)
    zero_acc(0)
    zero_acc(1)
    stage.wait()
    plsc.subcore_barrier()

    def gather_wait(b, n_rows):
        pltpu.make_async_copy(
            table_hbm.at[pl.ds(0, n_rows)],
            accs[b].at[pl.ds(0, n_rows)], gsems[b]).wait()

    def launch_block(nb, zero=False):
        b = nb & 1
        n_rows = BLK_ROWS[nb]
        acc = accs[b]
        dst = acc.at[pl.ds(0, n_rows)]
        if zero:
            zero_acc(nb)

        def pass_body(j, carry):
            pltpu.make_async_copy(
                table_sp.at[idx_v.at[nb, j, pl.ds(0, n_rows)]], dst,
                gsems[b]).start(add=True)

            @pl.when(j >= WINDOW)
            def _():
                gather_wait(b, n_rows)

            return carry

        lax.fori_loop(0, S, pass_body, 0)

    def finish_block(nb):
        b = nb & 1
        n_rows = BLK_ROWS[nb]
        acc = accs[b]
        for _ in range(WINDOW):
            gather_wait(b, n_rows)

        def scale_body(r, carry):
            for c in range(D // L):
                acc[r, pl.ds(c * L, L)] = acc[r, pl.ds(c * L, L)] * (1.0 / S)
            return carry

        lax.fori_loop(0, n_rows, scale_body, 0, unroll=4)

        @pl.when(wid < NW - 1)
        def _():
            pltpu.make_async_copy(
                acc.at[pl.ds(0, n_rows)],
                out_hbm.at[pl.ds(out_base + nb * BLK_PAD, n_rows)],
                fsems[b]).start()

        @pl.when(wid == NW - 1)
        def _():
            if nb == 0:
                pltpu.make_async_copy(
                    acc.at[pl.ds(0, N_OUT - (NW - 1) * NODES_PER_W)],
                    out_hbm.at[pl.ds((NW - 1) * NODES_PER_W,
                                     N_OUT - (NW - 1) * NODES_PER_W)],
                    fsems[b]).start()
            else:
                pltpu.make_async_copy(
                    acc.at[pl.ds(0, n_rows)],
                    spill_hbm.at[pl.ds(0, n_rows)], fsems[b]).start()

    def flush_wait(b, n_rows):
        pltpu.make_async_copy(
            accs[b].at[pl.ds(0, n_rows)],
            out_hbm.at[pl.ds(0, n_rows)], fsems[b]).wait()

    launch_block(0)
    launch_block(1)
    finish_block(0)
    @pl.when(wid < NW - 1)
    def _():
        flush_wait(0, BLK_ROWS[0])

    @pl.when(wid == NW - 1)
    def _():
        flush_wait(0, N_OUT - (NW - 1) * NODES_PER_W)

    launch_block(2, zero=True)
    finish_block(1)
    finish_block(2)
    flush_wait(1, BLK_ROWS[1])
    flush_wait(0, BLK_ROWS[2])


def kernel(neighbors, table):
    n, _ = neighbors.shape
    idx = neighbors.astype(jnp.int32)
    idx = jnp.pad(idx, ((0, N_PAD - n), (0, 0)))
    idx = idx.reshape(NW, NODES_PER_W, S)
    idx = jnp.pad(idx, ((0, 0), (0, NBLK * BLK_PAD - NODES_PER_W), (0, 0)))
    idx4 = idx.reshape(NW, NBLK, BLK_PAD, S).transpose(0, 1, 3, 2)
    out, _ = _agg_kernel(idx4, table)
    return out

# --- scband reference (transcript-rebuilt; emitter-appended) ---
"""Pipeline reference for scband-aggregator-26439818674919 (READ-ONLY COPY).

The authoritative reference and input builder live on the scoring server;
editing this copy changes nothing except your own understanding.
"""

import jax, jax.numpy as jnp
import numpy as np

N_NODES = 10000
NUM_SAMPLE = 32
FEAT_DIM = 128

def setup_inputs(seed: int = 0) -> dict:
    key = jax.random.key(seed)
    k1, k2 = jax.random.split(key)
    # neighbor index lists: tensorized form of List[Set] after sampling num_sample=32 per node
    neighbors = jax.random.randint(k1, (N_NODES, NUM_SAMPLE), 0, N_NODES, dtype=jnp.int64)
    # learned feature_map (nn.Embedding weight), shape [num_embeddings, embedding_dim]
    table = jax.random.normal(k2, (N_NODES, FEAT_DIM), dtype=jnp.float32)
    return {"neighbors": neighbors, "table": table}

def reference(neighbors, table):
    # Mean aggregation path (_meanForward): for each node, gather neighbor features
    # from the embedding table and average them. The original builds a normalized
    # incidence mask and does mask.mm(features); with fixed-size neighbor lists this
    # is exactly a gather followed by a mean over the neighbor axis.
    feats = jnp.take(table, neighbors, axis=0)  # [N, S, d]
    agg = jnp.mean(feats, axis=1)               # [N, d]
    return agg

if __name__ == "__main__":
    import jax
    _d = setup_inputs()
    print(jax.jit(kernel)(*tuple(_d.values())))

</pallas_src>

<mosaic_0001>
#map = affine_map<(d0, d1) -> (0, 0, 0, 0)>
#map1 = affine_map<(d0, d1) -> (0, 0)>
module attributes {stable_mosaic.version = 14 : i64} {
  func.func @_agg_kernel(%arg0: i32, %arg1: i32, %arg2: memref<32x3x32x128xi32, #tpu.memory_space<hbm>>, %arg3: memref<10000x128xf32, #tpu.memory_space<hbm>>, %arg4: memref<10000x128xf32, #tpu.memory_space<hbm>>, %arg5: memref<128x128xf32, #tpu.memory_space<hbm>>, %arg6: memref<10000x128xf32, #tpu.memory_space<vmem_shared>>, %arg7: memref<3x32x128xi32, #tpu.memory_space<vmem>>, %arg8: memref<128x128xf32, #tpu.memory_space<vmem>>, %arg9: memref<128x128xf32, #tpu.memory_space<vmem>>, %arg10: memref<!tpu.dma_semaphore, #tpu.memory_space<semaphore_mem>>, %arg11: memref<!tpu.dma_semaphore, #tpu.memory_space<semaphore_mem>>, %arg12: memref<!tpu.dma_semaphore, #tpu.memory_space<semaphore_mem>>, %arg13: memref<!tpu.dma_semaphore, #tpu.memory_space<semaphore_mem>>, %arg14: memref<!tpu.dma_semaphore, #tpu.memory_space<semaphore_mem>>) attributes {dimension_semantics = [#tpu.dimension_semantics<core_parallel>, #tpu.dimension_semantics<subcore_parallel>], iteration_bounds = array<i64: 2, 16>, scalar_prefetch = 0 : i64, scratch_operands = 9 : i64, tpu.core_type = #tpu.core_type<sc_vector_subcore>, window_params = [{transform_indices = #map}, {transform_indices = #map1}, {transform_indices = #map1}, {transform_indices = #map1}]} {
    %mul3A = arith.constant 2 : i32
    %mul3A_0 = arith.muli %arg1, %mul3A : i32
    %add3A = arith.addi %mul3A_0, %arg0 : i32
    %mul3A_1 = arith.constant 320 : i32
    %mul3A_2 = arith.muli %add3A, %mul3A_1 : i32
    %broadcast_in_dim3A = arith.constant 0.000000e+00 : f32
    %broadcast_in_dim3A_3 = vector.broadcast %broadcast_in_dim3A : f32 to vector<16xf32>
    %mul3A_4 = arith.constant 632 : i32
    %mul3A_5 = arith.muli %arg1, %mul3A_4 : i32
    %min3A = arith.constant 9368 : i32
    %min3A_6 = arith.minsi %mul3A_5, %min3A : i32
    %multiple_of3A = tpu.assume_multiple %min3A_6, 8 : i32
    %dma_start3A = arith.constant 0 : i32
    %dma_start3A_7 = tpu.memref_slice %arg6[%multiple_of3A, %dma_start3A] : memref<10000x128xf32, #tpu.memory_space<vmem_shared>> -> memref<632x128xf32, #tpu.memory_space<vmem_shared>>
    %dma_start3A_8 = arith.constant 0 : i32
    %dma_start3A_9 = tpu.memref_slice %arg3[%multiple_of3A, %dma_start3A_8] : memref<10000x128xf32, #tpu.memory_space<hbm>> -> memref<632x128xf32, #tpu.memory_space<hbm>>
    tpu.enqueue_dma source(%dma_start3A_9 : memref<632x128xf32, #tpu.memory_space<hbm>>) target(%dma_start3A_7 : memref<632x128xf32, #tpu.memory_space<vmem_shared>>) target_semaphore(%arg14 : memref<!tpu.dma_semaphore, #tpu.memory_space<semaphore_mem>>)
    "tpu.region"() ({
      %run_scoped3A = tpu.sem_alloc : memref<!tpu.dma_semaphore, #tpu.memory_space<semaphore_mem>>
      %dma_start3A_414 = arith.constant 0 : i32
      %dma_start3A_415 = arith.constant 0 : i32
      %dma_start3A_416 = arith.constant 0 : i32
      %dma_start3A_417 = tpu.memref_slice %arg2[%add3A, %dma_start3A_414, %dma_start3A_415, %dma_start3A_416] : memref<32x3x32x128xi32, #tpu.memory_space<hbm>> -> memref<1x3x32x128xi32, #tpu.memory_space<hbm>>
      %dma_start3A_418 = tpu.memref_squeeze %dma_start3A_417 : memref<1x3x32x128xi32, #tpu.memory_space<hbm>> -> memref<3x32x128xi32, #tpu.memory_space<hbm>>
      %dma_start3A_419 = arith.constant 0 : i32
      %dma_start3A_420 = arith.constant 0 : i32
      %dma_start3A_421 = arith.constant 0 : i32
      %dma_start3A_422 = tpu.memref_slice %arg2[%add3A, %dma_start3A_419, %dma_start3A_420, %dma_start3A_421] : memref<32x3x32x128xi32, #tpu.memory_space<hbm>> -> memref<1x3x32x128xi32, #tpu.memory_space<hbm>>
      %dma_start3A_423 = tpu.memref_squeeze %dma_start3A_422 : memref<1x3x32x128xi32, #tpu.memory_space<hbm>> -> memref<3x32x128xi32, #tpu.memory_space<hbm>>
      tpu.enqueue_dma source(%dma_start3A_423 : memref<3x32x128xi32, #tpu.memory_space<hbm>>) target(%arg7 : memref<3x32x128xi32, #tpu.memory_space<vmem>>) target_semaphore(%run_scoped3A : memref<!tpu.dma_semaphore, #tpu.memory_space<semaphore_mem>>)
      %dma_wait3A_424 = arith.constant 0 : i32
      %dma_wait3A_425 = arith.constant 0 : i32
      %dma_wait3A_426 = arith.constant 0 : i32
      %dma_wait3A_427 = tpu.memref_slice %arg2[%add3A, %dma_wait3A_424, %dma_wait3A_425, %dma_wait3A_426] : memref<32x3x32x128xi32, #tpu.memory_space<hbm>> -> memref<1x3x32x128xi32, #tpu.memory_space<hbm>>
      %dma_wait3A_428 = tpu.memref_squeeze %dma_wait3A_427 : memref<1x3x32x128xi32, #tpu.memory_space<hbm>> -> memref<3x32x128xi32, #tpu.memory_space<hbm>>
      %dma_wait3A_429 = arith.constant 0 : i32
      %dma_wait3A_430 = arith.constant 0 : i32
      %dma_wait3A_431 = arith.constant 0 : i32
      %dma_wait3A_432 = tpu.memref_slice %arg2[%add3A, %dma_wait3A_429, %dma_wait3A_430, %dma_wait3A_431] : memref<32x3x32x128xi32, #tpu.memory_space<hbm>> -> memref<1x3x32x128xi32, #tpu.memory_space<hbm>>
      %dma_wait3A_433 = tpu.memref_squeeze %dma_wait3A_432 : memref<1x3x32x128xi32, #tpu.memory_space<hbm>> -> memref<3x32x128xi32, #tpu.memory_space<hbm>>
      tpu.wait_dma2 semaphore(%run_scoped3A : memref<!tpu.dma_semaphore, #tpu.memory_space<semaphore_mem>>) src(%dma_wait3A_433 : memref<3x32x128xi32, #tpu.memory_space<hbm>>) dst(%arg7 : memref<3x32x128xi32, #tpu.memory_space<vmem>>)
      tpu.yield
    }) : () -> ()
    %scan3A = arith.constant 0 : i32
    %scan3A_10 = arith.constant 0 : i32
    %scan3A_11 = arith.constant 128 : i32
    %scan3A_12 = arith.addi %scan3A_10, %scan3A_11 : i32
    %scan3A_13 = arith.constant 4 : i32
    scf.for %scan3A_414 = %scan3A_10 to %scan3A_12 step %scan3A_13  : i32 {
      %swap3A = arith.index_cast %scan3A_414 : i32 to index
      %swap3A_415 = arith.constant 0 : index
      %swap3A_416 = tpu.vector_load %arg8[%swap3A, %swap3A_415] {strides = array<i32>} : memref<128x128xf32, #tpu.memory_space<vmem>>, vector<1x16xf32>,
      %swap3A_417 = vector.shape_cast %swap3A_416 : vector<1x16xf32> to vector<16xf32>
      %swap3A_418 = vector.shape_cast %broadcast_in_dim3A_3 : vector<16xf32> to vector<1x16xf32>
      tpu.vector_store %arg8[%swap3A, %swap3A_415], %swap3A_418 {strides = array<i32>} : memref<128x128xf32, #tpu.memory_space<vmem>>, vector<1x16xf32>,
      %swap3A_419 = arith.index_cast %scan3A_414 : i32 to index
      %swap3A_420 = arith.constant 16 : index
      %swap3A_421 = tpu.vector_load %arg8[%swap3A_419, %swap3A_420] {strides = array<i32>} : memref<128x128xf32, #tpu.memory_space<vmem>>, vector<1x16xf32>,
      %swap3A_422 = vector.shape_cast %swap3A_421 : vector<1x16xf32> to vector<16xf32>
      %swap3A_423 = vector.shape_cast %broadcast_in_dim3A_3 : vector<16xf32> to vector<1x16xf32>
      tpu.vector_store %arg8[%swap3A_419, %swap3A_420], %swap3A_423 {strides = array<i32>} : memref<128x128xf32, #tpu.memory_space<vmem>>, vector<1x16xf32>,
      %swap3A_424 = arith.index_cast %scan3A_414 : i32 to index
      %swap3A_425 = arith.constant 32 : index
      %swap3A_426 = tpu.vector_load %arg8[%swap3A_424, %swap3A_425] {strides = array<i32>} : memref<128x128xf32, #tpu.memory_space<vmem>>, vector<1x16xf32>,
      %swap3A_427 = vector.shape_cast %swap3A_426 : vector<1x16xf32> to vector<16xf32>
      %swap3A_428 = vector.shape_cast %broadcast_in_dim3A_3 : vector<16xf32> to vector<1x16xf32>
      tpu.vector_store %arg8[%swap3A_424, %swap3A_425], %swap3A_428 {strides = array<i32>} : memref<128x128xf32, #tpu.memory_space<vmem>>, vector<1x16xf32>,
      %swap3A_429 = arith.index_cast %scan3A_414 : i32 to index
      %swap3A_430 = arith.constant 48 : index
      %swap3A_431 = tpu.vector_load %arg8[%swap3A_429, %swap3A_430] {strides = array<i32>} : memref<128x128xf32, #tpu.memory_space<vmem>>, vector<1x16xf32>,
      %swap3A_432 = vector.shape_cast %swap3A_431 : vector<1x16xf32> to vector<16xf32>
      %swap3A_433 = vector.shape_cast %broadcast_in_dim3A_3 : vector<16xf32> to vector<1x16xf32>
      tpu.vector_store %arg8[%swap3A_429, %swap3A_430], %swap3A_433 {strides = array<i32>} : memref<128x128xf32, #tpu.memory_space<vmem>>, vector<1x16xf32>,
      %swap3A_434 = arith.index_cast %scan3A_414 : i32 to index
      %swap3A_435 = arith.constant 64 : index
      %swap3A_436 = tpu.vector_load %arg8[%swap3A_434, %swap3A_435] {strides = array<i32>} : memref<128x128xf32, #tpu.memory_space<vmem>>, vector<1x16xf32>,
      %swap3A_437 = vector.shape_cast %swap3A_436 : vector<1x16xf32> to vector<16xf32>
      %swap3A_438 = vector.shape_cast %broadcast_in_dim3A_3 : vector<16xf32> to vector<1x16xf32>
      tpu.vector_store %arg8[%swap3A_434, %swap3A_435], %swap3A_438 {strides = array<i32>} : memref<128x128xf32, #tpu.memory_space<vmem>>, vector<1x16xf32>,
      %swap3A_439 = arith.index_cast %scan3A_414 : i32 to index
      %swap3A_440 = arith.constant 80 : index
      %swap3A_441 = tpu.vector_load %arg8[%swap3A_439, %swap3A_440] {strides = array<i32>} : memref<128x128xf32, #tpu.memory_space<vmem>>, vector<1x16xf32>,
      %swap3A_442 = vector.shape_cast %swap3A_441 : vector<1x16xf32> to vector<16xf32>
      %swap3A_443 = vector.shape_cast %broadcast_in_dim3A_3 : vector<16xf32> to vector<1x16xf32>
      tpu.vector_store %arg8[%swap3A_439, %swap3A_440], %swap3A_443 {strides = array<i32>} : memref<128x128xf32, #tpu.memory_space<vmem>>, vector<1x16xf32>,
      %swap3A_444 = arith.index_cast %scan3A_414 : i32 to index
      %swap3A_445 = arith.constant 96 : index
      %swap3A_446 = tpu.vector_load %arg8[%swap3A_444, %swap3A_445] {strides = array<i32>} : memref<128x128xf32, #tpu.memory_space<vmem>>, vector<1x16xf32>,
      %swap3A_447 = vector.shape_cast %swap3A_446 : vector<1x16xf32> to vector<16xf32>
      %swap3A_448 = vector.shape_cast %broadcast_in_dim3A_3 : vector<16xf32> to vector<1x16xf32>
      tpu.vector_store %arg8[%swap3A_444, %swap3A_445], %swap3A_448 {strides = array<i32>} : memref<128x128xf32, #tpu.memory_space<vmem>>, vector<1x16xf32>,
      %swap3A_449 = arith.index_cast %scan3A_414 : i32 to index
      %swap3A_450 = arith.constant 112 : index
      %swap3A_451 = tpu.vector_load %arg8[%swap3A_449, %swap3A_450] {strides = array<i32>} : memref<128x128xf32, #tpu.memory_space<vmem>>, vector<1x16xf32>,
      %swap3A_452 = vector.shape_cast %swap3A_451 : vector<1x16xf32> to vector<16xf32>
      %swap3A_453 = vector.shape_cast %broadcast_in_dim3A_3 : vector<16xf32> to vector<1x16xf32>
      tpu.vector_store %arg8[%swap3A_449, %swap3A_450], %swap3A_453 {strides = array<i32>} : memref<128x128xf32, #tpu.memory_space<vmem>>, vector<1x16xf32>,
      %scan3A_454 = arith.constant 1 : i32
      %scan3A_455 = arith.addi %scan3A_414, %scan3A_454 : i32
      %swap3A_456 = arith.index_cast %scan3A_455 : i32 to index
      %swap3A_457 = arith.constant 0 : index
      %swap3A_458 = tpu.vector_load %arg8[%swap3A_456, %swap3A_457] {strides = array<i32>} : memref<128x128xf32, #tpu.memory_space<vmem>>, vector<1x16xf32>,
      %swap3A_459 = vector.shape_cast %swap3A_458 : vector<1x16xf32> to vector<16xf32>
      %swap3A_460 = vector.shape_cast %broadcast_in_dim3A_3 : vector<16xf32> to vector<1x16xf32>
      tpu.vector_store %arg8[%swap3A_456, %swap3A_457], %swap3A_460 {strides = array<i32>} : memref<128x128xf32, #tpu.memory_space<vmem>>, vector<1x16xf32>,
      %swap3A_461 = arith.index_cast %scan3A_455 : i32 to index
      %swap3A_462 = arith.constant 16 : index
      %swap3A_463 = tpu.vector_load %arg8[%swap3A_461, %swap3A_462] {strides = array<i32>} : memref<128x128xf32, #tpu.memory_space<vmem>>, vector<1x16xf32>,
      %swap3A_464 = vector.shape_cast %swap3A_463 : vector<1x16xf32> to vector<16xf32>
      %swap3A_465 = vector.shape_cast %broadcast_in_dim3A_3 : vector<16xf32> to vector<1x16xf32>
      tpu.vector_store %arg8[%swap3A_461, %swap3A_462], %swap3A_465 {strides = array<i32>} : memref<128x128xf32, #tpu.memory_space<vmem>>, vector<1x16xf32>,
      %swap3A_466 = arith.index_cast %scan3A_455 : i32 to index
      %swap3A_467 = arith.constant 32 : index
      %swap3A_468 = tpu.vector_load %arg8[%swap3A_466, %swap3A_467] {strides = array<i32>} : memref<128x128xf32, #tpu.memory_space<vmem>>, vector<1x16xf32>,
      %swap3A_469 = vector.shape_cast %swap3A_468 : vector<1x16xf32> to vector<16xf32>
      %swap3A_470 = vector.shape_cast %broadcast_in_dim3A_3 : vector<16xf32> to vector<1x16xf32>
      tpu.vector_store %arg8[%swap3A_466, %swap3A_467], %swap3A_470 {strides = array<i32>} : memref<128x128xf32, #tpu.memory_space<vmem>>, vector<1x16xf32>,
      %swap3A_471 = arith.index_cast %scan3A_455 : i32 to index
      %swap3A_472 = arith.constant 48 : index
      %swap3A_473 = tpu.vector_load %arg8[%swap3A_471, %swap3A_472] {strides = array<i32>} : memref<128x128xf32, #tpu.memory_space<vmem>>, vector<1x16xf32>,
      %swap3A_474 = vector.shape_cast %swap3A_473 : vector<1x16xf32> to vector<16xf32>
      %swap3A_475 = vector.shape_cast %broadcast_in_dim3A_3 : vector<16xf32> to vector<1x16xf32>
      tpu.vector_store %arg8[%swap3A_471, %swap3A_472], %swap3A_475 {strides = array<i32>} : memref<128x128xf32, #tpu.memory_space<vmem>>, vector<1x16xf32>,
      %swap3A_476 = arith.index_cast %scan3A_455 : i32 to index
      %swap3A_477 = arith.constant 64 : index
      %swap3A_478 = tpu.vector_load %arg8[%swap3A_476, %swap3A_477] {strides = array<i32>} : memref<128x128xf32, #tpu.memory_space<vmem>>, vector<1x16xf32>,
      %swap3A_479 = vector.shape_cast %swap3A_478 : vector<1x16xf32> to vector<16xf32>
      %swap3A_480 = vector.shape_cast %broadcast_in_dim3A_3 : vector<16xf32> to vector<1x16xf32>
      tpu.vector_store %arg8[%swap3A_476, %swap3A_477], %swap3A_480 {strides = array<i32>} : memref<128x128xf32, #tpu.memory_space<vmem>>, vector<1x16xf32>,
      %swap3A_481 = arith.index_cast %scan3A_455 : i32 to index
      %swap3A_482 = arith.constant 80 : index
      %swap3A_483 = tpu.vector_load %arg8[%swap3A_481, %swap3A_482] {strides = array<i32>} : memref<128x128xf32, #tpu.memory_space<vmem>>, vector<1x16xf32>,
      %swap3A_484 = vector.shape_cast %swap3A_483 : vector<1x16xf32> to vector<16xf32>
      %swap3A_485 = vector.shape_cast %broadcast_in_dim3A_3 : vector<16xf32> to vector<1x16xf32>
      tpu.vector_store %arg8[%swap3A_481, %swap3A_482], %swap3A_485 {strides = array<i32>} : memref<128x128xf32, #tpu.memory_space<vmem>>, vector<1x16xf32>,
      %swap3A_486 = arith.index_cast %scan3A_455 : i32 to index
      %swap3A_487 = arith.constant 96 : index
      %swap3A_488 = tpu.vector_load %arg8[%swap3A_486, %swap3A_487] {strides = array<i32>} : memref<128x128xf32, #tpu.memory_space<vmem>>, vector<1x16xf32>,
      %swap3A_489 = vector.shape_cast %swap3A_488 : vector<1x16xf32> to vector<16xf32>
      %swap3A_490 = vector.shape_cast %broadcast_in_dim3A_3 : vector<16xf32> to vector<1x16xf32>
      tpu.vector_store %arg8[%swap3A_486, %swap3A_487], %swap3A_490 {strides = array<i32>} : memref<128x128xf32, #tpu.memory_space<vmem>>, vector<1x16xf32>,
      %swap3A_491 = arith.index_cast %scan3A_455 : i32 to index
      %swap3A_492 = arith.constant 112 : index
      %swap3A_493 = tpu.vector_load %arg8[%swap3A_491, %swap3A_492] {strides = array<i32>} : memref<128x128xf32, #tpu.memory_space<vmem>>, vector<1x16xf32>,
      %swap3A_494 = vector.shape_cast %swap3A_493 : vector<1x16xf32> to vector<16xf32>
      %swap3A_495 = vector.shape_cast %broadcast_in_dim3A_3 : vector<16xf32> to vector<1x16xf32>
      tpu.vector_store %arg8[%swap3A_491, %swap3A_492], %swap3A_495 {strides = array<i32>} : memref<128x128xf32, #tpu.memory_space<vmem>>, vector<1x16xf32>,
      %scan3A_496 = arith.constant 2 : i32
      %scan3A_497 = arith.addi %scan3A_414, %scan3A_496 : i32
      %swap3A_498 = arith.index_cast %scan3A_497 : i32 to index
      %swap3A_499 = arith.constant 0 : index
      %swap3A_500 = tpu.vector_load %arg8[%swap3A_498, %swap3A_499] {strides = array<i32>} : memref<128x128xf32, #tpu.memory_space<vmem>>, vector<1x16xf32>,
      %swap3A_501 = vector.shape_cast %swap3A_500 : vector<1x16xf32> to vector<16xf32>
      %swap3A_502 = vector.shape_cast %broadcast_in_dim3A_3 : vector<16xf32> to vector<1x16xf32>
      tpu.vector_store %arg8[%swap3A_498, %swap3A_499], %swap3A_502 {strides = array<i32>} : memref<128x128xf32, #tpu.memory_space<vmem>>, vector<1x16xf32>,
      %swap3A_503 = arith.index_cast %scan3A_497 : i32 to index
      %swap3A_504 = arith.constant 16 : index
      %swap3A_505 = tpu.vector_load %arg8[%swap3A_503, %swap3A_504] {strides = array<i32>} : memref<128x128xf32, #tpu.memory_space<vmem>>, vector<1x16xf32>,
      %swap3A_506 = vector.shape_cast %swap3A_505 : vector<1x16xf32> to vector<16xf32>
      %swap3A_507 = vector.shape_cast %broadcast_in_dim3A_3 : vector<16xf32> to vector<1x16xf32>
      tpu.vector_store %arg8[%swap3A_503, %swap3A_504], %swap3A_507 {strides = array<i32>} : memref<128x128xf32, #tpu.memory_space<vmem>>, vector<1x16xf32>,
      %swap3A_508 = arith.index_cast %scan3A_497 : i32 to index
      %swap3A_509 = arith.constant 32 : index
      %swap3A_510 = tpu.vector_load %arg8[%swap3A_508, %swap3A_509] {strides = array<i32>} : memref<128x128xf32, #tpu.memory_space<vmem>>, vector<1x16xf32>,
      %swap3A_511 = vector.shape_cast %swap3A_510 : vector<1x16xf32> to vector<16xf32>
      %swap3A_512 = vector.shape_cast %broadcast_in_dim3A_3 : vector<16xf32> to vector<1x16xf32>
      tpu.vector_store %arg8[%swap3A_508, %swap3A_509], %swap3A_512 {strides = array<i32>} : memref<128x128xf32, #tpu.memory_space<vmem>>, vector<1x16xf32>,
      %swap3A_513 = arith.index_cast %scan3A_497 : i32 to index
      %swap3A_514 = arith.constant 48 : index
      %swap3A_515 = tpu.vector_load %arg8[%swap3A_513, %swap3A_514] {strides = array<i32>} : memref<128x128xf32, #tpu.memory_space<vmem>>, vector<1x16xf32>,
      %swap3A_516 = vector.shape_cast %swap3A_515 : vector<1x16xf32> to vector<16xf32>
      %swap3A_517 = vector.shape_cast %broadcast_in_dim3A_3 : vector<16xf32> to vector<1x16xf32>
      tpu.vector_store %arg8[%swap3A_513, %swap3A_514], %swap3A_517 {strides = array<i32>} : memref<128x128xf32, #tpu.memory_space<vmem>>, vector<1x16xf32>,
      %swap3A_518 = arith.index_cast %scan3A_497 : i32 to index
      %swap3A_519 = arith.constant 64 : index
      %swap3A_520 = tpu.vector_load %arg8[%swap3A_518, %swap3A_519] {strides = array<i32>} : memref<128x128xf32, #tpu.memory_space<vmem>>, vector<1x16xf32>,
      %swap3A_521 = vector.shape_cast %swap3A_520 : vector<1x16xf32> to vector<16xf32>
      %swap3A_522 = vector.shape_cast %broadcast_in_dim3A_3 : vector<16xf32> to vector<1x16xf32>
      tpu.vector_store %arg8[%swap3A_518, %swap3A_519], %swap3A_522 {strides = array<i32>} : memref<128x128xf32, #tpu.memory_space<vmem>>, vector<1x16xf32>,
      %swap3A_523 = arith.index_cast %scan3A_497 : i32 to index
      %swap3A_524 = arith.constant 80 : index
      %swap3A_525 = tpu.vector_load %arg8[%swap3A_523, %swap3A_524] {strides = array<i32>} : memref<128x128xf32, #tpu.memory_space<vmem>>, vector<1x16xf32>,
      %swap3A_526 = vector.shape_cast %swap3A_525 : vector<1x16xf32> to vector<16xf32>
      %swap3A_527 = vector.shape_cast %broadcast_in_dim3A_3 : vector<16xf32> to vector<1x16xf32>
      tpu.vector_store %arg8[%swap3A_523, %swap3A_524], %swap3A_527 {strides = array<i32>} : memref<128x128xf32, #tpu.memory_space<vmem>>, vector<1x16xf32>,
      %swap3A_528 = arith.index_cast %scan3A_497 : i32 to index
      %swap3A_529 = arith.constant 96 : index
      %swap3A_530 = tpu.vector_load %arg8[%swap3A_528, %swap3A_529] {strides = array<i32>} : memref<128x128xf32, #tpu.memory_space<vmem>>, vector<1x16xf32>,
      %swap3A_531 = vector.shape_cast %swap3A_530 : vector<1x16xf32> to vector<16xf32>
      %swap3A_532 = vector.shape_cast %broadcast_in_dim3A_3 : vector<16xf32> to vector<1x16xf32>
      tpu.vector_store %arg8[%swap3A_528, %swap3A_529], %swap3A_532 {strides = array<i32>} : memref<128x128xf32, #tpu.memory_space<vmem>>, vector<1x16xf32>,
      %swap3A_533 = arith.index_cast %scan3A_497 : i32 to index
      %swap3A_534 = arith.constant 112 : index
      %swap3A_535 = tpu.vector_load %arg8[%swap3A_533, %swap3A_534] {strides = array<i32>} : memref<128x128xf32, #tpu.memory_space<vmem>>, vector<1x16xf32>,
      %swap3A_536 = vector.shape_cast %swap3A_535 : vector<1x16xf32> to vector<16xf32>
      %swap3A_537 = vector.shape_cast %broadcast_in_dim3A_3 : vector<16xf32> to vector<1x16xf32>
      tpu.vector_store %arg8[%swap3A_533, %swap3A_534], %swap3A_537 {strides = array<i32>} : memref<128x128xf32, #tpu.memory_space<vmem>>, vector<1x16xf32>,
      %scan3A_538 = arith.constant 3 : i32
      %scan3A_539 = arith.addi %scan3A_414, %scan3A_538 : i32
      %swap3A_540 = arith.index_cast %scan3A_539 : i32 to index
      %swap3A_541 = arith.constant 0 : index
      %swap3A_542 = tpu.vector_load %arg8[%swap3A_540, %swap3A_541] {strides = array<i32>} : memref<128x128xf32, #tpu.memory_space<vmem>>, vector<1x16xf32>,
      %swap3A_543 = vector.shape_cast %swap3A_542 : vector<1x16xf32> to vector<16xf32>
      %swap3A_544 = vector.shape_cast %broadcast_in_dim3A_3 : vector<16xf32> to vector<1x16xf32>
      tpu.vector_store %arg8[%swap3A_540, %swap3A_541], %swap3A_544 {strides = array<i32>} : memref<128x128xf32, #tpu.memory_space<vmem>>, vector<1x16xf32>,
      %swap3A_545 = arith.index_cast %scan3A_539 : i32 to index
      %swap3A_546 = arith.constant 16 : index
      %swap3A_547 = tpu.vector_load %arg8[%swap3A_545, %swap3A_546] {strides = array<i32>} : memref<128x128xf32, #tpu.memory_space<vmem>>, vector<1x16xf32>,
      %swap3A_548 = vector.shape_cast %swap3A_547 : vector<1x16xf32> to vector<16xf32>
      %swap3A_549 = vector.shape_cast %broadcast_in_dim3A_3 : vector<16xf32> to vector<1x16xf32>
      tpu.vector_store %arg8[%swap3A_545, %swap3A_546], %swap3A_549 {strides = array<i32>} : memref<128x128xf32, #tpu.memory_space<vmem>>, vector<1x16xf32>,
      %swap3A_550 = arith.index_cast %scan3A_539 : i32 to index
      %swap3A_551 = arith.constant 32 : index
      %swap3A_552 = tpu.vector_load %arg8[%swap3A_550, %swap3A_551] {strides = array<i32>} : memref<128x128xf32, #tpu.memory_space<vmem>>, vector<1x16xf32>,
      %swap3A_553 = vector.shape_cast %swap3A_552 : vector<1x16xf32> to vector<16xf32>
      %swap3A_554 = vector.shape_cast %broadcast_in_dim3A_3 : vector<16xf32> to vector<1x16xf32>
      tpu.vector_store %arg8[%swap3A_550, %swap3A_551], %swap3A_554 {strides = array<i32>} : memref<128x128xf32, #tpu.memory_space<vmem>>, vector<1x16xf32>,
      %swap3A_555 = arith.index_cast %scan3A_539 : i32 to index
      %swap3A_556 = arith.constant 48 : index
      %swap3A_557 = tpu.vector_load %arg8[%swap3A_555, %swap3A_556] {strides = array<i32>} : memref<128x128xf32, #tpu.memory_space<vmem>>, vector<1x16xf32>,
      %swap3A_558 = vector.shape_cast %swap3A_557 : vector<1x16xf32> to vector<16xf32>
      %swap3A_559 = vector.shape_cast %broadcast_in_dim3A_3 : vector<16xf32> to vector<1x16xf32>
      tpu.vector_store %arg8[%swap3A_555, %swap3A_556], %swap3A_559 {strides = array<i32>} : memref<128x128xf32, #tpu.memory_space<vmem>>, vector<1x16xf32>,
      %swap3A_560 = arith.index_cast %scan3A_539 : i32 to index
      %swap3A_561 = arith.constant 64 : index
      %swap3A_562 = tpu.vector_load %arg8[%swap3A_560, %swap3A_561] {strides = array<i32>} : memref<128x128xf32, #tpu.memory_space<vmem>>, vector<1x16xf32>,
      %swap3A_563 = vector.shape_cast %swap3A_562 : vector<1x16xf32> to vector<16xf32>
      %swap3A_564 = vector.shape_cast %broadcast_in_dim3A_3 : vector<16xf32> to vector<1x16xf32>
      tpu.vector_store %arg8[%swap3A_560, %swap3A_561], %swap3A_564 {strides = array<i32>} : memref<128x128xf32, #tpu.memory_space<vmem>>, vector<1x16xf32>,
      %swap3A_565 = arith.index_cast %scan3A_539 : i32 to index
      %swap3A_566 = arith.constant 80 : index
      %swap3A_567 = tpu.vector_load %arg8[%swap3A_565, %swap3A_566] {strides = array<i32>} : memref<128x128xf32, #tpu.memory_space<vmem>>, vector<1x16xf32>,
      %swap3A_568 = vector.shape_cast %swap3A_567 : vector<1x16xf32> to vector<16xf32>
      %swap3A_569 = vector.shape_cast %broadcast_in_dim3A_3 : vector<16xf32> to vector<1x16xf32>
      tpu.vector_store %arg8[%swap3A_565, %swap3A_566], %swap3A_569 {strides = array<i32>} : memref<128x128xf32, #tpu.memory_space<vmem>>, vector<1x16xf32>,
      %swap3A_570 = arith.index_cast %scan3A_539 : i32 to index
      %swap3A_571 = arith.constant 96 : index
      %swap3A_572 = tpu.vector_load %arg8[%swap3A_570, %swap3A_571] {strides = array<i32>} : memref<128x128xf32, #tpu.memory_space<vmem>>, vector<1x16xf32>,
      %swap3A_573 = vector.shape_cast %swap3A_572 : vector<1x16xf32> to vector<16xf32>
      %swap3A_574 = vector.shape_cast %broadcast_in_dim3A_3 : vector<16xf32> to vector<1x16xf32>
      tpu.vector_store %arg8[%swap3A_570, %swap3A_571], %swap3A_574 {strides = array<i32>} : memref<128x128xf32, #tpu.memory_space<vmem>>, vector<1x16xf32>,
      %swap3A_575 = arith.index_cast %scan3A_539 : i32 to index
      %swap3A_576 = arith.constant 112 : index
      %swap3A_577 = tpu.vector_load %arg8[%swap3A_575, %swap3A_576] {strides = array<i32>} : memref<128x128xf32, #tpu.memory_space<vmem>>, vector<1x16xf32>,
      %swap3A_578 = vector.shape_cast %swap3A_577 : vector<1x16xf32> to vector<16xf32>
      %swap3A_579 = vector.shape_cast %broadcast_in_dim3A_3 : vector<16xf32> to vector<1x16xf32>
      tpu.vector_store %arg8[%swap3A_575, %swap3A_576], %swap3A_579 {strides = array<i32>} : memref<128x128xf32, #tpu.memory_space<vmem>>, vector<1x16xf32>,
    }
    %scan3A_14 = arith.constant 128 : i32
    %scan3A_15 = arith.constant 0 : i32
    %scan3A_16 = arith.constant 0 : i32
    %scan3A_17 = arith.constant 128 : i32
    %scan3A_18 = arith.addi %scan3A_16, %scan3A_17 : i32
    %scan3A_19 = arith.constant 4 : i32
    scf.for %scan3A_414 = %scan3A_16 to %scan3A_18 step %scan3A_19  : i32 {
      %swap3A = arith.index_cast %scan3A_414 : i32 to index
      %swap3A_415 = arith.constant 0 : index
      %swap3A_416 = tpu.vector_load %arg9[%swap3A, %swap3A_415] {strides = array<i32>} : memref<128x128xf32, #tpu.memory_space<vmem>>, vector<1x16xf32>,
      %swap3A_417 = vector.shape_cast %swap3A_416 : vector<1x16xf32> to vector<16xf32>
      %swap3A_418 = vector.shape_cast %broadcast_in_dim3A_3 : vector<16xf32> to vector<1x16xf32>
      tpu.vector_store %arg9[%swap3A, %swap3A_415], %swap3A_418 {strides = array<i32>} : memref<128x128xf32, #tpu.memory_space<vmem>>, vector<1x16xf32>,
      %swap3A_419 = arith.index_cast %scan3A_414 : i32 to index
      %swap3A_420 = arith.constant 16 : index
      %swap3A_421 = tpu.vector_load %arg9[%swap3A_419, %swap3A_420] {strides = array<i32>} : memref<128x128xf32, #tpu.memory_space<vmem>>, vector<1x16xf32>,
      %swap3A_422 = vector.shape_cast %swap3A_421 : vector<1x16xf32> to vector<16xf32>
      %swap3A_423 = vector.shape_cast %broadcast_in_dim3A_3 : vector<16xf32> to vector<1x16xf32>
      tpu.vector_store %arg9[%swap3A_419, %swap3A_420], %swap3A_423 {strides = array<i32>} : memref<128x128xf32, #tpu.memory_space<vmem>>, vector<1x16xf32>,
      %swap3A_424 = arith.index_cast %scan3A_414 : i32 to index
      %swap3A_425 = arith.constant 32 : index
      %swap3A_426 = tpu.vector_load %arg9[%swap3A_424, %swap3A_425] {strides = array<i32>} : memref<128x128xf32, #tpu.memory_space<vmem>>, vector<1x16xf32>,
      %swap3A_427 = vector.shape_cast %swap3A_426 : vector<1x16xf32> to vector<16xf32>
      %swap3A_428 = vector.shape_cast %broadcast_in_dim3A_3 : vector<16xf32> to vector<1x16xf32>
      tpu.vector_store %arg9[%swap3A_424, %swap3A_425], %swap3A_428 {strides = array<i32>} : memref<128x128xf32, #tpu.memory_space<vmem>>, vector<1x16xf32>,
      %swap3A_429 = arith.index_cast %scan3A_414 : i32 to index
      %swap3A_430 = arith.constant 48 : index
      %swap3A_431 = tpu.vector_load %arg9[%swap3A_429, %swap3A_430] {strides = array<i32>} : memref<128x128xf32, #tpu.memory_space<vmem>>, vector<1x16xf32>,
      %swap3A_432 = vector.shape_cast %swap3A_431 : vector<1x16xf32> to vector<16xf32>
      %swap3A_433 = vector.shape_cast %broadcast_in_dim3A_3 : vector<16xf32> to vector<1x16xf32>
      tpu.vector_store %arg9[%swap3A_429, %swap3A_430], %swap3A_433 {strides = array<i32>} : memref<128x128xf32, #tpu.memory_space<vmem>>, vector<1x16xf32>,
      %swap3A_434 = arith.index_cast %scan3A_414 : i32 to index
      %swap3A_435 = arith.constant 64 : index
      %swap3A_436 = tpu.vector_load %arg9[%swap3A_434, %swap3A_435] {strides = array<i32>} : memref<128x128xf32, #tpu.memory_space<vmem>>, vector<1x16xf32>,
      %swap3A_437 = vector.shape_cast %swap3A_436 : vector<1x16xf32> to vector<16xf32>
      %swap3A_438 = vector.shape_cast %broadcast_in_dim3A_3 : vector<16xf32> to vector<1x16xf32>
      tpu.vector_store %arg9[%swap3A_434, %swap3A_435], %swap3A_438 {strides = array<i32>} : memref<128x128xf32, #tpu.memory_space<vmem>>, vector<1x16xf32>,
      %swap3A_439 = arith.index_cast %scan3A_414 : i32 to index
      %swap3A_440 = arith.constant 80 : index
      %swap3A_441 = tpu.vector_load %arg9[%swap3A_439, %swap3A_440] {strides = array<i32>} : memref<128x128xf32, #tpu.memory_space<vmem>>, vector<1x16xf32>,
      %swap3A_442 = vector.shape_cast %swap3A_441 : vector<1x16xf32> to vector<16xf32>
      %swap3A_443 = vector.shape_cast %broadcast_in_dim3A_3 : vector<16xf32> to vector<1x16xf32>
      tpu.vector_store %arg9[%swap3A_439, %swap3A_440], %swap3A_443 {strides = array<i32>} : memref<128x128xf32, #tpu.memory_space<vmem>>, vector<1x16xf32>,
      %swap3A_444 = arith.index_cast %scan3A_414 : i32 to index
      %swap3A_445 = arith.constant 96 : index
      %swap3A_446 = tpu.vector_load %arg9[%swap3A_444, %swap3A_445] {strides = array<i32>} : memref<128x128xf32, #tpu.memory_space<vmem>>, vector<1x16xf32>,
      %swap3A_447 = vector.shape_cast %swap3A_446 : vector<1x16xf32> to vector<16xf32>
      %swap3A_448 = vector.shape_cast %broadcast_in_dim3A_3 : vector<16xf32> to vector<1x16xf32>
      tpu.vector_store %arg9[%swap3A_444, %swap3A_445], %swap3A_448 {strides = array<i32>} : memref<128x128xf32, #tpu.memory_space<vmem>>, vector<1x16xf32>,
      %swap3A_449 = arith.index_cast %scan3A_414 : i32 to index
      %swap3A_450 = arith.constant 112 : index
      %swap3A_451 = tpu.vector_load %arg9[%swap3A_449, %swap3A_450] {strides = array<i32>} : memref<128x128xf32, #tpu.memory_space<vmem>>, vector<1x16xf32>,
      %swap3A_452 = vector.shape_cast %swap3A_451 : vector<1x16xf32> to vector<16xf32>
      %swap3A_453 = vector.shape_cast %broadcast_in_dim3A_3 : vector<16xf32> to vector<1x16xf32>
      tpu.vector_store %arg9[%swap3A_449, %swap3A_450], %swap3A_453 {strides = array<i32>} : memref<128x128xf32, #tpu.memory_space<vmem>>, vector<1x16xf32>,
      %scan3A_454 = arith.constant 1 : i32
      %scan3A_455 = arith.addi %scan3A_414, %scan3A_454 : i32
      %swap3A_456 = arith.index_cast %scan3A_455 : i32 to index
      %swap3A_457 = arith.constant 0 : index
      %swap3A_458 = tpu.vector_load %arg9[%swap3A_456, %swap3A_457] {strides = array<i32>} : memref<128x128xf32, #tpu.memory_space<vmem>>, vector<1x16xf32>,
      %swap3A_459 = vector.shape_cast %swap3A_458 : vector<1x16xf32> to vector<16xf32>
      %swap3A_460 = vector.shape_cast %broadcast_in_dim3A_3 : vector<16xf32> to vector<1x16xf32>
      tpu.vector_store %arg9[%swap3A_456, %swap3A_457], %swap3A_460 {strides = array<i32>} : memref<128x128xf32, #tpu.memory_space<vmem>>, vector<1x16xf32>,
      %swap3A_461 = arith.index_cast %scan3A_455 : i32 to index
      %swap3A_462 = arith.constant 16 : index
      %swap3A_463 = tpu.vector_load %arg9[%swap3A_461, %swap3A_462] {strides = array<i32>} : memref<128x128xf32, #tpu.memory_space<vmem>>, vector<1x16xf32>,
      %swap3A_464 = vector.shape_cast %swap3A_463 : vector<1x16xf32> to vector<16xf32>
      %swap3A_465 = vector.shape_cast %broadcast_in_dim3A_3 : vector<16xf32> to vector<1x16xf32>
      tpu.vector_store %arg9[%swap3A_461, %swap3A_462], %swap3A_465 {strides = array<i32>} : memref<128x128xf32, #tpu.memory_space<vmem>>, vector<1x16xf32>,
      %swap3A_466 = arith.index_cast %scan3A_455 : i32 to index
      %swap3A_467 = arith.constant 32 : index
      %swap3A_468 = tpu.vector_load %arg9[%swap3A_466, %swap3A_467] {strides = array<i32>} : memref<128x128xf32, #tpu.memory_space<vmem>>, vector<1x16xf32>,
      %swap3A_469 = vector.shape_cast %swap3A_468 : vector<1x16xf32> to vector<16xf32>
      %swap3A_470 = vector.shape_cast %broadcast_in_dim3A_3 : vector<16xf32> to vector<1x16xf32>
      tpu.vector_store %arg9[%swap3A_466, %swap3A_467], %swap3A_470 {strides = array<i32>} : memref<128x128xf32, #tpu.memory_space<vmem>>, vector<1x16xf32>,
      %swap3A_471 = arith.index_cast %scan3A_455 : i32 to index
      %swap3A_472 = arith.constant 48 : index
      %swap3A_473 = tpu.vector_load %arg9[%swap3A_471, %swap3A_472] {strides = array<i32>} : memref<128x128xf32, #tpu.memory_space<vmem>>, vector<1x16xf32>,
      %swap3A_474 = vector.shape_cast %swap3A_473 : vector<1x16xf32> to vector<16xf32>
      %swap3A_475 = vector.shape_cast %broadcast_in_dim3A_3 : vector<16xf32> to vector<1x16xf32>
      tpu.vector_store %arg9[%swap3A_471, %swap3A_472], %swap3A_475 {strides = array<i32>} : memref<128x128xf32, #tpu.memory_space<vmem>>, vector<1x16xf32>,
      %swap3A_476 = arith.index_cast %scan3A_455 : i32 to index
      %swap3A_477 = arith.constant 64 : index
      %swap3A_478 = tpu.vector_load %arg9[%swap3A_476, %swap3A_477] {strides = array<i32>} : memref<128x128xf32, #tpu.memory_space<vmem>>, vector<1x16xf32>,
      %swap3A_479 = vector.shape_cast %swap3A_478 : vector<1x16xf32> to vector<16xf32>
      %swap3A_480 = vector.shape_cast %broadcast_in_dim3A_3 : vector<16xf32> to vector<1x16xf32>
      tpu.vector_store %arg9[%swap3A_476, %swap3A_477], %swap3A_480 {strides = array<i32>} : memref<128x128xf32, #tpu.memory_space<vmem>>, vector<1x16xf32>,
      %swap3A_481 = arith.index_cast %scan3A_455 : i32 to index
      %swap3A_482 = arith.constant 80 : index
      %swap3A_483 = tpu.vector_load %arg9[%swap3A_481, %swap3A_482] {strides = array<i32>} : memref<128x128xf32, #tpu.memory_space<vmem>>, vector<1x16xf32>,
      %swap3A_484 = vector.shape_cast %swap3A_483 : vector<1x16xf32> to vector<16xf32>
      %swap3A_485 = vector.shape_cast %broadcast_in_dim3A_3 : vector<16xf32> to vector<1x16xf32>
      tpu.vector_store %arg9[%swap3A_481, %swap3A_482], %swap3A_485 {strides = array<i32>} : memref<128x128xf32, #tpu.memory_space<vmem>>, vector<1x16xf32>,
      %swap3A_486 = arith.index_cast %scan3A_455 : i32 to index
      %swap3A_487 = arith.constant 96 : index
      %swap3A_488 = tpu.vector_load %arg9[%swap3A_486, %swap3A_487] {strides = array<i32>} : memref<128x128xf32, #tpu.memory_space<vmem>>, vector<1x16xf32>,
      %swap3A_489 = vector.shape_cast %swap3A_488 : vector<1x16xf32> to vector<16xf32>
      %swap3A_490 = vector.shape_cast %broadcast_in_dim3A_3 : vector<16xf32> to vector<1x16xf32>
      tpu.vector_store %arg9[%swap3A_486, %swap3A_487], %swap3A_490 {strides = array<i32>} : memref<128x128xf32, #tpu.memory_space<vmem>>, vector<1x16xf32>,
      %swap3A_491 = arith.index_cast %scan3A_455 : i32 to index
      %swap3A_492 = arith.constant 112 : index
      %swap3A_493 = tpu.vector_load %arg9[%swap3A_491, %swap3A_492] {strides = array<i32>} : memref<128x128xf32, #tpu.memory_space<vmem>>, vector<1x16xf32>,
      %swap3A_494 = vector.shape_cast %swap3A_493 : vector<1x16xf32> to vector<16xf32>
      %swap3A_495 = vector.shape_cast %broadcast_in_dim3A_3 : vector<16xf32> to vector<1x16xf32>
      tpu.vector_store %arg9[%swap3A_491, %swap3A_492], %swap3A_495 {strides = array<i32>} : memref<128x128xf32, #tpu.memory_space<vmem>>, vector<1x16xf32>,
      %scan3A_496 = arith.constant 2 : i32
      %scan3A_497 = arith.addi %scan3A_414, %scan3A_496 : i32
      %swap3A_498 = arith.index_cast %scan3A_497 : i32 to index
      %swap3A_499 = arith.constant 0 : index
      %swap3A_500 = tpu.vector_load %arg9[%swap3A_498, %swap3A_499] {strides = array<i32>} : memref<128x128xf32, #tpu.memory_space<vmem>>, vector<1x16xf32>,
      %swap3A_501 = vector.shape_cast %swap3A_500 : vector<1x16xf32> to vector<16xf32>
      %swap3A_502 = vector.shape_cast %broadcast_in_dim3A_3 : vector<16xf32> to vector<1x16xf32>
      tpu.vector_store %arg9[%swap3A_498, %swap3A_499], %swap3A_502 {strides = array<i32>} : memref<128x128xf32, #tpu.memory_space<vmem>>, vector<1x16xf32>,
      %swap3A_503 = arith.index_cast %scan3A_497 : i32 to index
      %swap3A_504 = arith.constant 16 : index
      %swap3A_505 = tpu.vector_load %arg9[%swap3A_503, %swap3A_504] {strides = array<i32>} : memref<128x128xf32, #tpu.memory_space<vmem>>, vector<1x16xf32>,
      %swap3A_506 = vector.shape_cast %swap3A_505 : vector<1x16xf32> to vector<16xf32>
      %swap3A_507 = vector.shape_cast %broadcast_in_dim3A_3 : vector<16xf32> to vector<1x16xf32>
      tpu.vector_store %arg9[%swap3A_503, %swap3A_504], %swap3A_507 {strides = array<i32>} : memref<128x128xf32, #tpu.memory_space<vmem>>, vector<1x16xf32>,
      %swap3A_508 = arith.index_cast %scan3A_497 : i32 to index
      %swap3A_509 = arith.constant 32 : index
      %swap3A_510 = tpu.vector_load %arg9[%swap3A_508, %swap3A_509] {strides = array<i32>} : memref<128x128xf32, #tpu.memory_space<vmem>>, vector<1x16xf32>,
      %swap3A_511 = vector.shape_cast %swap3A_510 : vector<1x16xf32> to vector<16xf32>
      %swap3A_512 = vector.shape_cast %broadcast_in_dim3A_3 : vector<16xf32> to vector<1x16xf32>
      tpu.vector_store %arg9[%swap3A_508, %swap3A_509], %swap3A_512 {strides = array<i32>} : memref<128x128xf32, #tpu.memory_space<vmem>>, vector<1x16xf32>,
      %swap3A_513 = arith.index_cast %scan3A_497 : i32 to index
      %swap3A_514 = arith.constant 48 : index
      %swap3A_515 = tpu.vector_load %arg9[%swap3A_513, %swap3A_514] {strides = array<i32>} : memref<128x128xf32, #tpu.memory_space<vmem>>, vector<1x16xf32>,
      %swap3A_516 = vector.shape_cast %swap3A_515 : vector<1x16xf32> to vector<16xf32>
      %swap3A_517 = vector.shape_cast %broadcast_in_dim3A_3 : vector<16xf32> to vector<1x16xf32>
      tpu.vector_store %arg9[%swap3A_513, %swap3A_514], %swap3A_517 {strides = array<i32>} : memref<128x128xf32, #tpu.memory_space<vmem>>, vector<1x16xf32>,
      %swap3A_518 = arith.index_cast %scan3A_497 : i32 to index
      %swap3A_519 = arith.constant 64 : index
      %swap3A_520 = tpu.vector_load %arg9[%swap3A_518, %swap3A_519] {strides = array<i32>} : memref<128x128xf32, #tpu.memory_space<vmem>>, vector<1x16xf32>,
      %swap3A_521 = vector.shape_cast %swap3A_520 : vector<1x16xf32> to vector<16xf32>
      %swap3A_522 = vector.shape_cast %broadcast_in_dim3A_3 : vector<16xf32> to vector<1x16xf32>
      tpu.vector_store %arg9[%swap3A_518, %swap3A_519], %swap3A_522 {strides = array<i32>} : memref<128x128xf32, #tpu.memory_space<vmem>>, vector<1x16xf32>,
      %swap3A_523 = arith.index_cast %scan3A_497 : i32 to index
      %swap3A_524 = arith.constant 80 : index
      %swap3A_525 = tpu.vector_load %arg9[%swap3A_523, %swap3A_524] {strides = array<i32>} : memref<128x128xf32, #tpu.memory_space<vmem>>, vector<1x16xf32>,
      %swap3A_526 = vector.shape_cast %swap3A_525 : vector<1x16xf32> to vector<16xf32>
      %swap3A_527 = vector.shape_cast %broadcast_in_dim3A_3 : vector<16xf32> to vector<1x16xf32>
      tpu.vector_store %arg9[%swap3A_523, %swap3A_524], %swap3A_527 {strides = array<i32>} : memref<128x128xf32, #tpu.memory_space<vmem>>, vector<1x16xf32>,
      %swap3A_528 = arith.index_cast %scan3A_497 : i32 to index
      %swap3A_529 = arith.constant 96 : index
      %swap3A_530 = tpu.vector_load %arg9[%swap3A_528, %swap3A_529] {strides = array<i32>} : memref<128x128xf32, #tpu.memory_space<vmem>>, vector<1x16xf32>,
      %swap3A_531 = vector.shape_cast %swap3A_530 : vector<1x16xf32> to vector<16xf32>
      %swap3A_532 = vector.shape_cast %broadcast_in_dim3A_3 : vector<16xf32> to vector<1x16xf32>
      tpu.vector_store %arg9[%swap3A_528, %swap3A_529], %swap3A_532 {strides = array<i32>} : memref<128x128xf32, #tpu.memory_space<vmem>>, vector<1x16xf32>,
      %swap3A_533 = arith.index_cast %scan3A_497 : i32 to index
      %swap3A_534 = arith.constant 112 : index
      %swap3A_535 = tpu.vector_load %arg9[%swap3A_533, %swap3A_534] {strides = array<i32>} : memref<128x128xf32, #tpu.memory_space<vmem>>, vector<1x16xf32>,
      %swap3A_536 = vector.shape_cast %swap3A_535 : vector<1x16xf32> to vector<16xf32>
      %swap3A_537 = vector.shape_cast %broadcast_in_dim3A_3 : vector<16xf32> to vector<1x16xf32>
      tpu.vector_store %arg9[%swap3A_533, %swap3A_534], %swap3A_537 {strides = array<i32>} : memref<128x128xf32, #tpu.memory_space<vmem>>, vector<1x16xf32>,
      %scan3A_538 = arith.constant 3 : i32
      %scan3A_539 = arith.addi %scan3A_414, %scan3A_538 : i32
      %swap3A_540 = arith.index_cast %scan3A_539 : i32 to index
      %swap3A_541 = arith.constant 0 : index
      %swap3A_542 = tpu.vector_load %arg9[%swap3A_540, %swap3A_541] {strides = array<i32>} : memref<128x128xf32, #tpu.memory_space<vmem>>, vector<1x16xf32>,
      %swap3A_543 = vector.shape_cast %swap3A_542 : vector<1x16xf32> to vector<16xf32>
      %swap3A_544 = vector.shape_cast %broadcast_in_dim3A_3 : vector<16xf32> to vector<1x16xf32>
      tpu.vector_store %arg9[%swap3A_540, %swap3A_541], %swap3A_544 {strides = array<i32>} : memref<128x128xf32, #tpu.memory_space<vmem>>, vector<1x16xf32>,
      %swap3A_545 = arith.index_cast %scan3A_539 : i32 to index
      %swap3A_546 = arith.constant 16 : index
      %swap3A_547 = tpu.vector_load %arg9[%swap3A_545, %swap3A_546] {strides = array<i32>} : memref<128x128xf32, #tpu.memory_space<vmem>>, vector<1x16xf32>,
      %swap3A_548 = vector.shape_cast %swap3A_547 : vector<1x16xf32> to vector<16xf32>
      %swap3A_549 = vector.shape_cast %broadcast_in_dim3A_3 : vector<16xf32> to vector<1x16xf32>
      tpu.vector_store %arg9[%swap3A_545, %swap3A_546], %swap3A_549 {strides = array<i32>} : memref<128x128xf32, #tpu.memory_space<vmem>>, vector<1x16xf32>,
      %swap3A_550 = arith.index_cast %scan3A_539 : i32 to index
      %swap3A_551 = arith.constant 32 : index
      %swap3A_552 = tpu.vector_load %arg9[%swap3A_550, %swap3A_551] {strides = array<i32>} : memref<128x128xf32, #tpu.memory_space<vmem>>, vector<1x16xf32>,
      %swap3A_553 = vector.shape_cast %swap3A_552 : vector<1x16xf32> to vector<16xf32>
      %swap3A_554 = vector.shape_cast %broadcast_in_dim3A_3 : vector<16xf32> to vector<1x16xf32>
      tpu.vector_store %arg9[%swap3A_550, %swap3A_551], %swap3A_554 {strides = array<i32>} : memref<128x128xf32, #tpu.memory_space<vmem>>, vector<1x16xf32>,
      %swap3A_555 = arith.index_cast %scan3A_539 : i32 to index
      %swap3A_556 = arith.constant 48 : index
      %swap3A_557 = tpu.vector_load %arg9[%swap3A_555, %swap3A_556] {strides = array<i32>} : memref<128x128xf32, #tpu.memory_space<vmem>>, vector<1x16xf32>,
      %swap3A_558 = vector.shape_cast %swap3A_557 : vector<1x16xf32> to vector<16xf32>
      %swap3A_559 = vector.shape_cast %broadcast_in_dim3A_3 : vector<16xf32> to vector<1x16xf32>
      tpu.vector_store %arg9[%swap3A_555, %swap3A_556], %swap3A_559 {strides = array<i32>} : memref<128x128xf32, #tpu.memory_space<vmem>>, vector<1x16xf32>,
      %swap3A_560 = arith.index_cast %scan3A_539 : i32 to index
      %swap3A_561 = arith.constant 64 : index
      %swap3A_562 = tpu.vector_load %arg9[%swap3A_560, %swap3A_561] {strides = array<i32>} : memref<128x128xf32, #tpu.memory_space<vmem>>, vector<1x16xf32>,
      %swap3A_563 = vector.shape_cast %swap3A_562 : vector<1x16xf32> to vector<16xf32>
      %swap3A_564 = vector.shape_cast %broadcast_in_dim3A_3 : vector<16xf32> to vector<1x16xf32>
      tpu.vector_store %arg9[%swap3A_560, %swap3A_561], %swap3A_564 {strides = array<i32>} : memref<128x128xf32, #tpu.memory_space<vmem>>, vector<1x16xf32>,
      %swap3A_565 = arith.index_cast %scan3A_539 : i32 to index
      %swap3A_566 = arith.constant 80 : index
      %swap3A_567 = tpu.vector_load %arg9[%swap3A_565, %swap3A_566] {strides = array<i32>} : memref<128x128xf32, #tpu.memory_space<vmem>>, vector<1x16xf32>,
      %swap3A_568 = vector.shape_cast %swap3A_567 : vector<1x16xf32> to vector<16xf32>
      %swap3A_569 = vector.shape_cast %broadcast_in_dim3A_3 : vector<16xf32> to vector<1x16xf32>
      tpu.vector_store %arg9[%swap3A_565, %swap3A_566], %swap3A_569 {strides = array<i32>} : memref<128x128xf32, #tpu.memory_space<vmem>>, vector<1x16xf32>,
      %swap3A_570 = arith.index_cast %scan3A_539 : i32 to index
      %swap3A_571 = arith.constant 96 : index
      %swap3A_572 = tpu.vector_load %arg9[%swap3A_570, %swap3A_571] {strides = array<i32>} : memref<128x128xf32, #tpu.memory_space<vmem>>, vector<1x16xf32>,
      %swap3A_573 = vector.shape_cast %swap3A_572 : vector<1x16xf32> to vector<16xf32>
      %swap3A_574 = vector.shape_cast %broadcast_in_dim3A_3 : vector<16xf32> to vector<1x16xf32>
      tpu.vector_store %arg9[%swap3A_570, %swap3A_571], %swap3A_574 {strides = array<i32>} : memref<128x128xf32, #tpu.memory_space<vmem>>, vector<1x16xf32>,
      %swap3A_575 = arith.index_cast %scan3A_539 : i32 to index
      %swap3A_576 = arith.constant 112 : index
      %swap3A_577 = tpu.vector_load %arg9[%swap3A_575, %swap3A_576] {strides = array<i32>} : memref<128x128xf32, #tpu.memory_space<vmem>>, vector<1x16xf32>,
      %swap3A_578 = vector.shape_cast %swap3A_577 : vector<1x16xf32> to vector<16xf32>
      %swap3A_579 = vector.shape_cast %broadcast_in_dim3A_3 : vector<16xf32> to vector<1x16xf32>
      tpu.vector_store %arg9[%swap3A_575, %swap3A_576], %swap3A_579 {strides = array<i32>} : memref<128x128xf32, #tpu.memory_space<vmem>>, vector<1x16xf32>,
    }
    %scan3A_20 = arith.constant 128 : i32
    %dma_wait3A = arith.constant 0 : i32
    %dma_wait3A_21 = tpu.memref_slice %arg6[%multiple_of3A, %dma_wait3A] : memref<10000x128xf32, #tpu.memory_space<vmem_shared>> -> memref<632x128xf32, #tpu.memory_space<vmem_shared>>
    %dma_wait3A_22 = arith.constant 0 : i32
    %dma_wait3A_23 = tpu.memref_slice %arg3[%multiple_of3A, %dma_wait3A_22] : memref<10000x128xf32, #tpu.memory_space<hbm>> -> memref<632x128xf32, #tpu.memory_space<hbm>>
    tpu.wait_dma2 semaphore(%arg14 : memref<!tpu.dma_semaphore, #tpu.memory_space<semaphore_mem>>) src(%dma_wait3A_23 : memref<632x128xf32, #tpu.memory_space<hbm>>) dst(%dma_wait3A_21 : memref<632x128xf32, #tpu.memory_space<vmem_shared>>)
    %barrier3A = arith.constant 0 : index
    tpu.barrier barrier_id(%barrier3A)
    %scan3A_24 = arith.constant 0 : i32
    %scan3A_25 = arith.constant 0 : i32
    %scan3A_26 = arith.constant 32 : i32
    %scan3A_27 = arith.addi %scan3A_25, %scan3A_26 : i32
    %scan3A_28 = arith.constant 1 : i32
    scf.for %scan3A_414 = %scan3A_25 to %scan3A_27 step %scan3A_28  : i32 {
      %dma_start3A_415 = arith.constant 0 : i32
      %dma_start3A_416 = arith.constant 0 : i32
      %dma_start3A_417 = arith.constant 0 : i32
      %dma_start3A_418 = tpu.memref_slice %arg8[%dma_start3A_416, %dma_start3A_417] : memref<128x128xf32, #tpu.memory_space<vmem>> -> memref<128x128xf32, #tpu.memory_space<vmem>>
      %dma_start3A_419 = arith.constant 0 : i32
      %dma_start3A_420 = tpu.memref_slice %arg7[%dma_start3A_415, %scan3A_414, %dma_start3A_419] : memref<3x32x128xi32, #tpu.memory_space<vmem>> -> memref<1x1x128xi32, #tpu.memory_space<vmem>>
      %dma_start3A_421 = tpu.memref_squeeze %dma_start3A_420 : memref<1x1x128xi32, #tpu.memory_space<vmem>> -> memref<128xi32, #tpu.memory_space<vmem>>
      %dma_start3A_422 = arith.constant 0 : i32
      %dma_start3A_423 = arith.constant 0 : i32
      %dma_start3A_424 = tpu.memref_slice %arg6[%dma_start3A_422, %dma_start3A_423] : memref<10000x128xf32, #tpu.memory_space<vmem_shared>> -> memref<10000x128xf32, #tpu.memory_space<vmem_shared>>
      tpu.enqueue_indirect_dma source(%dma_start3A_424 : memref<10000x128xf32, #tpu.memory_space<vmem_shared>>) target(%dma_start3A_418 : memref<128x128xf32, #tpu.memory_space<vmem>>) offsets(%dma_start3A_421 : memref<128xi32, #tpu.memory_space<vmem>>) semaphore(%arg10 : memref<!tpu.dma_semaphore, #tpu.memory_space<semaphore_mem>>) {add = true}
      %ge3A = arith.constant 8 : i32
      %ge3A_425 = arith.cmpi sge, %scan3A_414, %ge3A : i32
      %convert_element_type3A_426 = arith.extui %ge3A_425 : i1 to i32
      %cond3A_427 = arith.constant 0 : i32
      %cond3A_428 = arith.cmpi ne, %convert_element_type3A_426, %cond3A_427 : i32
      scf.if %cond3A_428 {
        %dma_wait3A_429 = arith.constant 0 : i32
        %dma_wait3A_430 = arith.constant 0 : i32
        %dma_wait3A_431 = tpu.memref_slice %arg8[%dma_wait3A_429, %dma_wait3A_430] : memref<128x128xf32, #tpu.memory_space<vmem>> -> memref<128x128xf32, #tpu.memory_space<vmem>>
        %dma_wait3A_432 = arith.constant 0 : i32
        %dma_wait3A_433 = arith.constant 0 : i32
        %dma_wait3A_434 = tpu.memref_slice %arg3[%dma_wait3A_432, %dma_wait3A_433] : memref<10000x128xf32, #tpu.memory_space<hbm>> -> memref<128x128xf32, #tpu.memory_space<hbm>>
        %dma_wait3A_435 = arith.constant 0 : i32
        %dma_wait3A_436 = arith.constant 0 : i32
        %dma_wait3A_437 = tpu.memref_slice %arg8[%dma_wait3A_435, %dma_wait3A_436] : memref<128x128xf32, #tpu.memory_space<vmem>> -> memref<128x128xf32, #tpu.memory_space<vmem>>
        %dma_wait3A_438 = arith.constant 0 : i32
        %dma_wait3A_439 = arith.constant 0 : i32
        %dma_wait3A_440 = tpu.memref_slice %arg3[%dma_wait3A_438, %dma_wait3A_439] : memref<10000x128xf32, #tpu.memory_space<hbm>> -> memref<128x128xf32, #tpu.memory_space<hbm>>
        tpu.wait_dma2 semaphore(%arg10 : memref<!tpu.dma_semaphore, #tpu.memory_space<semaphore_mem>>) src(%dma_wait3A_440 : memref<128x128xf32, #tpu.memory_space<hbm>>) dst(%dma_wait3A_437 : memref<128x128xf32, #tpu.memory_space<vmem>>)
      } else {
      }
    }
    %scan3A_29 = arith.constant 32 : i32
    %scan3A_30 = arith.constant 0 : i32
    %scan3A_31 = arith.constant 0 : i32
    %scan3A_32 = arith.constant 32 : i32
    %scan3A_33 = arith.addi %scan3A_31, %scan3A_32 : i32
    %scan3A_34 = arith.constant 1 : i32
    scf.for %scan3A_414 = %scan3A_31 to %scan3A_33 step %scan3A_34  : i32 {
      %dma_start3A_415 = arith.constant 1 : i32
      %dma_start3A_416 = arith.constant 0 : i32
      %dma_start3A_417 = arith.constant 0 : i32
      %dma_start3A_418 = tpu.memref_slice %arg9[%dma_start3A_416, %dma_start3A_417] : memref<128x128xf32, #tpu.memory_space<vmem>> -> memref<128x128xf32, #tpu.memory_space<vmem>>
      %dma_start3A_419 = arith.constant 0 : i32
      %dma_start3A_420 = tpu.memref_slice %arg7[%dma_start3A_415, %scan3A_414, %dma_start3A_419] : memref<3x32x128xi32, #tpu.memory_space<vmem>> -> memref<1x1x128xi32, #tpu.memory_space<vmem>>
      %dma_start3A_421 = tpu.memref_squeeze %dma_start3A_420 : memref<1x1x128xi32, #tpu.memory_space<vmem>> -> memref<128xi32, #tpu.memory_space<vmem>>
      %dma_start3A_422 = arith.constant 0 : i32
      %dma_start3A_423 = arith.constant 0 : i32
      %dma_start3A_424 = tpu.memref_slice %arg6[%dma_start3A_422, %dma_start3A_423] : memref<10000x128xf32, #tpu.memory_space<vmem_shared>> -> memref<10000x128xf32, #tpu.memory_space<vmem_shared>>
      tpu.enqueue_indirect_dma source(%dma_start3A_424 : memref<10000x128xf32, #tpu.memory_space<vmem_shared>>) target(%dma_start3A_418 : memref<128x128xf32, #tpu.memory_space<vmem>>) offsets(%dma_start3A_421 : memref<128xi32, #tpu.memory_space<vmem>>) semaphore(%arg11 : memref<!tpu.dma_semaphore, #tpu.memory_space<semaphore_mem>>) {add = true}
      %ge3A = arith.constant 8 : i32
      %ge3A_425 = arith.cmpi sge, %scan3A_414, %ge3A : i32
      %convert_element_type3A_426 = arith.extui %ge3A_425 : i1 to i32
      %cond3A_427 = arith.constant 0 : i32
      %cond3A_428 = arith.cmpi ne, %convert_element_type3A_426, %cond3A_427 : i32
      scf.if %cond3A_428 {
        %dma_wait3A_429 = arith.constant 0 : i32
        %dma_wait3A_430 = arith.constant 0 : i32
        %dma_wait3A_431 = tpu.memref_slice %arg9[%dma_wait3A_429, %dma_wait3A_430] : memref<128x128xf32, #tpu.memory_space<vmem>> -> memref<128x128xf32, #tpu.memory_space<vmem>>
        %dma_wait3A_432 = arith.constant 0 : i32
        %dma_wait3A_433 = arith.constant 0 : i32
        %dma_wait3A_434 = tpu.memref_slice %arg3[%dma_wait3A_432, %dma_wait3A_433] : memref<10000x128xf32, #tpu.memory_space<hbm>> -> memref<128x128xf32, #tpu.memory_space<hbm>>
        %dma_wait3A_435 = arith.constant 0 : i32
        %dma_wait3A_436 = arith.constant 0 : i32
        %dma_wait3A_437 = tpu.memref_slice %arg9[%dma_wait3A_435, %dma_wait3A_436] : memref<128x128xf32, #tpu.memory_space<vmem>> -> memref<128x128xf32, #tpu.memory_space<vmem>>
        %dma_wait3A_438 = arith.constant 0 : i32
        %dma_wait3A_439 = arith.constant 0 : i32
        %dma_wait3A_440 = tpu.memref_slice %arg3[%dma_wait3A_438, %dma_wait3A_439] : memref<10000x128xf32, #tpu.memory_space<hbm>> -> memref<128x128xf32, #tpu.memory_space<hbm>>
        tpu.wait_dma2 semaphore(%arg11 : memref<!tpu.dma_semaphore, #tpu.memory_space<semaphore_mem>>) src(%dma_wait3A_440 : memref<128x128xf32, #tpu.memory_space<hbm>>) dst(%dma_wait3A_437 : memref<128x128xf32, #tpu.memory_space<vmem>>)
      } else {
      }
    }
    %scan3A_35 = arith.constant 32 : i32
    %dma_wait3A_36 = arith.constant 0 : i32
    %dma_wait3A_37 = arith.constant 0 : i32
    %dma_wait3A_38 = tpu.memref_slice %arg8[%dma_wait3A_36, %dma_wait3A_37] : memref<128x128xf32, #tpu.memory_space<vmem>> -> memref<128x128xf32, #tpu.memory_space<vmem>>
    %dma_wait3A_39 = arith.constant 0 : i32
    %dma_wait3A_40 = arith.constant 0 : i32
    %dma_wait3A_41 = tpu.memref_slice %arg3[%dma_wait3A_39, %dma_wait3A_40] : memref<10000x128xf32, #tpu.memory_space<hbm>> -> memref<128x128xf32, #tpu.memory_space<hbm>>
    %dma_wait3A_42 = arith.constant 0 : i32
    %dma_wait3A_43 = arith.constant 0 : i32
    %dma_wait3A_44 = tpu.memref_slice %arg8[%dma_wait3A_42, %dma_wait3A_43] : memref<128x128xf32, #tpu.memory_space<vmem>> -> memref<128x128xf32, #tpu.memory_space<vmem>>
    %dma_wait3A_45 = arith.constant 0 : i32
    %dma_wait3A_46 = arith.constant 0 : i32
    %dma_wait3A_47 = tpu.memref_slice %arg3[%dma_wait3A_45, %dma_wait3A_46] : memref<10000x128xf32, #tpu.memory_space<hbm>> -> memref<128x128xf32, #tpu.memory_space<hbm>>
    tpu.wait_dma2 semaphore(%arg10 : memref<!tpu.dma_semaphore, #tpu.memory_space<semaphore_mem>>) src(%dma_wait3A_47 : memref<128x128xf32, #tpu.memory_space<hbm>>) dst(%dma_wait3A_44 : memref<128x128xf32, #tpu.memory_space<vmem>>)
    %dma_wait3A_48 = arith.constant 0 : i32
    %dma_wait3A_49 = arith.constant 0 : i32
    %dma_wait3A_50 = tpu.memref_slice %arg8[%dma_wait3A_48, %dma_wait3A_49] : memref<128x128xf32, #tpu.memory_space<vmem>> -> memref<128x128xf32, #tpu.memory_space<vmem>>
    %dma_wait3A_51 = arith.constant 0 : i32
    %dma_wait3A_52 = arith.constant 0 : i32
    %dma_wait3A_53 = tpu.memref_slice %arg3[%dma_wait3A_51, %dma_wait3A_52] : memref<10000x128xf32, #tpu.memory_space<hbm>> -> memref<128x128xf32, #tpu.memory_space<hbm>>
    %dma_wait3A_54 = arith.constant 0 : i32
    %dma_wait3A_55 = arith.constant 0 : i32
    %dma_wait3A_56 = tpu.memref_slice %arg8[%dma_wait3A_54, %dma_wait3A_55] : memref<128x128xf32, #tpu.memory_space<vmem>> -> memref<128x128xf32, #tpu.memory_space<vmem>>
    %dma_wait3A_57 = arith.constant 0 : i32
    %dma_wait3A_58 = arith.constant 0 : i32
    %dma_wait3A_59 = tpu.memref_slice %arg3[%dma_wait3A_57, %dma_wait3A_58] : memref<10000x128xf32, #tpu.memory_space<hbm>> -> memref<128x128xf32, #tpu.memory_space<hbm>>
    tpu.wait_dma2 semaphore(%arg10 : memref<!tpu.dma_semaphore, #tpu.memory_space<semaphore_mem>>) src(%dma_wait3A_59 : memref<128x128xf32, #tpu.memory_space<hbm>>) dst(%dma_wait3A_56 : memref<128x128xf32, #tpu.memory_space<vmem>>)
    %dma_wait3A_60 = arith.constant 0 : i32
    %dma_wait3A_61 = arith.constant 0 : i32
    %dma_wait3A_62 = tpu.memref_slice %arg8[%dma_wait3A_60, %dma_wait3A_61] : memref<128x128xf32, #tpu.memory_space<vmem>> -> memref<128x128xf32, #tpu.memory_space<vmem>>
    %dma_wait3A_63 = arith.constant 0 : i32
    %dma_wait3A_64 = arith.constant 0 : i32
    %dma_wait3A_65 = tpu.memref_slice %arg3[%dma_wait3A_63, %dma_wait3A_64] : memref<10000x128xf32, #tpu.memory_space<hbm>> -> memref<128x128xf32, #tpu.memory_space<hbm>>
    %dma_wait3A_66 = arith.constant 0 : i32
    %dma_wait3A_67 = arith.constant 0 : i32
    %dma_wait3A_68 = tpu.memref_slice %arg8[%dma_wait3A_66, %dma_wait3A_67] : memref<128x128xf32, #tpu.memory_space<vmem>> -> memref<128x128xf32, #tpu.memory_space<vmem>>
    %dma_wait3A_69 = arith.constant 0 : i32
    %dma_wait3A_70 = arith.constant 0 : i32
    %dma_wait3A_71 = tpu.memref_slice %arg3[%dma_wait3A_69, %dma_wait3A_70] : memref<10000x128xf32, #tpu.memory_space<hbm>> -> memref<128x128xf32, #tpu.memory_space<hbm>>
    tpu.wait_dma2 semaphore(%arg10 : memref<!tpu.dma_semaphore, #tpu.memory_space<semaphore_mem>>) src(%dma_wait3A_71 : memref<128x128xf32, #tpu.memory_space<hbm>>) dst(%dma_wait3A_68 : memref<128x128xf32, #tpu.memory_space<vmem>>)
    %dma_wait3A_72 = arith.constant 0 : i32
    %dma_wait3A_73 = arith.constant 0 : i32
    %dma_wait3A_74 = tpu.memref_slice %arg8[%dma_wait3A_72, %dma_wait3A_73] : memref<128x128xf32, #tpu.memory_space<vmem>> -> memref<128x128xf32, #tpu.memory_space<vmem>>
    %dma_wait3A_75 = arith.constant 0 : i32
    %dma_wait3A_76 = arith.constant 0 : i32
    %dma_wait3A_77 = tpu.memref_slice %arg3[%dma_wait3A_75, %dma_wait3A_76] : memref<10000x128xf32, #tpu.memory_space<hbm>> -> memref<128x128xf32, #tpu.memory_space<hbm>>
    %dma_wait3A_78 = arith.constant 0 : i32
    %dma_wait3A_79 = arith.constant 0 : i32
    %dma_wait3A_80 = tpu.memref_slice %arg8[%dma_wait3A_78, %dma_wait3A_79] : memref<128x128xf32, #tpu.memory_space<vmem>> -> memref<128x128xf32, #tpu.memory_space<vmem>>
    %dma_wait3A_81 = arith.constant 0 : i32
    %dma_wait3A_82 = arith.constant 0 : i32
    %dma_wait3A_83 = tpu.memref_slice %arg3[%dma_wait3A_81, %dma_wait3A_82] : memref<10000x128xf32, #tpu.memory_space<hbm>> -> memref<128x128xf32, #tpu.memory_space<hbm>>
    tpu.wait_dma2 semaphore(%arg10 : memref<!tpu.dma_semaphore, #tpu.memory_space<semaphore_mem>>) src(%dma_wait3A_83 : memref<128x128xf32, #tpu.memory_space<hbm>>) dst(%dma_wait3A_80 : memref<128x128xf32, #tpu.memory_space<vmem>>)
    %dma_wait3A_84 = arith.constant 0 : i32
    %dma_wait3A_85 = arith.constant 0 : i32
    %dma_wait3A_86 = tpu.memref_slice %arg8[%dma_wait3A_84, %dma_wait3A_85] : memref<128x128xf32, #tpu.memory_space<vmem>> -> memref<128x128xf32, #tpu.memory_space<vmem>>
    %dma_wait3A_87 = arith.constant 0 : i32
    %dma_wait3A_88 = arith.constant 0 : i32
    %dma_wait3A_89 = tpu.memref_slice %arg3[%dma_wait3A_87, %dma_wait3A_88] : memref<10000x128xf32, #tpu.memory_space<hbm>> -> memref<128x128xf32, #tpu.memory_space<hbm>>
    %dma_wait3A_90 = arith.constant 0 : i32
    %dma_wait3A_91 = arith.constant 0 : i32
    %dma_wait3A_92 = tpu.memref_slice %arg8[%dma_wait3A_90, %dma_wait3A_91] : memref<128x128xf32, #tpu.memory_space<vmem>> -> memref<128x128xf32, #tpu.memory_space<vmem>>
    %dma_wait3A_93 = arith.constant 0 : i32
    %dma_wait3A_94 = arith.constant 0 : i32
    %dma_wait3A_95 = tpu.memref_slice %arg3[%dma_wait3A_93, %dma_wait3A_94] : memref<10000x128xf32, #tpu.memory_space<hbm>> -> memref<128x128xf32, #tpu.memory_space<hbm>>
    tpu.wait_dma2 semaphore(%arg10 : memref<!tpu.dma_semaphore, #tpu.memory_space<semaphore_mem>>) src(%dma_wait3A_95 : memref<128x128xf32, #tpu.memory_space<hbm>>) dst(%dma_wait3A_92 : memref<128x128xf32, #tpu.memory_space<vmem>>)
    %dma_wait3A_96 = arith.constant 0 : i32
    %dma_wait3A_97 = arith.constant 0 : i32
    %dma_wait3A_98 = tpu.memref_slice %arg8[%dma_wait3A_96, %dma_wait3A_97] : memref<128x128xf32, #tpu.memory_space<vmem>> -> memref<128x128xf32, #tpu.memory_space<vmem>>
    %dma_wait3A_99 = arith.constant 0 : i32
    %dma_wait3A_100 = arith.constant 0 : i32
    %dma_wait3A_101 = tpu.memref_slice %arg3[%dma_wait3A_99, %dma_wait3A_100] : memref<10000x128xf32, #tpu.memory_space<hbm>> -> memref<128x128xf32, #tpu.memory_space<hbm>>
    %dma_wait3A_102 = arith.constant 0 : i32
    %dma_wait3A_103 = arith.constant 0 : i32
    %dma_wait3A_104 = tpu.memref_slice %arg8[%dma_wait3A_102, %dma_wait3A_103] : memref<128x128xf32, #tpu.memory_space<vmem>> -> memref<128x128xf32, #tpu.memory_space<vmem>>
    %dma_wait3A_105 = arith.constant 0 : i32
    %dma_wait3A_106 = arith.constant 0 : i32
    %dma_wait3A_107 = tpu.memref_slice %arg3[%dma_wait3A_105, %dma_wait3A_106] : memref<10000x128xf32, #tpu.memory_space<hbm>> -> memref<128x128xf32, #tpu.memory_space<hbm>>
    tpu.wait_dma2 semaphore(%arg10 : memref<!tpu.dma_semaphore, #tpu.memory_space<semaphore_mem>>) src(%dma_wait3A_107 : memref<128x128xf32, #tpu.memory_space<hbm>>) dst(%dma_wait3A_104 : memref<128x128xf32, #tpu.memory_space<vmem>>)
    %dma_wait3A_108 = arith.constant 0 : i32
    %dma_wait3A_109 = arith.constant 0 : i32
    %dma_wait3A_110 = tpu.memref_slice %arg8[%dma_wait3A_108, %dma_wait3A_109] : memref<128x128xf32, #tpu.memory_space<vmem>> -> memref<128x128xf32, #tpu.memory_space<vmem>>
    %dma_wait3A_111 = arith.constant 0 : i32
    %dma_wait3A_112 = arith.constant 0 : i32
    %dma_wait3A_113 = tpu.memref_slice %arg3[%dma_wait3A_111, %dma_wait3A_112] : memref<10000x128xf32, #tpu.memory_space<hbm>> -> memref<128x128xf32, #tpu.memory_space<hbm>>
    %dma_wait3A_114 = arith.constant 0 : i32
    %dma_wait3A_115 = arith.constant 0 : i32
    %dma_wait3A_116 = tpu.memref_slice %arg8[%dma_wait3A_114, %dma_wait3A_115] : memref<128x128xf32, #tpu.memory_space<vmem>> -> memref<128x128xf32, #tpu.memory_space<vmem>>
    %dma_wait3A_117 = arith.constant 0 : i32
    %dma_wait3A_118 = arith.constant 0 : i32
    %dma_wait3A_119 = tpu.memref_slice %arg3[%dma_wait3A_117, %dma_wait3A_118] : memref<10000x128xf32, #tpu.memory_space<hbm>> -> memref<128x128xf32, #tpu.memory_space<hbm>>
    tpu.wait_dma2 semaphore(%arg10 : memref<!tpu.dma_semaphore, #tpu.memory_space<semaphore_mem>>) src(%dma_wait3A_119 : memref<128x128xf32, #tpu.memory_space<hbm>>) dst(%dma_wait3A_116 : memref<128x128xf32, #tpu.memory_space<vmem>>)
    %dma_wait3A_120 = arith.constant 0 : i32
    %dma_wait3A_121 = arith.constant 0 : i32
    %dma_wait3A_122 = tpu.memref_slice %arg8[%dma_wait3A_120, %dma_wait3A_121] : memref<128x128xf32, #tpu.memory_space<vmem>> -> memref<128x128xf32, #tpu.memory_space<vmem>>
    %dma_wait3A_123 = arith.constant 0 : i32
    %dma_wait3A_124 = arith.constant 0 : i32
    %dma_wait3A_125 = tpu.memref_slice %arg3[%dma_wait3A_123, %dma_wait3A_124] : memref<10000x128xf32, #tpu.memory_space<hbm>> -> memref<128x128xf32, #tpu.memory_space<hbm>>
    %dma_wait3A_126 = arith.constant 0 : i32
    %dma_wait3A_127 = arith.constant 0 : i32
    %dma_wait3A_128 = tpu.memref_slice %arg8[%dma_wait3A_126, %dma_wait3A_127] : memref<128x128xf32, #tpu.memory_space<vmem>> -> memref<128x128xf32, #tpu.memory_space<vmem>>
    %dma_wait3A_129 = arith.constant 0 : i32
    %dma_wait3A_130 = arith.constant 0 : i32
    %dma_wait3A_131 = tpu.memref_slice %arg3[%dma_wait3A_129, %dma_wait3A_130] : memref<10000x128xf32, #tpu.memory_space<hbm>> -> memref<128x128xf32, #tpu.memory_space<hbm>>
    tpu.wait_dma2 semaphore(%arg10 : memref<!tpu.dma_semaphore, #tpu.memory_space<semaphore_mem>>) src(%dma_wait3A_131 : memref<128x128xf32, #tpu.memory_space<hbm>>) dst(%dma_wait3A_128 : memref<128x128xf32, #tpu.memory_space<vmem>>)
    %scan3A_132 = arith.constant 0 : i32
    %scan3A_133 = arith.constant 0 : i32
    %scan3A_134 = arith.constant 128 : i32
    %scan3A_135 = arith.addi %scan3A_133, %scan3A_134 : i32
    %scan3A_136 = arith.constant 4 : i32
    scf.for %scan3A_414 = %scan3A_133 to %scan3A_135 step %scan3A_136  : i32 {
      %get3A = arith.index_cast %scan3A_414 : i32 to index
      %get3A_415 = arith.constant 0 : index
      %get3A_416 = tpu.vector_load %arg8[%get3A, %get3A_415] {strides = array<i32>} : memref<128x128xf32, #tpu.memory_space<vmem>>, vector<1x16xf32>,
      %get3A_417 = vector.shape_cast %get3A_416 : vector<1x16xf32> to vector<16xf32>
      %mul3A_418 = arith.constant 3.125000e-02 : f32
      %mul3A_419 = vector.broadcast %mul3A_418 : f32 to vector<16xf32>
      %mul3A_420 = arith.mulf %get3A_417, %mul3A_419 : vector<16xf32>
      %swap3A = arith.index_cast %scan3A_414 : i32 to index
      %swap3A_421 = arith.constant 0 : index
      %swap3A_422 = tpu.vector_load %arg8[%swap3A, %swap3A_421] {strides = array<i32>} : memref<128x128xf32, #tpu.memory_space<vmem>>, vector<1x16xf32>,
      %swap3A_423 = vector.shape_cast %swap3A_422 : vector<1x16xf32> to vector<16xf32>
      %swap3A_424 = vector.shape_cast %mul3A_420 : vector<16xf32> to vector<1x16xf32>
      tpu.vector_store %arg8[%swap3A, %swap3A_421], %swap3A_424 {strides = array<i32>} : memref<128x128xf32, #tpu.memory_space<vmem>>, vector<1x16xf32>,
      %get3A_425 = arith.index_cast %scan3A_414 : i32 to index
      %get3A_426 = arith.constant 16 : index
      %get3A_427 = tpu.vector_load %arg8[%get3A_425, %get3A_426] {strides = array<i32>} : memref<128x128xf32, #tpu.memory_space<vmem>>, vector<1x16xf32>,
      %get3A_428 = vector.shape_cast %get3A_427 : vector<1x16xf32> to vector<16xf32>
      %mul3A_429 = arith.constant 3.125000e-02 : f32
      %mul3A_430 = vector.broadcast %mul3A_429 : f32 to vector<16xf32>
      %mul3A_431 = arith.mulf %get3A_428, %mul3A_430 : vector<16xf32>
      %swap3A_432 = arith.index_cast %scan3A_414 : i32 to index
      %swap3A_433 = arith.constant 16 : index
      %swap3A_434 = tpu.vector_load %arg8[%swap3A_432, %swap3A_433] {strides = array<i32>} : memref<128x128xf32, #tpu.memory_space<vmem>>, vector<1x16xf32>,
      %swap3A_435 = vector.shape_cast %swap3A_434 : vector<1x16xf32> to vector<16xf32>
      %swap3A_436 = vector.shape_cast %mul3A_431 : vector<16xf32> to vector<1x16xf32>
      tpu.vector_store %arg8[%swap3A_432, %swap3A_433], %swap3A_436 {strides = array<i32>} : memref<128x128xf32, #tpu.memory_space<vmem>>, vector<1x16xf32>,
      %get3A_437 = arith.index_cast %scan3A_414 : i32 to index
      %get3A_438 = arith.constant 32 : index
      %get3A_439 = tpu.vector_load %arg8[%get3A_437, %get3A_438] {strides = array<i32>} : memref<128x128xf32, #tpu.memory_space<vmem>>, vector<1x16xf32>,
      %get3A_440 = vector.shape_cast %get3A_439 : vector<1x16xf32> to vector<16xf32>
      %mul3A_441 = arith.constant 3.125000e-02 : f32
      %mul3A_442 = vector.broadcast %mul3A_441 : f32 to vector<16xf32>
      %mul3A_443 = arith.mulf %get3A_440, %mul3A_442 : vector<16xf32>
      %swap3A_444 = arith.index_cast %scan3A_414 : i32 to index
      %swap3A_445 = arith.constant 32 : index
      %swap3A_446 = tpu.vector_load %arg8[%swap3A_444, %swap3A_445] {strides = array<i32>} : memref<128x128xf32, #tpu.memory_space<vmem>>, vector<1x16xf32>,
      %swap3A_447 = vector.shape_cast %swap3A_446 : vector<1x16xf32> to vector<16xf32>
      %swap3A_448 = vector.shape_cast %mul3A_443 : vector<16xf32> to vector<1x16xf32>
      tpu.vector_store %arg8[%swap3A_444, %swap3A_445], %swap3A_448 {strides = array<i32>} : memref<128x128xf32, #tpu.memory_space<vmem>>, vector<1x16xf32>,
      %get3A_449 = arith.index_cast %scan3A_414 : i32 to index
      %get3A_450 = arith.constant 48 : index
      %get3A_451 = tpu.vector_load %arg8[%get3A_449, %get3A_450] {strides = array<i32>} : memref<128x128xf32, #tpu.memory_space<vmem>>, vector<1x16xf32>,
      %get3A_452 = vector.shape_cast %get3A_451 : vector<1x16xf32> to vector<16xf32>
      %mul3A_453 = arith.constant 3.125000e-02 : f32
      %mul3A_454 = vector.broadcast %mul3A_453 : f32 to vector<16xf32>
      %mul3A_455 = arith.mulf %get3A_452, %mul3A_454 : vector<16xf32>
      %swap3A_456 = arith.index_cast %scan3A_414 : i32 to index
      %swap3A_457 = arith.constant 48 : index
      %swap3A_458 = tpu.vector_load %arg8[%swap3A_456, %swap3A_457] {strides = array<i32>} : memref<128x128xf32, #tpu.memory_space<vmem>>, vector<1x16xf32>,
      %swap3A_459 = vector.shape_cast %swap3A_458 : vector<1x16xf32> to vector<16xf32>
      %swap3A_460 = vector.shape_cast %mul3A_455 : vector<16xf32> to vector<1x16xf32>
      tpu.vector_store %arg8[%swap3A_456, %swap3A_457], %swap3A_460 {strides = array<i32>} : memref<128x128xf32, #tpu.memory_space<vmem>>, vector<1x16xf32>,
      %get3A_461 = arith.index_cast %scan3A_414 : i32 to index
      %get3A_462 = arith.constant 64 : index
      %get3A_463 = tpu.vector_load %arg8[%get3A_461, %get3A_462] {strides = array<i32>} : memref<128x128xf32, #tpu.memory_space<vmem>>, vector<1x16xf32>,
      %get3A_464 = vector.shape_cast %get3A_463 : vector<1x16xf32> to vector<16xf32>
      %mul3A_465 = arith.constant 3.125000e-02 : f32
      %mul3A_466 = vector.broadcast %mul3A_465 : f32 to vector<16xf32>
      %mul3A_467 = arith.mulf %get3A_464, %mul3A_466 : vector<16xf32>
      %swap3A_468 = arith.index_cast %scan3A_414 : i32 to index
      %swap3A_469 = arith.constant 64 : index
      %swap3A_470 = tpu.vector_load %arg8[%swap3A_468, %swap3A_469] {strides = array<i32>} : memref<128x128xf32, #tpu.memory_space<vmem>>, vector<1x16xf32>,
      %swap3A_471 = vector.shape_cast %swap3A_470 : vector<1x16xf32> to vector<16xf32>
      %swap3A_472 = vector.shape_cast %mul3A_467 : vector<16xf32> to vector<1x16xf32>
      tpu.vector_store %arg8[%swap3A_468, %swap3A_469], %swap3A_472 {strides = array<i32>} : memref<128x128xf32, #tpu.memory_space<vmem>>, vector<1x16xf32>,
      %get3A_473 = arith.index_cast %scan3A_414 : i32 to index
      %get3A_474 = arith.constant 80 : index
      %get3A_475 = tpu.vector_load %arg8[%get3A_473, %get3A_474] {strides = array<i32>} : memref<128x128xf32, #tpu.memory_space<vmem>>, vector<1x16xf32>,
      %get3A_476 = vector.shape_cast %get3A_475 : vector<1x16xf32> to vector<16xf32>
      %mul3A_477 = arith.constant 3.125000e-02 : f32
      %mul3A_478 = vector.broadcast %mul3A_477 : f32 to vector<16xf32>
      %mul3A_479 = arith.mulf %get3A_476, %mul3A_478 : vector<16xf32>
      %swap3A_480 = arith.index_cast %scan3A_414 : i32 to index
      %swap3A_481 = arith.constant 80 : index
      %swap3A_482 = tpu.vector_load %arg8[%swap3A_480, %swap3A_481] {strides = array<i32>} : memref<128x128xf32, #tpu.memory_space<vmem>>, vector<1x16xf32>,
      %swap3A_483 = vector.shape_cast %swap3A_482 : vector<1x16xf32> to vector<16xf32>
      %swap3A_484 = vector.shape_cast %mul3A_479 : vector<16xf32> to vector<1x16xf32>
      tpu.vector_store %arg8[%swap3A_480, %swap3A_481], %swap3A_484 {strides = array<i32>} : memref<128x128xf32, #tpu.memory_space<vmem>>, vector<1x16xf32>,
      %get3A_485 = arith.index_cast %scan3A_414 : i32 to index
      %get3A_486 = arith.constant 96 : index
      %get3A_487 = tpu.vector_load %arg8[%get3A_485, %get3A_486] {strides = array<i32>} : memref<128x128xf32, #tpu.memory_space<vmem>>, vector<1x16xf32>,
      %get3A_488 = vector.shape_cast %get3A_487 : vector<1x16xf32> to vector<16xf32>
      %mul3A_489 = arith.constant 3.125000e-02 : f32
      %mul3A_490 = vector.broadcast %mul3A_489 : f32 to vector<16xf32>
      %mul3A_491 = arith.mulf %get3A_488, %mul3A_490 : vector<16xf32>
      %swap3A_492 = arith.index_cast %scan3A_414 : i32 to index
      %swap3A_493 = arith.constant 96 : index
      %swap3A_494 = tpu.vector_load %arg8[%swap3A_492, %swap3A_493] {strides = array<i32>} : memref<128x128xf32, #tpu.memory_space<vmem>>, vector<1x16xf32>,
      %swap3A_495 = vector.shape_cast %swap3A_494 : vector<1x16xf32> to vector<16xf32>
      %swap3A_496 = vector.shape_cast %mul3A_491 : vector<16xf32> to vector<1x16xf32>
      tpu.vector_store %arg8[%swap3A_492, %swap3A_493], %swap3A_496 {strides = array<i32>} : memref<128x128xf32, #tpu.memory_space<vmem>>, vector<1x16xf32>,
      %get3A_497 = arith.index_cast %scan3A_414 : i32 to index
      %get3A_498 = arith.constant 112 : index
      %get3A_499 = tpu.vector_load %arg8[%get3A_497, %get3A_498] {strides = array<i32>} : memref<128x128xf32, #tpu.memory_space<vmem>>, vector<1x16xf32>,
      %get3A_500 = vector.shape_cast %get3A_499 : vector<1x16xf32> to vector<16xf32>
      %mul3A_501 = arith.constant 3.125000e-02 : f32
      %mul3A_502 = vector.broadcast %mul3A_501 : f32 to vector<16xf32>
      %mul3A_503 = arith.mulf %get3A_500, %mul3A_502 : vector<16xf32>
      %swap3A_504 = arith.index_cast %scan3A_414 : i32 to index
      %swap3A_505 = arith.constant 112 : index
      %swap3A_506 = tpu.vector_load %arg8[%swap3A_504, %swap3A_505] {strides = array<i32>} : memref<128x128xf32, #tpu.memory_space<vmem>>, vector<1x16xf32>,
      %swap3A_507 = vector.shape_cast %swap3A_506 : vector<1x16xf32> to vector<16xf32>
      %swap3A_508 = vector.shape_cast %mul3A_503 : vector<16xf32> to vector<1x16xf32>
      tpu.vector_store %arg8[%swap3A_504, %swap3A_505], %swap3A_508 {strides = array<i32>} : memref<128x128xf32, #tpu.memory_space<vmem>>, vector<1x16xf32>,
      %scan3A_509 = arith.constant 1 : i32
      %scan3A_510 = arith.addi %scan3A_414, %scan3A_509 : i32
      %get3A_511 = arith.index_cast %scan3A_510 : i32 to index
      %get3A_512 = arith.constant 0 : index
      %get3A_513 = tpu.vector_load %arg8[%get3A_511, %get3A_512] {strides = array<i32>} : memref<128x128xf32, #tpu.memory_space<vmem>>, vector<1x16xf32>,
      %get3A_514 = vector.shape_cast %get3A_513 : vector<1x16xf32> to vector<16xf32>
      %mul3A_515 = arith.constant 3.125000e-02 : f32
      %mul3A_516 = vector.broadcast %mul3A_515 : f32 to vector<16xf32>
      %mul3A_517 = arith.mulf %get3A_514, %mul3A_516 : vector<16xf32>
      %swap3A_518 = arith.index_cast %scan3A_510 : i32 to index
      %swap3A_519 = arith.constant 0 : index
      %swap3A_520 = tpu.vector_load %arg8[%swap3A_518, %swap3A_519] {strides = array<i32>} : memref<128x128xf32, #tpu.memory_space<vmem>>, vector<1x16xf32>,
      %swap3A_521 = vector.shape_cast %swap3A_520 : vector<1x16xf32> to vector<16xf32>
      %swap3A_522 = vector.shape_cast %mul3A_517 : vector<16xf32> to vector<1x16xf32>
      tpu.vector_store %arg8[%swap3A_518, %swap3A_519], %swap3A_522 {strides = array<i32>} : memref<128x128xf32, #tpu.memory_space<vmem>>, vector<1x16xf32>,
      %get3A_523 = arith.index_cast %scan3A_510 : i32 to index
      %get3A_524 = arith.constant 16 : index
      %get3A_525 = tpu.vector_load %arg8[%get3A_523, %get3A_524] {strides = array<i32>} : memref<128x128xf32, #tpu.memory_space<vmem>>, vector<1x16xf32>,
      %get3A_526 = vector.shape_cast %get3A_525 : vector<1x16xf32> to vector<16xf32>
      %mul3A_527 = arith.constant 3.125000e-02 : f32
      %mul3A_528 = vector.broadcast %mul3A_527 : f32 to vector<16xf32>
      %mul3A_529 = arith.mulf %get3A_526, %mul3A_528 : vector<16xf32>
      %swap3A_530 = arith.index_cast %scan3A_510 : i32 to index
      %swap3A_531 = arith.constant 16 : index
      %swap3A_532 = tpu.vector_load %arg8[%swap3A_530, %swap3A_531] {strides = array<i32>} : memref<128x128xf32, #tpu.memory_space<vmem>>, vector<1x16xf32>,
      %swap3A_533 = vector.shape_cast %swap3A_532 : vector<1x16xf32> to vector<16xf32>
      %swap3A_534 = vector.shape_cast %mul3A_529 : vector<16xf32> to vector<1x16xf32>
      tpu.vector_store %arg8[%swap3A_530, %swap3A_531], %swap3A_534 {strides = array<i32>} : memref<128x128xf32, #tpu.memory_space<vmem>>, vector<1x16xf32>,
      %get3A_535 = arith.index_cast %scan3A_510 : i32 to index
      %get3A_536 = arith.constant 32 : index
      %get3A_537 = tpu.vector_load %arg8[%get3A_535, %get3A_536] {strides = array<i32>} : memref<128x128xf32, #tpu.memory_space<vmem>>, vector<1x16xf32>,
      %get3A_538 = vector.shape_cast %get3A_537 : vector<1x16xf32> to vector<16xf32>
      %mul3A_539 = arith.constant 3.125000e-02 : f32
      %mul3A_540 = vector.broadcast %mul3A_539 : f32 to vector<16xf32>
      %mul3A_541 = arith.mulf %get3A_538, %mul3A_540 : vector<16xf32>
      %swap3A_542 = arith.index_cast %scan3A_510 : i32 to index
      %swap3A_543 = arith.constant 32 : index
      %swap3A_544 = tpu.vector_load %arg8[%swap3A_542, %swap3A_543] {strides = array<i32>} : memref<128x128xf32, #tpu.memory_space<vmem>>, vector<1x16xf32>,
      %swap3A_545 = vector.shape_cast %swap3A_544 : vector<1x16xf32> to vector<16xf32>
      %swap3A_546 = vector.shape_cast %mul3A_541 : vector<16xf32> to vector<1x16xf32>
      tpu.vector_store %arg8[%swap3A_542, %swap3A_543], %swap3A_546 {strides = array<i32>} : memref<128x128xf32, #tpu.memory_space<vmem>>, vector<1x16xf32>,
      %get3A_547 = arith.index_cast %scan3A_510 : i32 to index
      %get3A_548 = arith.constant 48 : index
      %get3A_549 = tpu.vector_load %arg8[%get3A_547, %get3A_548] {strides = array<i32>} : memref<128x128xf32, #tpu.memory_space<vmem>>, vector<1x16xf32>,
      %get3A_550 = vector.shape_cast %get3A_549 : vector<1x16xf32> to vector<16xf32>
      %mul3A_551 = arith.constant 3.125000e-02 : f32
      %mul3A_552 = vector.broadcast %mul3A_551 : f32 to vector<16xf32>
      %mul3A_553 = arith.mulf %get3A_550, %mul3A_552 : vector<16xf32>
      %swap3A_554 = arith.index_cast %scan3A_510 : i32 to index
      %swap3A_555 = arith.constant 48 : index
      %swap3A_556 = tpu.vector_load %arg8[%swap3A_554, %swap3A_555] {strides = array<i32>} : memref<128x128xf32, #tpu.memory_space<vmem>>, vector<1x16xf32>,
      %swap3A_557 = vector.shape_cast %swap3A_556 : vector<1x16xf32> to vector<16xf32>
      %swap3A_558 = vector.shape_cast %mul3A_553 : vector<16xf32> to vector<1x16xf32>
      tpu.vector_store %arg8[%swap3A_554, %swap3A_555], %swap3A_558 {strides = array<i32>} : memref<128x128xf32, #tpu.memory_space<vmem>>, vector<1x16xf32>,
      %get3A_559 = arith.index_cast %scan3A_510 : i32 to index
      %get3A_560 = arith.constant 64 : index
      %get3A_561 = tpu.vector_load %arg8[%get3A_559, %get3A_560] {strides = array<i32>} : memref<128x128xf32, #tpu.memory_space<vmem>>, vector<1x16xf32>,
      %get3A_562 = vector.shape_cast %get3A_561 : vector<1x16xf32> to vector<16xf32>
      %mul3A_563 = arith.constant 3.125000e-02 : f32
      %mul3A_564 = vector.broadcast %mul3A_563 : f32 to vector<16xf32>
      %mul3A_565 = arith.mulf %get3A_562, %mul3A_564 : vector<16xf32>
      %swap3A_566 = arith.index_cast %scan3A_510 : i32 to index
      %swap3A_567 = arith.constant 64 : index
      %swap3A_568 = tpu.vector_load %arg8[%swap3A_566, %swap3A_567] {strides = array<i32>} : memref<128x128xf32, #tpu.memory_space<vmem>>, vector<1x16xf32>,
      %swap3A_569 = vector.shape_cast %swap3A_568 : vector<1x16xf32> to vector<16xf32>
      %swap3A_570 = vector.shape_cast %mul3A_565 : vector<16xf32> to vector<1x16xf32>
      tpu.vector_store %arg8[%swap3A_566, %swap3A_567], %swap3A_570 {strides = array<i32>} : memref<128x128xf32, #tpu.memory_space<vmem>>, vector<1x16xf32>,
      %get3A_571 = arith.index_cast %scan3A_510 : i32 to index
      %get3A_572 = arith.constant 80 : index
      %get3A_573 = tpu.vector_load %arg8[%get3A_571, %get3A_572] {strides = array<i32>} : memref<128x128xf32, #tpu.memory_space<vmem>>, vector<1x16xf32>,
      %get3A_574 = vector.shape_cast %get3A_573 : vector<1x16xf32> to vector<16xf32>
      %mul3A_575 = arith.constant 3.125000e-02 : f32
      %mul3A_576 = vector.broadcast %mul3A_575 : f32 to vector<16xf32>
      %mul3A_577 = arith.mulf %get3A_574, %mul3A_576 : vector<16xf32>
      %swap3A_578 = arith.index_cast %scan3A_510 : i32 to index
      %swap3A_579 = arith.constant 80 : index
      %swap3A_580 = tpu.vector_load %arg8[%swap3A_578, %swap3A_579] {strides = array<i32>} : memref<128x128xf32, #tpu.memory_space<vmem>>, vector<1x16xf32>,
      %swap3A_581 = vector.shape_cast %swap3A_580 : vector<1x16xf32> to vector<16xf32>
      %swap3A_582 = vector.shape_cast %mul3A_577 : vector<16xf32> to vector<1x16xf32>
      tpu.vector_store %arg8[%swap3A_578, %swap3A_579], %swap3A_582 {strides = array<i32>} : memref<128x128xf32, #tpu.memory_space<vmem>>, vector<1x16xf32>,
      %get3A_583 = arith.index_cast %scan3A_510 : i32 to index
      %get3A_584 = arith.constant 96 : index
      %get3A_585 = tpu.vector_load %arg8[%get3A_583, %get3A_584] {strides = array<i32>} : memref<128x128xf32, #tpu.memory_space<vmem>>, vector<1x16xf32>,
      %get3A_586 = vector.shape_cast %get3A_585 : vector<1x16xf32> to vector<16xf32>
      %mul3A_587 = arith.constant 3.125000e-02 : f32
      %mul3A_588 = vector.broadcast %mul3A_587 : f32 to vector<16xf32>
      %mul3A_589 = arith.mulf %get3A_586, %mul3A_588 : vector<16xf32>
      %swap3A_590 = arith.index_cast %scan3A_510 : i32 to index
      %swap3A_591 = arith.constant 96 : index
      %swap3A_592 = tpu.vector_load %arg8[%swap3A_590, %swap3A_591] {strides = array<i32>} : memref<128x128xf32, #tpu.memory_space<vmem>>, vector<1x16xf32>,
      %swap3A_593 = vector.shape_cast %swap3A_592 : vector<1x16xf32> to vector<16xf32>
      %swap3A_594 = vector.shape_cast %mul3A_589 : vector<16xf32> to vector<1x16xf32>
      tpu.vector_store %arg8[%swap3A_590, %swap3A_591], %swap3A_594 {strides = array<i32>} : memref<128x128xf32, #tpu.memory_space<vmem>>, vector<1x16xf32>,
      %get3A_595 = arith.index_cast %scan3A_510 : i32 to index
      %get3A_596 = arith.constant 112 : index
      %get3A_597 = tpu.vector_load %arg8[%get3A_595, %get3A_596] {strides = array<i32>} : memref<128x128xf32, #tpu.memory_space<vmem>>, vector<1x16xf32>,
      %get3A_598 = vector.shape_cast %get3A_597 : vector<1x16xf32> to vector<16xf32>
      %mul3A_599 = arith.constant 3.125000e-02 : f32
      %mul3A_600 = vector.broadcast %mul3A_599 : f32 to vector<16xf32>
      %mul3A_601 = arith.mulf %get3A_598, %mul3A_600 : vector<16xf32>
      %swap3A_602 = arith.index_cast %scan3A_510 : i32 to index
      %swap3A_603 = arith.constant 112 : index
      %swap3A_604 = tpu.vector_load %arg8[%swap3A_602, %swap3A_603] {strides = array<i32>} : memref<128x128xf32, #tpu.memory_space<vmem>>, vector<1x16xf32>,
      %swap3A_605 = vector.shape_cast %swap3A_604 : vector<1x16xf32> to vector<16xf32>
      %swap3A_606 = vector.shape_cast %mul3A_601 : vector<16xf32> to vector<1x16xf32>
      tpu.vector_store %arg8[%swap3A_602, %swap3A_603], %swap3A_606 {strides = array<i32>} : memref<128x128xf32, #tpu.memory_space<vmem>>, vector<1x16xf32>,
      %scan3A_607 = arith.constant 2 : i32
      %scan3A_608 = arith.addi %scan3A_414, %scan3A_607 : i32
      %get3A_609 = arith.index_cast %scan3A_608 : i32 to index
      %get3A_610 = arith.constant 0 : index
      %get3A_611 = tpu.vector_load %arg8[%get3A_609, %get3A_610] {strides = array<i32>} : memref<128x128xf32, #tpu.memory_space<vmem>>, vector<1x16xf32>,
      %get3A_612 = vector.shape_cast %get3A_611 : vector<1x16xf32> to vector<16xf32>
      %mul3A_613 = arith.constant 3.125000e-02 : f32
      %mul3A_614 = vector.broadcast %mul3A_613 : f32 to vector<16xf32>
      %mul3A_615 = arith.mulf %get3A_612, %mul3A_614 : vector<16xf32>
      %swap3A_616 = arith.index_cast %scan3A_608 : i32 to index
      %swap3A_617 = arith.constant 0 : index
      %swap3A_618 = tpu.vector_load %arg8[%swap3A_616, %swap3A_617] {strides = array<i32>} : memref<128x128xf32, #tpu.memory_space<vmem>>, vector<1x16xf32>,
      %swap3A_619 = vector.shape_cast %swap3A_618 : vector<1x16xf32> to vector<16xf32>
      %swap3A_620 = vector.shape_cast %mul3A_615 : vector<16xf32> to vector<1x16xf32>
      tpu.vector_store %arg8[%swap3A_616, %swap3A_617], %swap3A_620 {strides = array<i32>} : memref<128x128xf32, #tpu.memory_space<vmem>>, vector<1x16xf32>,
      %get3A_621 = arith.index_cast %scan3A_608 : i32 to index
      %get3A_622 = arith.constant 16 : index
      %get3A_623 = tpu.vector_load %arg8[%get3A_621, %get3A_622] {strides = array<i32>} : memref<128x128xf32, #tpu.memory_space<vmem>>, vector<1x16xf32>,
      %get3A_624 = vector.shape_cast %get3A_623 : vector<1x16xf32> to vector<16xf32>
      %mul3A_625 = arith.constant 3.125000e-02 : f32
      %mul3A_626 = vector.broadcast %mul3A_625 : f32 to vector<16xf32>
      %mul3A_627 = arith.mulf %get3A_624, %mul3A_626 : vector<16xf32>
      %swap3A_628 = arith.index_cast %scan3A_608 : i32 to index
      %swap3A_629 = arith.constant 16 : index
      %swap3A_630 = tpu.vector_load %arg8[%swap3A_628, %swap3A_629] {strides = array<i32>} : memref<128x128xf32, #tpu.memory_space<vmem>>, vector<1x16xf32>,
      %swap3A_631 = vector.shape_cast %swap3A_630 : vector<1x16xf32> to vector<16xf32>
      %swap3A_632 = vector.shape_cast %mul3A_627 : vector<16xf32> to vector<1x16xf32>
      tpu.vector_store %arg8[%swap3A_628, %swap3A_629], %swap3A_632 {strides = array<i32>} : memref<128x128xf32, #tpu.memory_space<vmem>>, vector<1x16xf32>,
      %get3A_633 = arith.index_cast %scan3A_608 : i32 to index
      %get3A_634 = arith.constant 32 : index
      %get3A_635 = tpu.vector_load %arg8[%get3A_633, %get3A_634] {strides = array<i32>} : memref<128x128xf32, #tpu.memory_space<vmem>>, vector<1x16xf32>,
      %get3A_636 = vector.shape_cast %get3A_635 : vector<1x16xf32> to vector<16xf32>
      %mul3A_637 = arith.constant 3.125000e-02 : f32
      %mul3A_638 = vector.broadcast %mul3A_637 : f32 to vector<16xf32>
      %mul3A_639 = arith.mulf %get3A_636, %mul3A_638 : vector<16xf32>
      %swap3A_640 = arith.index_cast %scan3A_608 : i32 to index
      %swap3A_641 = arith.constant 32 : index
      %swap3A_642 = tpu.vector_load %arg8[%swap3A_640, %swap3A_641] {strides = array<i32>} : memref<128x128xf32, #tpu.memory_space<vmem>>, vector<1x16xf32>,
      %swap3A_643 = vector.shape_cast %swap3A_642 : vector<1x16xf32> to vector<16xf32>
      %swap3A_644 = vector.shape_cast %mul3A_639 : vector<16xf32> to vector<1x16xf32>
      tpu.vector_store %arg8[%swap3A_640, %swap3A_641], %swap3A_644 {strides = array<i32>} : memref<128x128xf32, #tpu.memory_space<vmem>>, vector<1x16xf32>,
      %get3A_645 = arith.index_cast %scan3A_608 : i32 to index
      %get3A_646 = arith.constant 48 : index
      %get3A_647 = tpu.vector_load %arg8[%get3A_645, %get3A_646] {strides = array<i32>} : memref<128x128xf32, #tpu.memory_space<vmem>>, vector<1x16xf32>,
      %get3A_648 = vector.shape_cast %get3A_647 : vector<1x16xf32> to vector<16xf32>
      %mul3A_649 = arith.constant 3.125000e-02 : f32
      %mul3A_650 = vector.broadcast %mul3A_649 : f32 to vector<16xf32>
      %mul3A_651 = arith.mulf %get3A_648, %mul3A_650 : vector<16xf32>
      %swap3A_652 = arith.index_cast %scan3A_608 : i32 to index
      %swap3A_653 = arith.constant 48 : index
      %swap3A_654 = tpu.vector_load %arg8[%swap3A_652, %swap3A_653] {strides = array<i32>} : memref<128x128xf32, #tpu.memory_space<vmem>>, vector<1x16xf32>,
      %swap3A_655 = vector.shape_cast %swap3A_654 : vector<1x16xf32> to vector<16xf32>
      %swap3A_656 = vector.shape_cast %mul3A_651 : vector<16xf32> to vector<1x16xf32>
      tpu.vector_store %arg8[%swap3A_652, %swap3A_653], %swap3A_656 {strides = array<i32>} : memref<128x128xf32, #tpu.memory_space<vmem>>, vector<1x16xf32>,
      %get3A_657 = arith.index_cast %scan3A_608 : i32 to index
      %get3A_658 = arith.constant 64 : index
      %get3A_659 = tpu.vector_load %arg8[%get3A_657, %get3A_658] {strides = array<i32>} : memref<128x128xf32, #tpu.memory_space<vmem>>, vector<1x16xf32>,
      %get3A_660 = vector.shape_cast %get3A_659 : vector<1x16xf32> to vector<16xf32>
      %mul3A_661 = arith.constant 3.125000e-02 : f32
      %mul3A_662 = vector.broadcast %mul3A_661 : f32 to vector<16xf32>
      %mul3A_663 = arith.mulf %get3A_660, %mul3A_662 : vector<16xf32>
      %swap3A_664 = arith.index_cast %scan3A_608 : i32 to index
      %swap3A_665 = arith.constant 64 : index
      %swap3A_666 = tpu.vector_load %arg8[%swap3A_664, %swap3A_665] {strides = array<i32>} : memref<128x128xf32, #tpu.memory_space<vmem>>, vector<1x16xf32>,
      %swap3A_667 = vector.shape_cast %swap3A_666 : vector<1x16xf32> to vector<16xf32>
      %swap3A_668 = vector.shape_cast %mul3A_663 : vector<16xf32> to vector<1x16xf32>
      tpu.vector_store %arg8[%swap3A_664, %swap3A_665], %swap3A_668 {strides = array<i32>} : memref<128x128xf32, #tpu.memory_space<vmem>>, vector<1x16xf32>,
      %get3A_669 = arith.index_cast %scan3A_608 : i32 to index
      %get3A_670 = arith.constant 80 : index
      %get3A_671 = tpu.vector_load %arg8[%get3A_669, %get3A_670] {strides = array<i32>} : memref<128x128xf32, #tpu.memory_space<vmem>>, vector<1x16xf32>,
      %get3A_672 = vector.shape_cast %get3A_671 : vector<1x16xf32> to vector<16xf32>
      %mul3A_673 = arith.constant 3.125000e-02 : f32
      %mul3A_674 = vector.broadcast %mul3A_673 : f32 to vector<16xf32>
      %mul3A_675 = arith.mulf %get3A_672, %mul3A_674 : vector<16xf32>
      %swap3A_676 = arith.index_cast %scan3A_608 : i32 to index
      %swap3A_677 = arith.constant 80 : index
      %swap3A_678 = tpu.vector_load %arg8[%swap3A_676, %swap3A_677] {strides = array<i32>} : memref<128x128xf32, #tpu.memory_space<vmem>>, vector<1x16xf32>,
      %swap3A_679 = vector.shape_cast %swap3A_678 : vector<1x16xf32> to vector<16xf32>
      %swap3A_680 = vector.shape_cast %mul3A_675 : vector<16xf32> to vector<1x16xf32>
      tpu.vector_store %arg8[%swap3A_676, %swap3A_677], %swap3A_680 {strides = array<i32>} : memref<128x128xf32, #tpu.memory_space<vmem>>, vector<1x16xf32>,
      %get3A_681 = arith.index_cast %scan3A_608 : i32 to index
      %get3A_682 = arith.constant 96 : index
      %get3A_683 = tpu.vector_load %arg8[%get3A_681, %get3A_682] {strides = array<i32>} : memref<128x128xf32, #tpu.memory_space<vmem>>, vector<1x16xf32>,
      %get3A_684 = vector.shape_cast %get3A_683 : vector<1x16xf32> to vector<16xf32>
      %mul3A_685 = arith.constant 3.125000e-02 : f32
      %mul3A_686 = vector.broadcast %mul3A_685 : f32 to vector<16xf32>
      %mul3A_687 = arith.mulf %get3A_684, %mul3A_686 : vector<16xf32>
      %swap3A_688 = arith.index_cast %scan3A_608 : i32 to index
      %swap3A_689 = arith.constant 96 : index
      %swap3A_690 = tpu.vector_load %arg8[%swap3A_688, %swap3A_689] {strides = array<i32>} : memref<128x128xf32, #tpu.memory_space<vmem>>, vector<1x16xf32>,
      %swap3A_691 = vector.shape_cast %swap3A_690 : vector<1x16xf32> to vector<16xf32>
      %swap3A_692 = vector.shape_cast %mul3A_687 : vector<16xf32> to vector<1x16xf32>
      tpu.vector_store %arg8[%swap3A_688, %swap3A_689], %swap3A_692 {strides = array<i32>} : memref<128x128xf32, #tpu.memory_space<vmem>>, vector<1x16xf32>,
      %get3A_693 = arith.index_cast %scan3A_608 : i32 to index
      %get3A_694 = arith.constant 112 : index
      %get3A_695 = tpu.vector_load %arg8[%get3A_693, %get3A_694] {strides = array<i32>} : memref<128x128xf32, #tpu.memory_space<vmem>>, vector<1x16xf32>,
      %get3A_696 = vector.shape_cast %get3A_695 : vector<1x16xf32> to vector<16xf32>
      %mul3A_697 = arith.constant 3.125000e-02 : f32
      %mul3A_698 = vector.broadcast %mul3A_697 : f32 to vector<16xf32>
      %mul3A_699 = arith.mulf %get3A_696, %mul3A_698 : vector<16xf32>
      %swap3A_700 = arith.index_cast %scan3A_608 : i32 to index
      %swap3A_701 = arith.constant 112 : index
      %swap3A_702 = tpu.vector_load %arg8[%swap3A_700, %swap3A_701] {strides = array<i32>} : memref<128x128xf32, #tpu.memory_space<vmem>>, vector<1x16xf32>,
      %swap3A_703 = vector.shape_cast %swap3A_702 : vector<1x16xf32> to vector<16xf32>
      %swap3A_704 = vector.shape_cast %mul3A_699 : vector<16xf32> to vector<1x16xf32>
      tpu.vector_store %arg8[%swap3A_700, %swap3A_701], %swap3A_704 {strides = array<i32>} : memref<128x128xf32, #tpu.memory_space<vmem>>, vector<1x16xf32>,
      %scan3A_705 = arith.constant 3 : i32
      %scan3A_706 = arith.addi %scan3A_414, %scan3A_705 : i32
      %get3A_707 = arith.index_cast %scan3A_706 : i32 to index
      %get3A_708 = arith.constant 0 : index
      %get3A_709 = tpu.vector_load %arg8[%get3A_707, %get3A_708] {strides = array<i32>} : memref<128x128xf32, #tpu.memory_space<vmem>>, vector<1x16xf32>,
      %get3A_710 = vector.shape_cast %get3A_709 : vector<1x16xf32> to vector<16xf32>
      %mul3A_711 = arith.constant 3.125000e-02 : f32
      %mul3A_712 = vector.broadcast %mul3A_711 : f32 to vector<16xf32>
      %mul3A_713 = arith.mulf %get3A_710, %mul3A_712 : vector<16xf32>
      %swap3A_714 = arith.index_cast %scan3A_706 : i32 to index
      %swap3A_715 = arith.constant 0 : index
      %swap3A_716 = tpu.vector_load %arg8[%swap3A_714, %swap3A_715] {strides = array<i32>} : memref<128x128xf32, #tpu.memory_space<vmem>>, vector<1x16xf32>,
      %swap3A_717 = vector.shape_cast %swap3A_716 : vector<1x16xf32> to vector<16xf32>
      %swap3A_718 = vector.shape_cast %mul3A_713 : vector<16xf32> to vector<1x16xf32>
      tpu.vector_store %arg8[%swap3A_714, %swap3A_715], %swap3A_718 {strides = array<i32>} : memref<128x128xf32, #tpu.memory_space<vmem>>, vector<1x16xf32>,
      %get3A_719 = arith.index_cast %scan3A_706 : i32 to index
      %get3A_720 = arith.constant 16 : index
      %get3A_721 = tpu.vector_load %arg8[%get3A_719, %get3A_720] {strides = array<i32>} : memref<128x128xf32, #tpu.memory_space<vmem>>, vector<1x16xf32>,
      %get3A_722 = vector.shape_cast %get3A_721 : vector<1x16xf32> to vector<16xf32>
      %mul3A_723 = arith.constant 3.125000e-02 : f32
      %mul3A_724 = vector.broadcast %mul3A_723 : f32 to vector<16xf32>
      %mul3A_725 = arith.mulf %get3A_722, %mul3A_724 : vector<16xf32>
      %swap3A_726 = arith.index_cast %scan3A_706 : i32 to index
      %swap3A_727 = arith.constant 16 : index
      %swap3A_728 = tpu.vector_load %arg8[%swap3A_726, %swap3A_727] {strides = array<i32>} : memref<128x128xf32, #tpu.memory_space<vmem>>, vector<1x16xf32>,
      %swap3A_729 = vector.shape_cast %swap3A_728 : vector<1x16xf32> to vector<16xf32>
      %swap3A_730 = vector.shape_cast %mul3A_725 : vector<16xf32> to vector<1x16xf32>
      tpu.vector_store %arg8[%swap3A_726, %swap3A_727], %swap3A_730 {strides = array<i32>} : memref<128x128xf32, #tpu.memory_space<vmem>>, vector<1x16xf32>,
      %get3A_731 = arith.index_cast %scan3A_706 : i32 to index
      %get3A_732 = arith.constant 32 : index
      %get3A_733 = tpu.vector_load %arg8[%get3A_731, %get3A_732] {strides = array<i32>} : memref<128x128xf32, #tpu.memory_space<vmem>>, vector<1x16xf32>,
      %get3A_734 = vector.shape_cast %get3A_733 : vector<1x16xf32> to vector<16xf32>
      %mul3A_735 = arith.constant 3.125000e-02 : f32
      %mul3A_736 = vector.broadcast %mul3A_735 : f32 to vector<16xf32>
      %mul3A_737 = arith.mulf %get3A_734, %mul3A_736 : vector<16xf32>
      %swap3A_738 = arith.index_cast %scan3A_706 : i32 to index
      %swap3A_739 = arith.constant 32 : index
      %swap3A_740 = tpu.vector_load %arg8[%swap3A_738, %swap3A_739] {strides = array<i32>} : memref<128x128xf32, #tpu.memory_space<vmem>>, vector<1x16xf32>,
      %swap3A_741 = vector.shape_cast %swap3A_740 : vector<1x16xf32> to vector<16xf32>
      %swap3A_742 = vector.shape_cast %mul3A_737 : vector<16xf32> to vector<1x16xf32>
      tpu.vector_store %arg8[%swap3A_738, %swap3A_739], %swap3A_742 {strides = array<i32>} : memref<128x128xf32, #tpu.memory_space<vmem>>, vector<1x16xf32>,
      %get3A_743 = arith.index_cast %scan3A_706 : i32 to index
      %get3A_744 = arith.constant 48 : index
      %get3A_745 = tpu.vector_load %arg8[%get3A_743, %get3A_744] {strides = array<i32>} : memref<128x128xf32, #tpu.memory_space<vmem>>, vector<1x16xf32>,
      %get3A_746 = vector.shape_cast %get3A_745 : vector<1x16xf32> to vector<16xf32>
      %mul3A_747 = arith.constant 3.125000e-02 : f32
      %mul3A_748 = vector.broadcast %mul3A_747 : f32 to vector<16xf32>
      %mul3A_749 = arith.mulf %get3A_746, %mul3A_748 : vector<16xf32>
      %swap3A_750 = arith.index_cast %scan3A_706 : i32 to index
      %swap3A_751 = arith.constant 48 : index
      %swap3A_752 = tpu.vector_load %arg8[%swap3A_750, %swap3A_751] {strides = array<i32>} : memref<128x128xf32, #tpu.memory_space<vmem>>, vector<1x16xf32>,
      %swap3A_753 = vector.shape_cast %swap3A_752 : vector<1x16xf32> to vector<16xf32>
      %swap3A_754 = vector.shape_cast %mul3A_749 : vector<16xf32> to vector<1x16xf32>
      tpu.vector_store %arg8[%swap3A_750, %swap3A_751], %swap3A_754 {strides = array<i32>} : memref<128x128xf32, #tpu.memory_space<vmem>>, vector<1x16xf32>,
      %get3A_755 = arith.index_cast %scan3A_706 : i32 to index
      %get3A_756 = arith.constant 64 : index
      %get3A_757 = tpu.vector_load %arg8[%get3A_755, %get3A_756] {strides = array<i32>} : memref<128x128xf32, #tpu.memory_space<vmem>>, vector<1x16xf32>,
      %get3A_758 = vector.shape_cast %get3A_757 : vector<1x16xf32> to vector<16xf32>
      %mul3A_759 = arith.constant 3.125000e-02 : f32
      %mul3A_760 = vector.broadcast %mul3A_759 : f32 to vector<16xf32>
      %mul3A_761 = arith.mulf %get3A_758, %mul3A_760 : vector<16xf32>
      %swap3A_762 = arith.index_cast %scan3A_706 : i32 to index
      %swap3A_763 = arith.constant 64 : index
      %swap3A_764 = tpu.vector_load %arg8[%swap3A_762, %swap3A_763] {strides = array<i32>} : memref<128x128xf32, #tpu.memory_space<vmem>>, vector<1x16xf32>,
      %swap3A_765 = vector.shape_cast %swap3A_764 : vector<1x16xf32> to vector<16xf32>
      %swap3A_766 = vector.shape_cast %mul3A_761 : vector<16xf32> to vector<1x16xf32>
      tpu.vector_store %arg8[%swap3A_762, %swap3A_763], %swap3A_766 {strides = array<i32>} : memref<128x128xf32, #tpu.memory_space<vmem>>, vector<1x16xf32>,
      %get3A_767 = arith.index_cast %scan3A_706 : i32 to index
      %get3A_768 = arith.constant 80 : index
      %get3A_769 = tpu.vector_load %arg8[%get3A_767, %get3A_768] {strides = array<i32>} : memref<128x128xf32, #tpu.memory_space<vmem>>, vector<1x16xf32>,
      %get3A_770 = vector.shape_cast %get3A_769 : vector<1x16xf32> to vector<16xf32>
      %mul3A_771 = arith.constant 3.125000e-02 : f32
      %mul3A_772 = vector.broadcast %mul3A_771 : f32 to vector<16xf32>
      %mul3A_773 = arith.mulf %get3A_770, %mul3A_772 : vector<16xf32>
      %swap3A_774 = arith.index_cast %scan3A_706 : i32 to index
      %swap3A_775 = arith.constant 80 : index
      %swap3A_776 = tpu.vector_load %arg8[%swap3A_774, %swap3A_775] {strides = array<i32>} : memref<128x128xf32, #tpu.memory_space<vmem>>, vector<1x16xf32>,
      %swap3A_777 = vector.shape_cast %swap3A_776 : vector<1x16xf32> to vector<16xf32>
      %swap3A_778 = vector.shape_cast %mul3A_773 : vector<16xf32> to vector<1x16xf32>
      tpu.vector_store %arg8[%swap3A_774, %swap3A_775], %swap3A_778 {strides = array<i32>} : memref<128x128xf32, #tpu.memory_space<vmem>>, vector<1x16xf32>,
      %get3A_779 = arith.index_cast %scan3A_706 : i32 to index
      %get3A_780 = arith.constant 96 : index
      %get3A_781 = tpu.vector_load %arg8[%get3A_779, %get3A_780] {strides = array<i32>} : memref<128x128xf32, #tpu.memory_space<vmem>>, vector<1x16xf32>,
      %get3A_782 = vector.shape_cast %get3A_781 : vector<1x16xf32> to vector<16xf32>
      %mul3A_783 = arith.constant 3.125000e-02 : f32
      %mul3A_784 = vector.broadcast %mul3A_783 : f32 to vector<16xf32>
      %mul3A_785 = arith.mulf %get3A_782, %mul3A_784 : vector<16xf32>
      %swap3A_786 = arith.index_cast %scan3A_706 : i32 to index
      %swap3A_787 = arith.constant 96 : index
      %swap3A_788 = tpu.vector_load %arg8[%swap3A_786, %swap3A_787] {strides = array<i32>} : memref<128x128xf32, #tpu.memory_space<vmem>>, vector<1x16xf32>,
      %swap3A_789 = vector.shape_cast %swap3A_788 : vector<1x16xf32> to vector<16xf32>
      %swap3A_790 = vector.shape_cast %mul3A_785 : vector<16xf32> to vector<1x16xf32>
      tpu.vector_store %arg8[%swap3A_786, %swap3A_787], %swap3A_790 {strides = array<i32>} : memref<128x128xf32, #tpu.memory_space<vmem>>, vector<1x16xf32>,
      %get3A_791 = arith.index_cast %scan3A_706 : i32 to index
      %get3A_792 = arith.constant 112 : index
      %get3A_793 = tpu.vector_load %arg8[%get3A_791, %get3A_792] {strides = array<i32>} : memref<128x128xf32, #tpu.memory_space<vmem>>, vector<1x16xf32>,
      %get3A_794 = vector.shape_cast %get3A_793 : vector<1x16xf32> to vector<16xf32>
      %mul3A_795 = arith.constant 3.125000e-02 : f32
      %mul3A_796 = vector.broadcast %mul3A_795 : f32 to vector<16xf32>
      %mul3A_797 = arith.mulf %get3A_794, %mul3A_796 : vector<16xf32>
      %swap3A_798 = arith.index_cast %scan3A_706 : i32 to index
      %swap3A_799 = arith.constant 112 : index
      %swap3A_800 = tpu.vector_load %arg8[%swap3A_798, %swap3A_799] {strides = array<i32>} : memref<128x128xf32, #tpu.memory_space<vmem>>, vector<1x16xf32>,
      %swap3A_801 = vector.shape_cast %swap3A_800 : vector<1x16xf32> to vector<16xf32>
      %swap3A_802 = vector.shape_cast %mul3A_797 : vector<16xf32> to vector<1x16xf32>
      tpu.vector_store %arg8[%swap3A_798, %swap3A_799], %swap3A_802 {strides = array<i32>} : memref<128x128xf32, #tpu.memory_space<vmem>>, vector<1x16xf32>,
    }
    %scan3A_137 = arith.constant 128 : i32
    %lt3A = arith.constant 31 : i32
    %lt3A_138 = arith.cmpi slt, %add3A, %lt3A : i32
    %convert_element_type3A = arith.extui %lt3A_138 : i1 to i32
    %cond3A = arith.constant 0 : i32
    %cond3A_139 = arith.cmpi ne, %convert_element_type3A, %cond3A : i32
    scf.if %cond3A_139 {
      %add3A_414 = arith.constant 0 : i32
      %add3A_415 = arith.addi %mul3A_2, %add3A_414 : i32
      %dma_start3A_416 = arith.constant 0 : i32
      %dma_start3A_417 = arith.constant 0 : i32
      %dma_start3A_418 = tpu.memref_slice %arg8[%dma_start3A_416, %dma_start3A_417] : memref<128x128xf32, #tpu.memory_space<vmem>> -> memref<128x128xf32, #tpu.memory_space<vmem>>
      %dma_start3A_419 = arith.constant 0 : i32
      %dma_start3A_420 = tpu.memref_slice %arg4[%add3A_415, %dma_start3A_419] : memref<10000x128xf32, #tpu.memory_space<hbm>> -> memref<128x128xf32, #tpu.memory_space<hbm>>
      %dma_start3A_421 = arith.constant 0 : i32
      %dma_start3A_422 = tpu.memref_slice %arg4[%add3A_415, %dma_start3A_421] : memref<10000x128xf32, #tpu.memory_space<hbm>> -> memref<128x128xf32, #tpu.memory_space<hbm>>
      %dma_start3A_423 = arith.constant 0 : i32
      %dma_start3A_424 = arith.constant 0 : i32
      %dma_start3A_425 = tpu.memref_slice %arg8[%dma_start3A_423, %dma_start3A_424] : memref<128x128xf32, #tpu.memory_space<vmem>> -> memref<128x128xf32, #tpu.memory_space<vmem>>
      tpu.enqueue_dma source(%dma_start3A_425 : memref<128x128xf32, #tpu.memory_space<vmem>>) target(%dma_start3A_422 : memref<128x128xf32, #tpu.memory_space<hbm>>) target_semaphore(%arg12 : memref<!tpu.dma_semaphore, #tpu.memory_space<semaphore_mem>>)
    } else {
    }
    %eq3A = arith.constant 31 : i32
    %eq3A_140 = arith.cmpi eq, %add3A, %eq3A : i32
    %convert_element_type3A_141 = arith.extui %eq3A_140 : i1 to i32
    %cond3A_142 = arith.constant 0 : i32
    %cond3A_143 = arith.cmpi ne, %convert_element_type3A_141, %cond3A_142 : i32
    scf.if %cond3A_143 {
      %dma_start3A_414 = arith.constant 0 : i32
      %dma_start3A_415 = arith.constant 0 : i32
      %dma_start3A_416 = tpu.memref_slice %arg8[%dma_start3A_414, %dma_start3A_415] : memref<128x128xf32, #tpu.memory_space<vmem>> -> memref<80x128xf32, #tpu.memory_space<vmem>>
      %dma_start3A_417 = arith.constant 9920 : i32
      %dma_start3A_418 = arith.constant 0 : i32
      %dma_start3A_419 = tpu.memref_slice %arg4[%dma_start3A_417, %dma_start3A_418] : memref<10000x128xf32, #tpu.memory_space<hbm>> -> memref<80x128xf32, #tpu.memory_space<hbm>>
      %dma_start3A_420 = arith.constant 9920 : i32
      %dma_start3A_421 = arith.constant 0 : i32
      %dma_start3A_422 = tpu.memref_slice %arg4[%dma_start3A_420, %dma_start3A_421] : memref<10000x128xf32, #tpu.memory_space<hbm>> -> memref<80x128xf32, #tpu.memory_space<hbm>>
      %dma_start3A_423 = arith.constant 0 : i32
      %dma_start3A_424 = arith.constant 0 : i32
      %dma_start3A_425 = tpu.memref_slice %arg8[%dma_start3A_423, %dma_start3A_424] : memref<128x128xf32, #tpu.memory_space<vmem>> -> memref<80x128xf32, #tpu.memory_space<vmem>>
      tpu.enqueue_dma source(%dma_start3A_425 : memref<80x128xf32, #tpu.memory_space<vmem>>) target(%dma_start3A_422 : memref<80x128xf32, #tpu.memory_space<hbm>>) target_semaphore(%arg12 : memref<!tpu.dma_semaphore, #tpu.memory_space<semaphore_mem>>)
    } else {
    }
    %lt3A_144 = arith.constant 31 : i32
    %lt3A_145 = arith.cmpi slt, %add3A, %lt3A_144 : i32
    %convert_element_type3A_146 = arith.extui %lt3A_145 : i1 to i32
    %cond3A_147 = arith.constant 0 : i32
    %cond3A_148 = arith.cmpi ne, %convert_element_type3A_146, %cond3A_147 : i32
    scf.if %cond3A_148 {
      %dma_wait3A_414 = arith.constant 0 : i32
      %dma_wait3A_415 = arith.constant 0 : i32
      %dma_wait3A_416 = tpu.memref_slice %arg8[%dma_wait3A_414, %dma_wait3A_415] : memref<128x128xf32, #tpu.memory_space<vmem>> -> memref<128x128xf32, #tpu.memory_space<vmem>>
      %dma_wait3A_417 = arith.constant 0 : i32
      %dma_wait3A_418 = arith.constant 0 : i32
      %dma_wait3A_419 = tpu.memref_slice %arg4[%dma_wait3A_417, %dma_wait3A_418] : memref<10000x128xf32, #tpu.memory_space<hbm>> -> memref<128x128xf32, #tpu.memory_space<hbm>>
      %dma_wait3A_420 = arith.constant 0 : i32
      %dma_wait3A_421 = arith.constant 0 : i32
      %dma_wait3A_422 = tpu.memref_slice %arg4[%dma_wait3A_420, %dma_wait3A_421] : memref<10000x128xf32, #tpu.memory_space<hbm>> -> memref<128x128xf32, #tpu.memory_space<hbm>>
      %dma_wait3A_423 = arith.constant 0 : i32
      %dma_wait3A_424 = arith.constant 0 : i32
      %dma_wait3A_425 = tpu.memref_slice %arg8[%dma_wait3A_423, %dma_wait3A_424] : memref<128x128xf32, #tpu.memory_space<vmem>> -> memref<128x128xf32, #tpu.memory_space<vmem>>
      tpu.wait_dma2 semaphore(%arg12 : memref<!tpu.dma_semaphore, #tpu.memory_space<semaphore_mem>>) src(%dma_wait3A_425 : memref<128x128xf32, #tpu.memory_space<vmem>>) dst(%dma_wait3A_422 : memref<128x128xf32, #tpu.memory_space<hbm>>)
    } else {
    }
    %eq3A_149 = arith.constant 31 : i32
    %eq3A_150 = arith.cmpi eq, %add3A, %eq3A_149 : i32
    %convert_element_type3A_151 = arith.extui %eq3A_150 : i1 to i32
    %cond3A_152 = arith.constant 0 : i32
    %cond3A_153 = arith.cmpi ne, %convert_element_type3A_151, %cond3A_152 : i32
    scf.if %cond3A_153 {
      %dma_wait3A_414 = arith.constant 0 : i32
      %dma_wait3A_415 = arith.constant 0 : i32
      %dma_wait3A_416 = tpu.memref_slice %arg8[%dma_wait3A_414, %dma_wait3A_415] : memref<128x128xf32, #tpu.memory_space<vmem>> -> memref<80x128xf32, #tpu.memory_space<vmem>>
      %dma_wait3A_417 = arith.constant 0 : i32
      %dma_wait3A_418 = arith.constant 0 : i32
      %dma_wait3A_419 = tpu.memref_slice %arg4[%dma_wait3A_417, %dma_wait3A_418] : memref<10000x128xf32, #tpu.memory_space<hbm>> -> memref<80x128xf32, #tpu.memory_space<hbm>>
      %dma_wait3A_420 = arith.constant 0 : i32
      %dma_wait3A_421 = arith.constant 0 : i32
      %dma_wait3A_422 = tpu.memref_slice %arg4[%dma_wait3A_420, %dma_wait3A_421] : memref<10000x128xf32, #tpu.memory_space<hbm>> -> memref<80x128xf32, #tpu.memory_space<hbm>>
      %dma_wait3A_423 = arith.constant 0 : i32
      %dma_wait3A_424 = arith.constant 0 : i32
      %dma_wait3A_425 = tpu.memref_slice %arg8[%dma_wait3A_423, %dma_wait3A_424] : memref<128x128xf32, #tpu.memory_space<vmem>> -> memref<80x128xf32, #tpu.memory_space<vmem>>
      tpu.wait_dma2 semaphore(%arg12 : memref<!tpu.dma_semaphore, #tpu.memory_space<semaphore_mem>>) src(%dma_wait3A_425 : memref<80x128xf32, #tpu.memory_space<vmem>>) dst(%dma_wait3A_422 : memref<80x128xf32, #tpu.memory_space<hbm>>)
    } else {
    }
    %scan3A_154 = arith.constant 0 : i32
    %scan3A_155 = arith.constant 0 : i32
    %scan3A_156 = arith.constant 64 : i32
    %scan3A_157 = arith.addi %scan3A_155, %scan3A_156 : i32
    %scan3A_158 = arith.constant 4 : i32
    scf.for %scan3A_414 = %scan3A_155 to %scan3A_157 step %scan3A_158  : i32 {
      %swap3A = arith.index_cast %scan3A_414 : i32 to index
      %swap3A_415 = arith.constant 0 : index
      %swap3A_416 = tpu.vector_load %arg8[%swap3A, %swap3A_415] {strides = array<i32>} : memref<128x128xf32, #tpu.memory_space<vmem>>, vector<1x16xf32>,
      %swap3A_417 = vector.shape_cast %swap3A_416 : vector<1x16xf32> to vector<16xf32>
      %swap3A_418 = vector.shape_cast %broadcast_in_dim3A_3 : vector<16xf32> to vector<1x16xf32>
      tpu.vector_store %arg8[%swap3A, %swap3A_415], %swap3A_418 {strides = array<i32>} : memref<128x128xf32, #tpu.memory_space<vmem>>, vector<1x16xf32>,
      %swap3A_419 = arith.index_cast %scan3A_414 : i32 to index
      %swap3A_420 = arith.constant 16 : index
      %swap3A_421 = tpu.vector_load %arg8[%swap3A_419, %swap3A_420] {strides = array<i32>} : memref<128x128xf32, #tpu.memory_space<vmem>>, vector<1x16xf32>,
      %swap3A_422 = vector.shape_cast %swap3A_421 : vector<1x16xf32> to vector<16xf32>
      %swap3A_423 = vector.shape_cast %broadcast_in_dim3A_3 : vector<16xf32> to vector<1x16xf32>
      tpu.vector_store %arg8[%swap3A_419, %swap3A_420], %swap3A_423 {strides = array<i32>} : memref<128x128xf32, #tpu.memory_space<vmem>>, vector<1x16xf32>,
      %swap3A_424 = arith.index_cast %scan3A_414 : i32 to index
      %swap3A_425 = arith.constant 32 : index
      %swap3A_426 = tpu.vector_load %arg8[%swap3A_424, %swap3A_425] {strides = array<i32>} : memref<128x128xf32, #tpu.memory_space<vmem>>, vector<1x16xf32>,
      %swap3A_427 = vector.shape_cast %swap3A_426 : vector<1x16xf32> to vector<16xf32>
      %swap3A_428 = vector.shape_cast %broadcast_in_dim3A_3 : vector<16xf32> to vector<1x16xf32>
      tpu.vector_store %arg8[%swap3A_424, %swap3A_425], %swap3A_428 {strides = array<i32>} : memref<128x128xf32, #tpu.memory_space<vmem>>, vector<1x16xf32>,
      %swap3A_429 = arith.index_cast %scan3A_414 : i32 to index
      %swap3A_430 = arith.constant 48 : index
      %swap3A_431 = tpu.vector_load %arg8[%swap3A_429, %swap3A_430] {strides = array<i32>} : memref<128x128xf32, #tpu.memory_space<vmem>>, vector<1x16xf32>,
      %swap3A_432 = vector.shape_cast %swap3A_431 : vector<1x16xf32> to vector<16xf32>
      %swap3A_433 = vector.shape_cast %broadcast_in_dim3A_3 : vector<16xf32> to vector<1x16xf32>
      tpu.vector_store %arg8[%swap3A_429, %swap3A_430], %swap3A_433 {strides = array<i32>} : memref<128x128xf32, #tpu.memory_space<vmem>>, vector<1x16xf32>,
      %swap3A_434 = arith.index_cast %scan3A_414 : i32 to index
      %swap3A_435 = arith.constant 64 : index
      %swap3A_436 = tpu.vector_load %arg8[%swap3A_434, %swap3A_435] {strides = array<i32>} : memref<128x128xf32, #tpu.memory_space<vmem>>, vector<1x16xf32>,
      %swap3A_437 = vector.shape_cast %swap3A_436 : vector<1x16xf32> to vector<16xf32>
      %swap3A_438 = vector.shape_cast %broadcast_in_dim3A_3 : vector<16xf32> to vector<1x16xf32>
      tpu.vector_store %arg8[%swap3A_434, %swap3A_435], %swap3A_438 {strides = array<i32>} : memref<128x128xf32, #tpu.memory_space<vmem>>, vector<1x16xf32>,
      %swap3A_439 = arith.index_cast %scan3A_414 : i32 to index
      %swap3A_440 = arith.constant 80 : index
      %swap3A_441 = tpu.vector_load %arg8[%swap3A_439, %swap3A_440] {strides = array<i32>} : memref<128x128xf32, #tpu.memory_space<vmem>>, vector<1x16xf32>,
      %swap3A_442 = vector.shape_cast %swap3A_441 : vector<1x16xf32> to vector<16xf32>
      %swap3A_443 = vector.shape_cast %broadcast_in_dim3A_3 : vector<16xf32> to vector<1x16xf32>
      tpu.vector_store %arg8[%swap3A_439, %swap3A_440], %swap3A_443 {strides = array<i32>} : memref<128x128xf32, #tpu.memory_space<vmem>>, vector<1x16xf32>,
      %swap3A_444 = arith.index_cast %scan3A_414 : i32 to index
      %swap3A_445 = arith.constant 96 : index
      %swap3A_446 = tpu.vector_load %arg8[%swap3A_444, %swap3A_445] {strides = array<i32>} : memref<128x128xf32, #tpu.memory_space<vmem>>, vector<1x16xf32>,
      %swap3A_447 = vector.shape_cast %swap3A_446 : vector<1x16xf32> to vector<16xf32>
      %swap3A_448 = vector.shape_cast %broadcast_in_dim3A_3 : vector<16xf32> to vector<1x16xf32>
      tpu.vector_store %arg8[%swap3A_444, %swap3A_445], %swap3A_448 {strides = array<i32>} : memref<128x128xf32, #tpu.memory_space<vmem>>, vector<1x16xf32>,
      %swap3A_449 = arith.index_cast %scan3A_414 : i32 to index
      %swap3A_450 = arith.constant 112 : index
      %swap3A_451 = tpu.vector_load %arg8[%swap3A_449, %swap3A_450] {strides = array<i32>} : memref<128x128xf32, #tpu.memory_space<vmem>>, vector<1x16xf32>,
      %swap3A_452 = vector.shape_cast %swap3A_451 : vector<1x16xf32> to vector<16xf32>
      %swap3A_453 = vector.shape_cast %broadcast_in_dim3A_3 : vector<16xf32> to vector<1x16xf32>
      tpu.vector_store %arg8[%swap3A_449, %swap3A_450], %swap3A_453 {strides = array<i32>} : memref<128x128xf32, #tpu.memory_space<vmem>>, vector<1x16xf32>,
      %scan3A_454 = arith.constant 1 : i32
      %scan3A_455 = arith.addi %scan3A_414, %scan3A_454 : i32
      %swap3A_456 = arith.index_cast %scan3A_455 : i32 to index
      %swap3A_457 = arith.constant 0 : index
      %swap3A_458 = tpu.vector_load %arg8[%swap3A_456, %swap3A_457] {strides = array<i32>} : memref<128x128xf32, #tpu.memory_space<vmem>>, vector<1x16xf32>,
      %swap3A_459 = vector.shape_cast %swap3A_458 : vector<1x16xf32> to vector<16xf32>
      %swap3A_460 = vector.shape_cast %broadcast_in_dim3A_3 : vector<16xf32> to vector<1x16xf32>
      tpu.vector_store %arg8[%swap3A_456, %swap3A_457], %swap3A_460 {strides = array<i32>} : memref<128x128xf32, #tpu.memory_space<vmem>>, vector<1x16xf32>,
      %swap3A_461 = arith.index_cast %scan3A_455 : i32 to index
      %swap3A_462 = arith.constant 16 : index
      %swap3A_463 = tpu.vector_load %arg8[%swap3A_461, %swap3A_462] {strides = array<i32>} : memref<128x128xf32, #tpu.memory_space<vmem>>, vector<1x16xf32>,
      %swap3A_464 = vector.shape_cast %swap3A_463 : vector<1x16xf32> to vector<16xf32>
      %swap3A_465 = vector.shape_cast %broadcast_in_dim3A_3 : vector<16xf32> to vector<1x16xf32>
      tpu.vector_store %arg8[%swap3A_461, %swap3A_462], %swap3A_465 {strides = array<i32>} : memref<128x128xf32, #tpu.memory_space<vmem>>, vector<1x16xf32>,
      %swap3A_466 = arith.index_cast %scan3A_455 : i32 to index
      %swap3A_467 = arith.constant 32 : index
      %swap3A_468 = tpu.vector_load %arg8[%swap3A_466, %swap3A_467] {strides = array<i32>} : memref<128x128xf32, #tpu.memory_space<vmem>>, vector<1x16xf32>,
      %swap3A_469 = vector.shape_cast %swap3A_468 : vector<1x16xf32> to vector<16xf32>
      %swap3A_470 = vector.shape_cast %broadcast_in_dim3A_3 : vector<16xf32> to vector<1x16xf32>
      tpu.vector_store %arg8[%swap3A_466, %swap3A_467], %swap3A_470 {strides = array<i32>} : memref<128x128xf32, #tpu.memory_space<vmem>>, vector<1x16xf32>,
      %swap3A_471 = arith.index_cast %scan3A_455 : i32 to index
      %swap3A_472 = arith.constant 48 : index
      %swap3A_473 = tpu.vector_load %arg8[%swap3A_471, %swap3A_472] {strides = array<i32>} : memref<128x128xf32, #tpu.memory_space<vmem>>, vector<1x16xf32>,
      %swap3A_474 = vector.shape_cast %swap3A_473 : vector<1x16xf32> to vector<16xf32>
      %swap3A_475 = vector.shape_cast %broadcast_in_dim3A_3 : vector<16xf32> to vector<1x16xf32>
      tpu.vector_store %arg8[%swap3A_471, %swap3A_472], %swap3A_475 {strides = array<i32>} : memref<128x128xf32, #tpu.memory_space<vmem>>, vector<1x16xf32>,
      %swap3A_476 = arith.index_cast %scan3A_455 : i32 to index
      %swap3A_477 = arith.constant 64 : index
      %swap3A_478 = tpu.vector_load %arg8[%swap3A_476, %swap3A_477] {strides = array<i32>} : memref<128x128xf32, #tpu.memory_space<vmem>>, vector<1x16xf32>,
      %swap3A_479 = vector.shape_cast %swap3A_478 : vector<1x16xf32> to vector<16xf32>
      %swap3A_480 = vector.shape_cast %broadcast_in_dim3A_3 : vector<16xf32> to vector<1x16xf32>
      tpu.vector_store %arg8[%swap3A_476, %swap3A_477], %swap3A_480 {strides = array<i32>} : memref<128x128xf32, #tpu.memory_space<vmem>>, vector<1x16xf32>,
      %swap3A_481 = arith.index_cast %scan3A_455 : i32 to index
      %swap3A_482 = arith.constant 80 : index
      %swap3A_483 = tpu.vector_load %arg8[%swap3A_481, %swap3A_482] {strides = array<i32>} : memref<128x128xf32, #tpu.memory_space<vmem>>, vector<1x16xf32>,
      %swap3A_484 = vector.shape_cast %swap3A_483 : vector<1x16xf32> to vector<16xf32>
      %swap3A_485 = vector.shape_cast %broadcast_in_dim3A_3 : vector<16xf32> to vector<1x16xf32>
      tpu.vector_store %arg8[%swap3A_481, %swap3A_482], %swap3A_485 {strides = array<i32>} : memref<128x128xf32, #tpu.memory_space<vmem>>, vector<1x16xf32>,
      %swap3A_486 = arith.index_cast %scan3A_455 : i32 to index
      %swap3A_487 = arith.constant 96 : index
      %swap3A_488 = tpu.vector_load %arg8[%swap3A_486, %swap3A_487] {strides = array<i32>} : memref<128x128xf32, #tpu.memory_space<vmem>>, vector<1x16xf32>,
      %swap3A_489 = vector.shape_cast %swap3A_488 : vector<1x16xf32> to vector<16xf32>
      %swap3A_490 = vector.shape_cast %broadcast_in_dim3A_3 : vector<16xf32> to vector<1x16xf32>
      tpu.vector_store %arg8[%swap3A_486, %swap3A_487], %swap3A_490 {strides = array<i32>} : memref<128x128xf32, #tpu.memory_space<vmem>>, vector<1x16xf32>,
      %swap3A_491 = arith.index_cast %scan3A_455 : i32 to index
      %swap3A_492 = arith.constant 112 : index
      %swap3A_493 = tpu.vector_load %arg8[%swap3A_491, %swap3A_492] {strides = array<i32>} : memref<128x128xf32, #tpu.memory_space<vmem>>, vector<1x16xf32>,
      %swap3A_494 = vector.shape_cast %swap3A_493 : vector<1x16xf32> to vector<16xf32>
      %swap3A_495 = vector.shape_cast %broadcast_in_dim3A_3 : vector<16xf32> to vector<1x16xf32>
      tpu.vector_store %arg8[%swap3A_491, %swap3A_492], %swap3A_495 {strides = array<i32>} : memref<128x128xf32, #tpu.memory_space<vmem>>, vector<1x16xf32>,
      %scan3A_496 = arith.constant 2 : i32
      %scan3A_497 = arith.addi %scan3A_414, %scan3A_496 : i32
      %swap3A_498 = arith.index_cast %scan3A_497 : i32 to index
      %swap3A_499 = arith.constant 0 : index
      %swap3A_500 = tpu.vector_load %arg8[%swap3A_498, %swap3A_499] {strides = array<i32>} : memref<128x128xf32, #tpu.memory_space<vmem>>, vector<1x16xf32>,
      %swap3A_501 = vector.shape_cast %swap3A_500 : vector<1x16xf32> to vector<16xf32>
      %swap3A_502 = vector.shape_cast %broadcast_in_dim3A_3 : vector<16xf32> to vector<1x16xf32>
      tpu.vector_store %arg8[%swap3A_498, %swap3A_499], %swap3A_502 {strides = array<i32>} : memref<128x128xf32, #tpu.memory_space<vmem>>, vector<1x16xf32>,
      %swap3A_503 = arith.index_cast %scan3A_497 : i32 to index
      %swap3A_504 = arith.constant 16 : index
      %swap3A_505 = tpu.vector_load %arg8[%swap3A_503, %swap3A_504] {strides = array<i32>} : memref<128x128xf32, #tpu.memory_space<vmem>>, vector<1x16xf32>,
      %swap3A_506 = vector.shape_cast %swap3A_505 : vector<1x16xf32> to vector<16xf32>
      %swap3A_507 = vector.shape_cast %broadcast_in_dim3A_3 : vector<16xf32> to vector<1x16xf32>
      tpu.vector_store %arg8[%swap3A_503, %swap3A_504], %swap3A_507 {strides = array<i32>} : memref<128x128xf32, #tpu.memory_space<vmem>>, vector<1x16xf32>,
      %swap3A_508 = arith.index_cast %scan3A_497 : i32 to index
      %swap3A_509 = arith.constant 32 : index
      %swap3A_510 = tpu.vector_load %arg8[%swap3A_508, %swap3A_509] {strides = array<i32>} : memref<128x128xf32, #tpu.memory_space<vmem>>, vector<1x16xf32>,
      %swap3A_511 = vector.shape_cast %swap3A_510 : vector<1x16xf32> to vector<16xf32>
      %swap3A_512 = vector.shape_cast %broadcast_in_dim3A_3 : vector<16xf32> to vector<1x16xf32>
      tpu.vector_store %arg8[%swap3A_508, %swap3A_509], %swap3A_512 {strides = array<i32>} : memref<128x128xf32, #tpu.memory_space<vmem>>, vector<1x16xf32>,
      %swap3A_513 = arith.index_cast %scan3A_497 : i32 to index
      %swap3A_514 = arith.constant 48 : index
      %swap3A_515 = tpu.vector_load %arg8[%swap3A_513, %swap3A_514] {strides = array<i32>} : memref<128x128xf32, #tpu.memory_space<vmem>>, vector<1x16xf32>,
      %swap3A_516 = vector.shape_cast %swap3A_515 : vector<1x16xf32> to vector<16xf32>
      %swap3A_517 = vector.shape_cast %broadcast_in_dim3A_3 : vector<16xf32> to vector<1x16xf32>
      tpu.vector_store %arg8[%swap3A_513, %swap3A_514], %swap3A_517 {strides = array<i32>} : memref<128x128xf32, #tpu.memory_space<vmem>>, vector<1x16xf32>,
      %swap3A_518 = arith.index_cast %scan3A_497 : i32 to index
      %swap3A_519 = arith.constant 64 : index
      %swap3A_520 = tpu.vector_load %arg8[%swap3A_518, %swap3A_519] {strides = array<i32>} : memref<128x128xf32, #tpu.memory_space<vmem>>, vector<1x16xf32>,
      %swap3A_521 = vector.shape_cast %swap3A_520 : vector<1x16xf32> to vector<16xf32>
      %swap3A_522 = vector.shape_cast %broadcast_in_dim3A_3 : vector<16xf32> to vector<1x16xf32>
      tpu.vector_store %arg8[%swap3A_518, %swap3A_519], %swap3A_522 {strides = array<i32>} : memref<128x128xf32, #tpu.memory_space<vmem>>, vector<1x16xf32>,
      %swap3A_523 = arith.index_cast %scan3A_497 : i32 to index
      %swap3A_524 = arith.constant 80 : index
      %swap3A_525 = tpu.vector_load %arg8[%swap3A_523, %swap3A_524] {strides = array<i32>} : memref<128x128xf32, #tpu.memory_space<vmem>>, vector<1x16xf32>,
      %swap3A_526 = vector.shape_cast %swap3A_525 : vector<1x16xf32> to vector<16xf32>
      %swap3A_527 = vector.shape_cast %broadcast_in_dim3A_3 : vector<16xf32> to vector<1x16xf32>
      tpu.vector_store %arg8[%swap3A_523, %swap3A_524], %swap3A_527 {strides = array<i32>} : memref<128x128xf32, #tpu.memory_space<vmem>>, vector<1x16xf32>,
      %swap3A_528 = arith.index_cast %scan3A_497 : i32 to index
      %swap3A_529 = arith.constant 96 : index
      %swap3A_530 = tpu.vector_load %arg8[%swap3A_528, %swap3A_529] {strides = array<i32>} : memref<128x128xf32, #tpu.memory_space<vmem>>, vector<1x16xf32>,
      %swap3A_531 = vector.shape_cast %swap3A_530 : vector<1x16xf32> to vector<16xf32>
      %swap3A_532 = vector.shape_cast %broadcast_in_dim3A_3 : vector<16xf32> to vector<1x16xf32>
      tpu.vector_store %arg8[%swap3A_528, %swap3A_529], %swap3A_532 {strides = array<i32>} : memref<128x128xf32, #tpu.memory_space<vmem>>, vector<1x16xf32>,
      %swap3A_533 = arith.index_cast %scan3A_497 : i32 to index
      %swap3A_534 = arith.constant 112 : index
      %swap3A_535 = tpu.vector_load %arg8[%swap3A_533, %swap3A_534] {strides = array<i32>} : memref<128x128xf32, #tpu.memory_space<vmem>>, vector<1x16xf32>,
      %swap3A_536 = vector.shape_cast %swap3A_535 : vector<1x16xf32> to vector<16xf32>
      %swap3A_537 = vector.shape_cast %broadcast_in_dim3A_3 : vector<16xf32> to vector<1x16xf32>
      tpu.vector_store %arg8[%swap3A_533, %swap3A_534], %swap3A_537 {strides = array<i32>} : memref<128x128xf32, #tpu.memory_space<vmem>>, vector<1x16xf32>,
      %scan3A_538 = arith.constant 3 : i32
      %scan3A_539 = arith.addi %scan3A_414, %scan3A_538 : i32
      %swap3A_540 = arith.index_cast %scan3A_539 : i32 to index
      %swap3A_541 = arith.constant 0 : index
      %swap3A_542 = tpu.vector_load %arg8[%swap3A_540, %swap3A_541] {strides = array<i32>} : memref<128x128xf32, #tpu.memory_space<vmem>>, vector<1x16xf32>,
      %swap3A_543 = vector.shape_cast %swap3A_542 : vector<1x16xf32> to vector<16xf32>
      %swap3A_544 = vector.shape_cast %broadcast_in_dim3A_3 : vector<16xf32> to vector<1x16xf32>
      tpu.vector_store %arg8[%swap3A_540, %swap3A_541], %swap3A_544 {strides = array<i32>} : memref<128x128xf32, #tpu.memory_space<vmem>>, vector<1x16xf32>,
      %swap3A_545 = arith.index_cast %scan3A_539 : i32 to index
      %swap3A_546 = arith.constant 16 : index
      %swap3A_547 = tpu.vector_load %arg8[%swap3A_545, %swap3A_546] {strides = array<i32>} : memref<128x128xf32, #tpu.memory_space<vmem>>, vector<1x16xf32>,
      %swap3A_548 = vector.shape_cast %swap3A_547 : vector<1x16xf32> to vector<16xf32>
      %swap3A_549 = vector.shape_cast %broadcast_in_dim3A_3 : vector<16xf32> to vector<1x16xf32>
      tpu.vector_store %arg8[%swap3A_545, %swap3A_546], %swap3A_549 {strides = array<i32>} : memref<128x128xf32, #tpu.memory_space<vmem>>, vector<1x16xf32>,
      %swap3A_550 = arith.index_cast %scan3A_539 : i32 to index
      %swap3A_551 = arith.constant 32 : index
      %swap3A_552 = tpu.vector_load %arg8[%swap3A_550, %swap3A_551] {strides = array<i32>} : memref<128x128xf32, #tpu.memory_space<vmem>>, vector<1x16xf32>,
      %swap3A_553 = vector.shape_cast %swap3A_552 : vector<1x16xf32> to vector<16xf32>
      %swap3A_554 = vector.shape_cast %broadcast_in_dim3A_3 : vector<16xf32> to vector<1x16xf32>
      tpu.vector_store %arg8[%swap3A_550, %swap3A_551], %swap3A_554 {strides = array<i32>} : memref<128x128xf32, #tpu.memory_space<vmem>>, vector<1x16xf32>,
      %swap3A_555 = arith.index_cast %scan3A_539 : i32 to index
      %swap3A_556 = arith.constant 48 : index
      %swap3A_557 = tpu.vector_load %arg8[%swap3A_555, %swap3A_556] {strides = array<i32>} : memref<128x128xf32, #tpu.memory_space<vmem>>, vector<1x16xf32>,
      %swap3A_558 = vector.shape_cast %swap3A_557 : vector<1x16xf32> to vector<16xf32>
      %swap3A_559 = vector.shape_cast %broadcast_in_dim3A_3 : vector<16xf32> to vector<1x16xf32>
      tpu.vector_store %arg8[%swap3A_555, %swap3A_556], %swap3A_559 {strides = array<i32>} : memref<128x128xf32, #tpu.memory_space<vmem>>, vector<1x16xf32>,
      %swap3A_560 = arith.index_cast %scan3A_539 : i32 to index
      %swap3A_561 = arith.constant 64 : index
      %swap3A_562 = tpu.vector_load %arg8[%swap3A_560, %swap3A_561] {strides = array<i32>} : memref<128x128xf32, #tpu.memory_space<vmem>>, vector<1x16xf32>,
      %swap3A_563 = vector.shape_cast %swap3A_562 : vector<1x16xf32> to vector<16xf32>
      %swap3A_564 = vector.shape_cast %broadcast_in_dim3A_3 : vector<16xf32> to vector<1x16xf32>
      tpu.vector_store %arg8[%swap3A_560, %swap3A_561], %swap3A_564 {strides = array<i32>} : memref<128x128xf32, #tpu.memory_space<vmem>>, vector<1x16xf32>,
      %swap3A_565 = arith.index_cast %scan3A_539 : i32 to index
      %swap3A_566 = arith.constant 80 : index
      %swap3A_567 = tpu.vector_load %arg8[%swap3A_565, %swap3A_566] {strides = array<i32>} : memref<128x128xf32, #tpu.memory_space<vmem>>, vector<1x16xf32>,
      %swap3A_568 = vector.shape_cast %swap3A_567 : vector<1x16xf32> to vector<16xf32>
      %swap3A_569 = vector.shape_cast %broadcast_in_dim3A_3 : vector<16xf32> to vector<1x16xf32>
      tpu.vector_store %arg8[%swap3A_565, %swap3A_566], %swap3A_569 {strides = array<i32>} : memref<128x128xf32, #tpu.memory_space<vmem>>, vector<1x16xf32>,
      %swap3A_570 = arith.index_cast %scan3A_539 : i32 to index
      %swap3A_571 = arith.constant 96 : index
      %swap3A_572 = tpu.vector_load %arg8[%swap3A_570, %swap3A_571] {strides = array<i32>} : memref<128x128xf32, #tpu.memory_space<vmem>>, vector<1x16xf32>,
      %swap3A_573 = vector.shape_cast %swap3A_572 : vector<1x16xf32> to vector<16xf32>
      %swap3A_574 = vector.shape_cast %broadcast_in_dim3A_3 : vector<16xf32> to vector<1x16xf32>
      tpu.vector_store %arg8[%swap3A_570, %swap3A_571], %swap3A_574 {strides = array<i32>} : memref<128x128xf32, #tpu.memory_space<vmem>>, vector<1x16xf32>,
      %swap3A_575 = arith.index_cast %scan3A_539 : i32 to index
      %swap3A_576 = arith.constant 112 : index
      %swap3A_577 = tpu.vector_load %arg8[%swap3A_575, %swap3A_576] {strides = array<i32>} : memref<128x128xf32, #tpu.memory_space<vmem>>, vector<1x16xf32>,
      %swap3A_578 = vector.shape_cast %swap3A_577 : vector<1x16xf32> to vector<16xf32>
      %swap3A_579 = vector.shape_cast %broadcast_in_dim3A_3 : vector<16xf32> to vector<1x16xf32>
      tpu.vector_store %arg8[%swap3A_575, %swap3A_576], %swap3A_579 {strides = array<i32>} : memref<128x128xf32, #tpu.memory_space<vmem>>, vector<1x16xf32>,
    }
    %scan3A_159 = arith.constant 64 : i32
    %scan3A_160 = arith.constant 0 : i32
    %scan3A_161 = arith.constant 0 : i32
    %scan3A_162 = arith.constant 32 : i32
    %scan3A_163 = arith.addi %scan3A_161, %scan3A_162 : i32
    %scan3A_164 = arith.constant 1 : i32
    scf.for %scan3A_414 = %scan3A_161 to %scan3A_163 step %scan3A_164  : i32 {
      %dma_start3A_415 = arith.constant 2 : i32
      %dma_start3A_416 = arith.constant 0 : i32
      %dma_start3A_417 = arith.constant 0 : i32
      %dma_start3A_418 = tpu.memref_slice %arg8[%dma_start3A_416, %dma_start3A_417] : memref<128x128xf32, #tpu.memory_space<vmem>> -> memref<64x128xf32, #tpu.memory_space<vmem>>
      %dma_start3A_419 = arith.constant 0 : i32
      %dma_start3A_420 = tpu.memref_slice %arg7[%dma_start3A_415, %scan3A_414, %dma_start3A_419] : memref<3x32x128xi32, #tpu.memory_space<vmem>> -> memref<1x1x64xi32, #tpu.memory_space<vmem>>
      %dma_start3A_421 = tpu.memref_squeeze %dma_start3A_420 : memref<1x1x64xi32, #tpu.memory_space<vmem>> -> memref<64xi32, #tpu.memory_space<vmem>>
      %dma_start3A_422 = arith.constant 0 : i32
      %dma_start3A_423 = arith.constant 0 : i32
      %dma_start3A_424 = tpu.memref_slice %arg6[%dma_start3A_422, %dma_start3A_423] : memref<10000x128xf32, #tpu.memory_space<vmem_shared>> -> memref<10000x128xf32, #tpu.memory_space<vmem_shared>>
      tpu.enqueue_indirect_dma source(%dma_start3A_424 : memref<10000x128xf32, #tpu.memory_space<vmem_shared>>) target(%dma_start3A_418 : memref<64x128xf32, #tpu.memory_space<vmem>>) offsets(%dma_start3A_421 : memref<64xi32, #tpu.memory_space<vmem>>) semaphore(%arg10 : memref<!tpu.dma_semaphore, #tpu.memory_space<semaphore_mem>>) {add = true}
      %ge3A = arith.constant 8 : i32
      %ge3A_425 = arith.cmpi sge, %scan3A_414, %ge3A : i32
      %convert_element_type3A_426 = arith.extui %ge3A_425 : i1 to i32
      %cond3A_427 = arith.constant 0 : i32
      %cond3A_428 = arith.cmpi ne, %convert_element_type3A_426, %cond3A_427 : i32
      scf.if %cond3A_428 {
        %dma_wait3A_429 = arith.constant 0 : i32
        %dma_wait3A_430 = arith.constant 0 : i32
        %dma_wait3A_431 = tpu.memref_slice %arg8[%dma_wait3A_429, %dma_wait3A_430] : memref<128x128xf32, #tpu.memory_space<vmem>> -> memref<64x128xf32, #tpu.memory_space<vmem>>
        %dma_wait3A_432 = arith.constant 0 : i32
        %dma_wait3A_433 = arith.constant 0 : i32
        %dma_wait3A_434 = tpu.memref_slice %arg3[%dma_wait3A_432, %dma_wait3A_433] : memref<10000x128xf32, #tpu.memory_space<hbm>> -> memref<64x128xf32, #tpu.memory_space<hbm>>
        %dma_wait3A_435 = arith.constant 0 : i32
        %dma_wait3A_436 = arith.constant 0 : i32
        %dma_wait3A_437 = tpu.memref_slice %arg8[%dma_wait3A_435, %dma_wait3A_436] : memref<128x128xf32, #tpu.memory_space<vmem>> -> memref<64x128xf32, #tpu.memory_space<vmem>>
        %dma_wait3A_438 = arith.constant 0 : i32
        %dma_wait3A_439 = arith.constant 0 : i32
        %dma_wait3A_440 = tpu.memref_slice %arg3[%dma_wait3A_438, %dma_wait3A_439] : memref<10000x128xf32, #tpu.memory_space<hbm>> -> memref<64x128xf32, #tpu.memory_space<hbm>>
        tpu.wait_dma2 semaphore(%arg10 : memref<!tpu.dma_semaphore, #tpu.memory_space<semaphore_mem>>) src(%dma_wait3A_440 : memref<64x128xf32, #tpu.memory_space<hbm>>) dst(%dma_wait3A_437 : memref<64x128xf32, #tpu.memory_space<vmem>>)
      } else {
      }
    }
    %scan3A_165 = arith.constant 32 : i32
    %dma_wait3A_166 = arith.constant 0 : i32
    %dma_wait3A_167 = arith.constant 0 : i32
    %dma_wait3A_168 = tpu.memref_slice %arg9[%dma_wait3A_166, %dma_wait3A_167] : memref<128x128xf32, #tpu.memory_space<vmem>> -> memref<128x128xf32, #tpu.memory_space<vmem>>
    %dma_wait3A_169 = arith.constant 0 : i32
    %dma_wait3A_170 = arith.constant 0 : i32
    %dma_wait3A_171 = tpu.memref_slice %arg3[%dma_wait3A_169, %dma_wait3A_170] : memref<10000x128xf32, #tpu.memory_space<hbm>> -> memref<128x128xf32, #tpu.memory_space<hbm>>
    %dma_wait3A_172 = arith.constant 0 : i32
    %dma_wait3A_173 = arith.constant 0 : i32
    %dma_wait3A_174 = tpu.memref_slice %arg9[%dma_wait3A_172, %dma_wait3A_173] : memref<128x128xf32, #tpu.memory_space<vmem>> -> memref<128x128xf32, #tpu.memory_space<vmem>>
    %dma_wait3A_175 = arith.constant 0 : i32
    %dma_wait3A_176 = arith.constant 0 : i32
    %dma_wait3A_177 = tpu.memref_slice %arg3[%dma_wait3A_175, %dma_wait3A_176] : memref<10000x128xf32, #tpu.memory_space<hbm>> -> memref<128x128xf32, #tpu.memory_space<hbm>>
    tpu.wait_dma2 semaphore(%arg11 : memref<!tpu.dma_semaphore, #tpu.memory_space<semaphore_mem>>) src(%dma_wait3A_177 : memref<128x128xf32, #tpu.memory_space<hbm>>) dst(%dma_wait3A_174 : memref<128x128xf32, #tpu.memory_space<vmem>>)
    %dma_wait3A_178 = arith.constant 0 : i32
    %dma_wait3A_179 = arith.constant 0 : i32
    %dma_wait3A_180 = tpu.memref_slice %arg9[%dma_wait3A_178, %dma_wait3A_179] : memref<128x128xf32, #tpu.memory_space<vmem>> -> memref<128x128xf32, #tpu.memory_space<vmem>>
    %dma_wait3A_181 = arith.constant 0 : i32
    %dma_wait3A_182 = arith.constant 0 : i32
    %dma_wait3A_183 = tpu.memref_slice %arg3[%dma_wait3A_181, %dma_wait3A_182] : memref<10000x128xf32, #tpu.memory_space<hbm>> -> memref<128x128xf32, #tpu.memory_space<hbm>>
    %dma_wait3A_184 = arith.constant 0 : i32
    %dma_wait3A_185 = arith.constant 0 : i32
    %dma_wait3A_186 = tpu.memref_slice %arg9[%dma_wait3A_184, %dma_wait3A_185] : memref<128x128xf32, #tpu.memory_space<vmem>> -> memref<128x128xf32, #tpu.memory_space<vmem>>
    %dma_wait3A_187 = arith.constant 0 : i32
    %dma_wait3A_188 = arith.constant 0 : i32
    %dma_wait3A_189 = tpu.memref_slice %arg3[%dma_wait3A_187, %dma_wait3A_188] : memref<10000x128xf32, #tpu.memory_space<hbm>> -> memref<128x128xf32, #tpu.memory_space<hbm>>
    tpu.wait_dma2 semaphore(%arg11 : memref<!tpu.dma_semaphore, #tpu.memory_space<semaphore_mem>>) src(%dma_wait3A_189 : memref<128x128xf32, #tpu.memory_space<hbm>>) dst(%dma_wait3A_186 : memref<128x128xf32, #tpu.memory_space<vmem>>)
    %dma_wait3A_190 = arith.constant 0 : i32
    %dma_wait3A_191 = arith.constant 0 : i32
    %dma_wait3A_192 = tpu.memref_slice %arg9[%dma_wait3A_190, %dma_wait3A_191] : memref<128x128xf32, #tpu.memory_space<vmem>> -> memref<128x128xf32, #tpu.memory_space<vmem>>
    %dma_wait3A_193 = arith.constant 0 : i32
    %dma_wait3A_194 = arith.constant 0 : i32
    %dma_wait3A_195 = tpu.memref_slice %arg3[%dma_wait3A_193, %dma_wait3A_194] : memref<10000x128xf32, #tpu.memory_space<hbm>> -> memref<128x128xf32, #tpu.memory_space<hbm>>
    %dma_wait3A_196 = arith.constant 0 : i32
    %dma_wait3A_197 = arith.constant 0 : i32
    %dma_wait3A_198 = tpu.memref_slice %arg9[%dma_wait3A_196, %dma_wait3A_197] : memref<128x128xf32, #tpu.memory_space<vmem>> -> memref<128x128xf32, #tpu.memory_space<vmem>>
    %dma_wait3A_199 = arith.constant 0 : i32
    %dma_wait3A_200 = arith.constant 0 : i32
    %dma_wait3A_201 = tpu.memref_slice %arg3[%dma_wait3A_199, %dma_wait3A_200] : memref<10000x128xf32, #tpu.memory_space<hbm>> -> memref<128x128xf32, #tpu.memory_space<hbm>>
    tpu.wait_dma2 semaphore(%arg11 : memref<!tpu.dma_semaphore, #tpu.memory_space<semaphore_mem>>) src(%dma_wait3A_201 : memref<128x128xf32, #tpu.memory_space<hbm>>) dst(%dma_wait3A_198 : memref<128x128xf32, #tpu.memory_space<vmem>>)
    %dma_wait3A_202 = arith.constant 0 : i32
    %dma_wait3A_203 = arith.constant 0 : i32
    %dma_wait3A_204 = tpu.memref_slice %arg9[%dma_wait3A_202, %dma_wait3A_203] : memref<128x128xf32, #tpu.memory_space<vmem>> -> memref<128x128xf32, #tpu.memory_space<vmem>>
    %dma_wait3A_205 = arith.constant 0 : i32
    %dma_wait3A_206 = arith.constant 0 : i32
    %dma_wait3A_207 = tpu.memref_slice %arg3[%dma_wait3A_205, %dma_wait3A_206] : memref<10000x128xf32, #tpu.memory_space<hbm>> -> memref<128x128xf32, #tpu.memory_space<hbm>>
    %dma_wait3A_208 = arith.constant 0 : i32
    %dma_wait3A_209 = arith.constant 0 : i32
    %dma_wait3A_210 = tpu.memref_slice %arg9[%dma_wait3A_208, %dma_wait3A_209] : memref<128x128xf32, #tpu.memory_space<vmem>> -> memref<128x128xf32, #tpu.memory_space<vmem>>
    %dma_wait3A_211 = arith.constant 0 : i32
    %dma_wait3A_212 = arith.constant 0 : i32
    %dma_wait3A_213 = tpu.memref_slice %arg3[%dma_wait3A_211, %dma_wait3A_212] : memref<10000x128xf32, #tpu.memory_space<hbm>> -> memref<128x128xf32, #tpu.memory_space<hbm>>
    tpu.wait_dma2 semaphore(%arg11 : memref<!tpu.dma_semaphore, #tpu.memory_space<semaphore_mem>>) src(%dma_wait3A_213 : memref<128x128xf32, #tpu.memory_space<hbm>>) dst(%dma_wait3A_210 : memref<128x128xf32, #tpu.memory_space<vmem>>)
    %dma_wait3A_214 = arith.constant 0 : i32
    %dma_wait3A_215 = arith.constant 0 : i32
    %dma_wait3A_216 = tpu.memref_slice %arg9[%dma_wait3A_214, %dma_wait3A_215] : memref<128x128xf32, #tpu.memory_space<vmem>> -> memref<128x128xf32, #tpu.memory_space<vmem>>
    %dma_wait3A_217 = arith.constant 0 : i32
    %dma_wait3A_218 = arith.constant 0 : i32
    %dma_wait3A_219 = tpu.memref_slice %arg3[%dma_wait3A_217, %dma_wait3A_218] : memref<10000x128xf32, #tpu.memory_space<hbm>> -> memref<128x128xf32, #tpu.memory_space<hbm>>
    %dma_wait3A_220 = arith.constant 0 : i32
    %dma_wait3A_221 = arith.constant 0 : i32
    %dma_wait3A_222 = tpu.memref_slice %arg9[%dma_wait3A_220, %dma_wait3A_221] : memref<128x128xf32, #tpu.memory_space<vmem>> -> memref<128x128xf32, #tpu.memory_space<vmem>>
    %dma_wait3A_223 = arith.constant 0 : i32
    %dma_wait3A_224 = arith.constant 0 : i32
    %dma_wait3A_225 = tpu.memref_slice %arg3[%dma_wait3A_223, %dma_wait3A_224] : memref<10000x128xf32, #tpu.memory_space<hbm>> -> memref<128x128xf32, #tpu.memory_space<hbm>>
    tpu.wait_dma2 semaphore(%arg11 : memref<!tpu.dma_semaphore, #tpu.memory_space<semaphore_mem>>) src(%dma_wait3A_225 : memref<128x128xf32, #tpu.memory_space<hbm>>) dst(%dma_wait3A_222 : memref<128x128xf32, #tpu.memory_space<vmem>>)
    %dma_wait3A_226 = arith.constant 0 : i32
    %dma_wait3A_227 = arith.constant 0 : i32
    %dma_wait3A_228 = tpu.memref_slice %arg9[%dma_wait3A_226, %dma_wait3A_227] : memref<128x128xf32, #tpu.memory_space<vmem>> -> memref<128x128xf32, #tpu.memory_space<vmem>>
    %dma_wait3A_229 = arith.constant 0 : i32
    %dma_wait3A_230 = arith.constant 0 : i32
    %dma_wait3A_231 = tpu.memref_slice %arg3[%dma_wait3A_229, %dma_wait3A_230] : memref<10000x128xf32, #tpu.memory_space<hbm>> -> memref<128x128xf32, #tpu.memory_space<hbm>>
    %dma_wait3A_232 = arith.constant 0 : i32
    %dma_wait3A_233 = arith.constant 0 : i32
    %dma_wait3A_234 = tpu.memref_slice %arg9[%dma_wait3A_232, %dma_wait3A_233] : memref<128x128xf32, #tpu.memory_space<vmem>> -> memref<128x128xf32, #tpu.memory_space<vmem>>
    %dma_wait3A_235 = arith.constant 0 : i32
    %dma_wait3A_236 = arith.constant 0 : i32
    %dma_wait3A_237 = tpu.memref_slice %arg3[%dma_wait3A_235, %dma_wait3A_236] : memref<10000x128xf32, #tpu.memory_space<hbm>> -> memref<128x128xf32, #tpu.memory_space<hbm>>
    tpu.wait_dma2 semaphore(%arg11 : memref<!tpu.dma_semaphore, #tpu.memory_space<semaphore_mem>>) src(%dma_wait3A_237 : memref<128x128xf32, #tpu.memory_space<hbm>>) dst(%dma_wait3A_234 : memref<128x128xf32, #tpu.memory_space<vmem>>)
    %dma_wait3A_238 = arith.constant 0 : i32
    %dma_wait3A_239 = arith.constant 0 : i32
    %dma_wait3A_240 = tpu.memref_slice %arg9[%dma_wait3A_238, %dma_wait3A_239] : memref<128x128xf32, #tpu.memory_space<vmem>> -> memref<128x128xf32, #tpu.memory_space<vmem>>
    %dma_wait3A_241 = arith.constant 0 : i32
    %dma_wait3A_242 = arith.constant 0 : i32
    %dma_wait3A_243 = tpu.memref_slice %arg3[%dma_wait3A_241, %dma_wait3A_242] : memref<10000x128xf32, #tpu.memory_space<hbm>> -> memref<128x128xf32, #tpu.memory_space<hbm>>
    %dma_wait3A_244 = arith.constant 0 : i32
    %dma_wait3A_245 = arith.constant 0 : i32
    %dma_wait3A_246 = tpu.memref_slice %arg9[%dma_wait3A_244, %dma_wait3A_245] : memref<128x128xf32, #tpu.memory_space<vmem>> -> memref<128x128xf32, #tpu.memory_space<vmem>>
    %dma_wait3A_247 = arith.constant 0 : i32
    %dma_wait3A_248 = arith.constant 0 : i32
    %dma_wait3A_249 = tpu.memref_slice %arg3[%dma_wait3A_247, %dma_wait3A_248] : memref<10000x128xf32, #tpu.memory_space<hbm>> -> memref<128x128xf32, #tpu.memory_space<hbm>>
    tpu.wait_dma2 semaphore(%arg11 : memref<!tpu.dma_semaphore, #tpu.memory_space<semaphore_mem>>) src(%dma_wait3A_249 : memref<128x128xf32, #tpu.memory_space<hbm>>) dst(%dma_wait3A_246 : memref<128x128xf32, #tpu.memory_space<vmem>>)
    %dma_wait3A_250 = arith.constant 0 : i32
    %dma_wait3A_251 = arith.constant 0 : i32
    %dma_wait3A_252 = tpu.memref_slice %arg9[%dma_wait3A_250, %dma_wait3A_251] : memref<128x128xf32, #tpu.memory_space<vmem>> -> memref<128x128xf32, #tpu.memory_space<vmem>>
    %dma_wait3A_253 = arith.constant 0 : i32
    %dma_wait3A_254 = arith.constant 0 : i32
    %dma_wait3A_255 = tpu.memref_slice %arg3[%dma_wait3A_253, %dma_wait3A_254] : memref<10000x128xf32, #tpu.memory_space<hbm>> -> memref<128x128xf32, #tpu.memory_space<hbm>>
    %dma_wait3A_256 = arith.constant 0 : i32
    %dma_wait3A_257 = arith.constant 0 : i32
    %dma_wait3A_258 = tpu.memref_slice %arg9[%dma_wait3A_256, %dma_wait3A_257] : memref<128x128xf32, #tpu.memory_space<vmem>> -> memref<128x128xf32, #tpu.memory_space<vmem>>
    %dma_wait3A_259 = arith.constant 0 : i32
    %dma_wait3A_260 = arith.constant 0 : i32
    %dma_wait3A_261 = tpu.memref_slice %arg3[%dma_wait3A_259, %dma_wait3A_260] : memref<10000x128xf32, #tpu.memory_space<hbm>> -> memref<128x128xf32, #tpu.memory_space<hbm>>
    tpu.wait_dma2 semaphore(%arg11 : memref<!tpu.dma_semaphore, #tpu.memory_space<semaphore_mem>>) src(%dma_wait3A_261 : memref<128x128xf32, #tpu.memory_space<hbm>>) dst(%dma_wait3A_258 : memref<128x128xf32, #tpu.memory_space<vmem>>)
    %scan3A_262 = arith.constant 0 : i32
    %scan3A_263 = arith.constant 0 : i32
    %scan3A_264 = arith.constant 128 : i32
    %scan3A_265 = arith.addi %scan3A_263, %scan3A_264 : i32
    %scan3A_266 = arith.constant 4 : i32
    scf.for %scan3A_414 = %scan3A_263 to %scan3A_265 step %scan3A_266  : i32 {
      %get3A = arith.index_cast %scan3A_414 : i32 to index
      %get3A_415 = arith.constant 0 : index
      %get3A_416 = tpu.vector_load %arg9[%get3A, %get3A_415] {strides = array<i32>} : memref<128x128xf32, #tpu.memory_space<vmem>>, vector<1x16xf32>,
      %get3A_417 = vector.shape_cast %get3A_416 : vector<1x16xf32> to vector<16xf32>
      %mul3A_418 = arith.constant 3.125000e-02 : f32
      %mul3A_419 = vector.broadcast %mul3A_418 : f32 to vector<16xf32>
      %mul3A_420 = arith.mulf %get3A_417, %mul3A_419 : vector<16xf32>
      %swap3A = arith.index_cast %scan3A_414 : i32 to index
      %swap3A_421 = arith.constant 0 : index
      %swap3A_422 = tpu.vector_load %arg9[%swap3A, %swap3A_421] {strides = array<i32>} : memref<128x128xf32, #tpu.memory_space<vmem>>, vector<1x16xf32>,
      %swap3A_423 = vector.shape_cast %swap3A_422 : vector<1x16xf32> to vector<16xf32>
      %swap3A_424 = vector.shape_cast %mul3A_420 : vector<16xf32> to vector<1x16xf32>
      tpu.vector_store %arg9[%swap3A, %swap3A_421], %swap3A_424 {strides = array<i32>} : memref<128x128xf32, #tpu.memory_space<vmem>>, vector<1x16xf32>,
      %get3A_425 = arith.index_cast %scan3A_414 : i32 to index
      %get3A_426 = arith.constant 16 : index
      %get3A_427 = tpu.vector_load %arg9[%get3A_425, %get3A_426] {strides = array<i32>} : memref<128x128xf32, #tpu.memory_space<vmem>>, vector<1x16xf32>,
      %get3A_428 = vector.shape_cast %get3A_427 : vector<1x16xf32> to vector<16xf32>
      %mul3A_429 = arith.constant 3.125000e-02 : f32
      %mul3A_430 = vector.broadcast %mul3A_429 : f32 to vector<16xf32>
      %mul3A_431 = arith.mulf %get3A_428, %mul3A_430 : vector<16xf32>
      %swap3A_432 = arith.index_cast %scan3A_414 : i32 to index
      %swap3A_433 = arith.constant 16 : index
      %swap3A_434 = tpu.vector_load %arg9[%swap3A_432, %swap3A_433] {strides = array<i32>} : memref<128x128xf32, #tpu.memory_space<vmem>>, vector<1x16xf32>,
      %swap3A_435 = vector.shape_cast %swap3A_434 : vector<1x16xf32> to vector<16xf32>
      %swap3A_436 = vector.shape_cast %mul3A_431 : vector<16xf32> to vector<1x16xf32>
      tpu.vector_store %arg9[%swap3A_432, %swap3A_433], %swap3A_436 {strides = array<i32>} : memref<128x128xf32, #tpu.memory_space<vmem>>, vector<1x16xf32>,
      %get3A_437 = arith.index_cast %scan3A_414 : i32 to index
      %get3A_438 = arith.constant 32 : index
      %get3A_439 = tpu.vector_load %arg9[%get3A_437, %get3A_438] {strides = array<i32>} : memref<128x128xf32, #tpu.memory_space<vmem>>, vector<1x16xf32>,
      %get3A_440 = vector.shape_cast %get3A_439 : vector<1x16xf32> to vector<16xf32>
      %mul3A_441 = arith.constant 3.125000e-02 : f32
      %mul3A_442 = vector.broadcast %mul3A_441 : f32 to vector<16xf32>
      %mul3A_443 = arith.mulf %get3A_440, %mul3A_442 : vector<16xf32>
      %swap3A_444 = arith.index_cast %scan3A_414 : i32 to index
      %swap3A_445 = arith.constant 32 : index
      %swap3A_446 = tpu.vector_load %arg9[%swap3A_444, %swap3A_445] {strides = array<i32>} : memref<128x128xf32, #tpu.memory_space<vmem>>, vector<1x16xf32>,
      %swap3A_447 = vector.shape_cast %swap3A_446 : vector<1x16xf32> to vector<16xf32>
      %swap3A_448 = vector.shape_cast %mul3A_443 : vector<16xf32> to vector<1x16xf32>
      tpu.vector_store %arg9[%swap3A_444, %swap3A_445], %swap3A_448 {strides = array<i32>} : memref<128x128xf32, #tpu.memory_space<vmem>>, vector<1x16xf32>,
      %get3A_449 = arith.index_cast %scan3A_414 : i32 to index
      %get3A_450 = arith.constant 48 : index
      %get3A_451 = tpu.vector_load %arg9[%get3A_449, %get3A_450] {strides = array<i32>} : memref<128x128xf32, #tpu.memory_space<vmem>>, vector<1x16xf32>,
      %get3A_452 = vector.shape_cast %get3A_451 : vector<1x16xf32> to vector<16xf32>
      %mul3A_453 = arith.constant 3.125000e-02 : f32
      %mul3A_454 = vector.broadcast %mul3A_453 : f32 to vector<16xf32>
      %mul3A_455 = arith.mulf %get3A_452, %mul3A_454 : vector<16xf32>
      %swap3A_456 = arith.index_cast %scan3A_414 : i32 to index
      %swap3A_457 = arith.constant 48 : index
      %swap3A_458 = tpu.vector_load %arg9[%swap3A_456, %swap3A_457] {strides = array<i32>} : memref<128x128xf32, #tpu.memory_space<vmem>>, vector<1x16xf32>,
      %swap3A_459 = vector.shape_cast %swap3A_458 : vector<1x16xf32> to vector<16xf32>
      %swap3A_460 = vector.shape_cast %mul3A_455 : vector<16xf32> to vector<1x16xf32>
      tpu.vector_store %arg9[%swap3A_456, %swap3A_457], %swap3A_460 {strides = array<i32>} : memref<128x128xf32, #tpu.memory_space<vmem>>, vector<1x16xf32>,
      %get3A_461 = arith.index_cast %scan3A_414 : i32 to index
      %get3A_462 = arith.constant 64 : index
      %get3A_463 = tpu.vector_load %arg9[%get3A_461, %get3A_462] {strides = array<i32>} : memref<128x128xf32, #tpu.memory_space<vmem>>, vector<1x16xf32>,
      %get3A_464 = vector.shape_cast %get3A_463 : vector<1x16xf32> to vector<16xf32>
      %mul3A_465 = arith.constant 3.125000e-02 : f32
      %mul3A_466 = vector.broadcast %mul3A_465 : f32 to vector<16xf32>
      %mul3A_467 = arith.mulf %get3A_464, %mul3A_466 : vector<16xf32>
      %swap3A_468 = arith.index_cast %scan3A_414 : i32 to index
      %swap3A_469 = arith.constant 64 : index
      %swap3A_470 = tpu.vector_load %arg9[%swap3A_468, %swap3A_469] {strides = array<i32>} : memref<128x128xf32, #tpu.memory_space<vmem>>, vector<1x16xf32>,
      %swap3A_471 = vector.shape_cast %swap3A_470 : vector<1x16xf32> to vector<16xf32>
      %swap3A_472 = vector.shape_cast %mul3A_467 : vector<16xf32> to vector<1x16xf32>
      tpu.vector_store %arg9[%swap3A_468, %swap3A_469], %swap3A_472 {strides = array<i32>} : memref<128x128xf32, #tpu.memory_space<vmem>>, vector<1x16xf32>,
      %get3A_473 = arith.index_cast %scan3A_414 : i32 to index
      %get3A_474 = arith.constant 80 : index
      %get3A_475 = tpu.vector_load %arg9[%get3A_473, %get3A_474] {strides = array<i32>} : memref<128x128xf32, #tpu.memory_space<vmem>>, vector<1x16xf32>,
      %get3A_476 = vector.shape_cast %get3A_475 : vector<1x16xf32> to vector<16xf32>
      %mul3A_477 = arith.constant 3.125000e-02 : f32
      %mul3A_478 = vector.broadcast %mul3A_477 : f32 to vector<16xf32>
      %mul3A_479 = arith.mulf %get3A_476, %mul3A_478 : vector<16xf32>
      %swap3A_480 = arith.index_cast %scan3A_414 : i32 to index
      %swap3A_481 = arith.constant 80 : index
      %swap3A_482 = tpu.vector_load %arg9[%swap3A_480, %swap3A_481] {strides = array<i32>} : memref<128x128xf32, #tpu.memory_space<vmem>>, vector<1x16xf32>,
      %swap3A_483 = vector.shape_cast %swap3A_482 : vector<1x16xf32> to vector<16xf32>
      %swap3A_484 = vector.shape_cast %mul3A_479 : vector<16xf32> to vector<1x16xf32>
      tpu.vector_store %arg9[%swap3A_480, %swap3A_481], %swap3A_484 {strides = array<i32>} : memref<128x128xf32, #tpu.memory_space<vmem>>, vector<1x16xf32>,
      %get3A_485 = arith.index_cast %scan3A_414 : i32 to index
      %get3A_486 = arith.constant 96 : index
      %get3A_487 = tpu.vector_load %arg9[%get3A_485, %get3A_486] {strides = array<i32>} : memref<128x128xf32, #tpu.memory_space<vmem>>, vector<1x16xf32>,
      %get3A_488 = vector.shape_cast %get3A_487 : vector<1x16xf32> to vector<16xf32>
      %mul3A_489 = arith.constant 3.125000e-02 : f32
      %mul3A_490 = vector.broadcast %mul3A_489 : f32 to vector<16xf32>
      %mul3A_491 = arith.mulf %get3A_488, %mul3A_490 : vector<16xf32>
      %swap3A_492 = arith.index_cast %scan3A_414 : i32 to index
      %swap3A_493 = arith.constant 96 : index
      %swap3A_494 = tpu.vector_load %arg9[%swap3A_492, %swap3A_493] {strides = array<i32>} : memref<128x128xf32, #tpu.memory_space<vmem>>, vector<1x16xf32>,
      %swap3A_495 = vector.shape_cast %swap3A_494 : vector<1x16xf32> to vector<16xf32>
      %swap3A_496 = vector.shape_cast %mul3A_491 : vector<16xf32> to vector<1x16xf32>
      tpu.vector_store %arg9[%swap3A_492, %swap3A_493], %swap3A_496 {strides = array<i32>} : memref<128x128xf32, #tpu.memory_space<vmem>>, vector<1x16xf32>,
      %get3A_497 = arith.index_cast %scan3A_414 : i32 to index
      %get3A_498 = arith.constant 112 : index
      %get3A_499 = tpu.vector_load %arg9[%get3A_497, %get3A_498] {strides = array<i32>} : memref<128x128xf32, #tpu.memory_space<vmem>>, vector<1x16xf32>,
      %get3A_500 = vector.shape_cast %get3A_499 : vector<1x16xf32> to vector<16xf32>
      %mul3A_501 = arith.constant 3.125000e-02 : f32
      %mul3A_502 = vector.broadcast %mul3A_501 : f32 to vector<16xf32>
      %mul3A_503 = arith.mulf %get3A_500, %mul3A_502 : vector<16xf32>
      %swap3A_504 = arith.index_cast %scan3A_414 : i32 to index
      %swap3A_505 = arith.constant 112 : index
      %swap3A_506 = tpu.vector_load %arg9[%swap3A_504, %swap3A_505] {strides = array<i32>} : memref<128x128xf32, #tpu.memory_space<vmem>>, vector<1x16xf32>,
      %swap3A_507 = vector.shape_cast %swap3A_506 : vector<1x16xf32> to vector<16xf32>
      %swap3A_508 = vector.shape_cast %mul3A_503 : vector<16xf32> to vector<1x16xf32>
      tpu.vector_store %arg9[%swap3A_504, %swap3A_505], %swap3A_508 {strides = array<i32>} : memref<128x128xf32, #tpu.memory_space<vmem>>, vector<1x16xf32>,
      %scan3A_509 = arith.constant 1 : i32
      %scan3A_510 = arith.addi %scan3A_414, %scan3A_509 : i32
      %get3A_511 = arith.index_cast %scan3A_510 : i32 to index
      %get3A_512 = arith.constant 0 : index
      %get3A_513 = tpu.vector_load %arg9[%get3A_511, %get3A_512] {strides = array<i32>} : memref<128x128xf32, #tpu.memory_space<vmem>>, vector<1x16xf32>,
      %get3A_514 = vector.shape_cast %get3A_513 : vector<1x16xf32> to vector<16xf32>
      %mul3A_515 = arith.constant 3.125000e-02 : f32
      %mul3A_516 = vector.broadcast %mul3A_515 : f32 to vector<16xf32>
      %mul3A_517 = arith.mulf %get3A_514, %mul3A_516 : vector<16xf32>
      %swap3A_518 = arith.index_cast %scan3A_510 : i32 to index
      %swap3A_519 = arith.constant 0 : index
      %swap3A_520 = tpu.vector_load %arg9[%swap3A_518, %swap3A_519] {strides = array<i32>} : memref<128x128xf32, #tpu.memory_space<vmem>>, vector<1x16xf32>,
      %swap3A_521 = vector.shape_cast %swap3A_520 : vector<1x16xf32> to vector<16xf32>
      %swap3A_522 = vector.shape_cast %mul3A_517 : vector<16xf32> to vector<1x16xf32>
      tpu.vector_store %arg9[%swap3A_518, %swap3A_519], %swap3A_522 {strides = array<i32>} : memref<128x128xf32, #tpu.memory_space<vmem>>, vector<1x16xf32>,
      %get3A_523 = arith.index_cast %scan3A_510 : i32 to index
      %get3A_524 = arith.constant 16 : index
      %get3A_525 = tpu.vector_load %arg9[%get3A_523, %get3A_524] {strides = array<i32>} : memref<128x128xf32, #tpu.memory_space<vmem>>, vector<1x16xf32>,
      %get3A_526 = vector.shape_cast %get3A_525 : vector<1x16xf32> to vector<16xf32>
      %mul3A_527 = arith.constant 3.125000e-02 : f32
      %mul3A_528 = vector.broadcast %mul3A_527 : f32 to vector<16xf32>
      %mul3A_529 = arith.mulf %get3A_526, %mul3A_528 : vector<16xf32>
      %swap3A_530 = arith.index_cast %scan3A_510 : i32 to index
      %swap3A_531 = arith.constant 16 : index
      %swap3A_532 = tpu.vector_load %arg9[%swap3A_530, %swap3A_531] {strides = array<i32>} : memref<128x128xf32, #tpu.memory_space<vmem>>, vector<1x16xf32>,
      %swap3A_533 = vector.shape_cast %swap3A_532 : vector<1x16xf32> to vector<16xf32>
      %swap3A_534 = vector.shape_cast %mul3A_529 : vector<16xf32> to vector<1x16xf32>
      tpu.vector_store %arg9[%swap3A_530, %swap3A_531], %swap3A_534 {strides = array<i32>} : memref<128x128xf32, #tpu.memory_space<vmem>>, vector<1x16xf32>,
      %get3A_535 = arith.index_cast %scan3A_510 : i32 to index
      %get3A_536 = arith.constant 32 : index
      %get3A_537 = tpu.vector_load %arg9[%get3A_535, %get3A_536] {strides = array<i32>} : memref<128x128xf32, #tpu.memory_space<vmem>>, vector<1x16xf32>,
      %get3A_538 = vector.shape_cast %get3A_537 : vector<1x16xf32> to vector<16xf32>
      %mul3A_539 = arith.constant 3.125000e-02 : f32
      %mul3A_540 = vector.broadcast %mul3A_539 : f32 to vector<16xf32>
      %mul3A_541 = arith.mulf %get3A_538, %mul3A_540 : vector<16xf32>
      %swap3A_542 = arith.index_cast %scan3A_510 : i32 to index
      %swap3A_543 = arith.constant 32 : index
      %swap3A_544 = tpu.vector_load %arg9[%swap3A_542, %swap3A_543] {strides = array<i32>} : memref<128x128xf32, #tpu.memory_space<vmem>>, vector<1x16xf32>,
      %swap3A_545 = vector.shape_cast %swap3A_544 : vector<1x16xf32> to vector<16xf32>
      %swap3A_546 = vector.shape_cast %mul3A_541 : vector<16xf32> to vector<1x16xf32>
      tpu.vector_store %arg9[%swap3A_542, %swap3A_543], %swap3A_546 {strides = array<i32>} : memref<128x128xf32, #tpu.memory_space<vmem>>, vector<1x16xf32>,
      %get3A_547 = arith.index_cast %scan3A_510 : i32 to index
      %get3A_548 = arith.constant 48 : index
      %get3A_549 = tpu.vector_load %arg9[%get3A_547, %get3A_548] {strides = array<i32>} : memref<128x128xf32, #tpu.memory_space<vmem>>, vector<1x16xf32>,
      %get3A_550 = vector.shape_cast %get3A_549 : vector<1x16xf32> to vector<16xf32>
      %mul3A_551 = arith.constant 3.125000e-02 : f32
      %mul3A_552 = vector.broadcast %mul3A_551 : f32 to vector<16xf32>
      %mul3A_553 = arith.mulf %get3A_550, %mul3A_552 : vector<16xf32>
      %swap3A_554 = arith.index_cast %scan3A_510 : i32 to index
      %swap3A_555 = arith.constant 48 : index
      %swap3A_556 = tpu.vector_load %arg9[%swap3A_554, %swap3A_555] {strides = array<i32>} : memref<128x128xf32, #tpu.memory_space<vmem>>, vector<1x16xf32>,
      %swap3A_557 = vector.shape_cast %swap3A_556 : vector<1x16xf32> to vector<16xf32>
      %swap3A_558 = vector.shape_cast %mul3A_553 : vector<16xf32> to vector<1x16xf32>
      tpu.vector_store %arg9[%swap3A_554, %swap3A_555], %swap3A_558 {strides = array<i32>} : memref<128x128xf32, #tpu.memory_space<vmem>>, vector<1x16xf32>,
      %get3A_559 = arith.index_cast %scan3A_510 : i32 to index
      %get3A_560 = arith.constant 64 : index
      %get3A_561 = tpu.vector_load %arg9[%get3A_559, %get3A_560] {strides = array<i32>} : memref<128x128xf32, #tpu.memory_space<vmem>>, vector<1x16xf32>,
      %get3A_562 = vector.shape_cast %get3A_561 : vector<1x16xf32> to vector<16xf32>
      %mul3A_563 = arith.constant 3.125000e-02 : f32
      %mul3A_564 = vector.broadcast %mul3A_563 : f32 to vector<16xf32>
      %mul3A_565 = arith.mulf %get3A_562, %mul3A_564 : vector<16xf32>
      %swap3A_566 = arith.index_cast %scan3A_510 : i32 to index
      %swap3A_567 = arith.constant 64 : index
      %swap3A_568 = tpu.vector_load %arg9[%swap3A_566, %swap3A_567] {strides = array<i32>} : memref<128x128xf32, #tpu.memory_space<vmem>>, vector<1x16xf32>,
      %swap3A_569 = vector.shape_cast %swap3A_568 : vector<1x16xf32> to vector<16xf32>
      %swap3A_570 = vector.shape_cast %mul3A_565 : vector<16xf32> to vector<1x16xf32>
      tpu.vector_store %arg9[%swap3A_566, %swap3A_567], %swap3A_570 {strides = array<i32>} : memref<128x128xf32, #tpu.memory_space<vmem>>, vector<1x16xf32>,
      %get3A_571 = arith.index_cast %scan3A_510 : i32 to index
      %get3A_572 = arith.constant 80 : index
      %get3A_573 = tpu.vector_load %arg9[%get3A_571, %get3A_572] {strides = array<i32>} : memref<128x128xf32, #tpu.memory_space<vmem>>, vector<1x16xf32>,
      %get3A_574 = vector.shape_cast %get3A_573 : vector<1x16xf32> to vector<16xf32>
      %mul3A_575 = arith.constant 3.125000e-02 : f32
      %mul3A_576 = vector.broadcast %mul3A_575 : f32 to vector<16xf32>
      %mul3A_577 = arith.mulf %get3A_574, %mul3A_576 : vector<16xf32>
      %swap3A_578 = arith.index_cast %scan3A_510 : i32 to index
      %swap3A_579 = arith.constant 80 : index
      %swap3A_580 = tpu.vector_load %arg9[%swap3A_578, %swap3A_579] {strides = array<i32>} : memref<128x128xf32, #tpu.memory_space<vmem>>, vector<1x16xf32>,
      %swap3A_581 = vector.shape_cast %swap3A_580 : vector<1x16xf32> to vector<16xf32>
      %swap3A_582 = vector.shape_cast %mul3A_577 : vector<16xf32> to vector<1x16xf32>
      tpu.vector_store %arg9[%swap3A_578, %swap3A_579], %swap3A_582 {strides = array<i32>} : memref<128x128xf32, #tpu.memory_space<vmem>>, vector<1x16xf32>,
      %get3A_583 = arith.index_cast %scan3A_510 : i32 to index
      %get3A_584 = arith.constant 96 : index
      %get3A_585 = tpu.vector_load %arg9[%get3A_583, %get3A_584] {strides = array<i32>} : memref<128x128xf32, #tpu.memory_space<vmem>>, vector<1x16xf32>,
      %get3A_586 = vector.shape_cast %get3A_585 : vector<1x16xf32> to vector<16xf32>
      %mul3A_587 = arith.constant 3.125000e-02 : f32
      %mul3A_588 = vector.broadcast %mul3A_587 : f32 to vector<16xf32>
      %mul3A_589 = arith.mulf %get3A_586, %mul3A_588 : vector<16xf32>
      %swap3A_590 = arith.index_cast %scan3A_510 : i32 to index
      %swap3A_591 = arith.constant 96 : index
      %swap3A_592 = tpu.vector_load %arg9[%swap3A_590, %swap3A_591] {strides = array<i32>} : memref<128x128xf32, #tpu.memory_space<vmem>>, vector<1x16xf32>,
      %swap3A_593 = vector.shape_cast %swap3A_592 : vector<1x16xf32> to vector<16xf32>
      %swap3A_594 = vector.shape_cast %mul3A_589 : vector<16xf32> to vector<1x16xf32>
      tpu.vector_store %arg9[%swap3A_590, %swap3A_591], %swap3A_594 {strides = array<i32>} : memref<128x128xf32, #tpu.memory_space<vmem>>, vector<1x16xf32>,
      %get3A_595 = arith.index_cast %scan3A_510 : i32 to index
      %get3A_596 = arith.constant 112 : index
      %get3A_597 = tpu.vector_load %arg9[%get3A_595, %get3A_596] {strides = array<i32>} : memref<128x128xf32, #tpu.memory_space<vmem>>, vector<1x16xf32>,
      %get3A_598 = vector.shape_cast %get3A_597 : vector<1x16xf32> to vector<16xf32>
      %mul3A_599 = arith.constant 3.125000e-02 : f32
      %mul3A_600 = vector.broadcast %mul3A_599 : f32 to vector<16xf32>
      %mul3A_601 = arith.mulf %get3A_598, %mul3A_600 : vector<16xf32>
      %swap3A_602 = arith.index_cast %scan3A_510 : i32 to index
      %swap3A_603 = arith.constant 112 : index
      %swap3A_604 = tpu.vector_load %arg9[%swap3A_602, %swap3A_603] {strides = array<i32>} : memref<128x128xf32, #tpu.memory_space<vmem>>, vector<1x16xf32>,
      %swap3A_605 = vector.shape_cast %swap3A_604 : vector<1x16xf32> to vector<16xf32>
      %swap3A_606 = vector.shape_cast %mul3A_601 : vector<16xf32> to vector<1x16xf32>
      tpu.vector_store %arg9[%swap3A_602, %swap3A_603], %swap3A_606 {strides = array<i32>} : memref<128x128xf32, #tpu.memory_space<vmem>>, vector<1x16xf32>,
      %scan3A_607 = arith.constant 2 : i32
      %scan3A_608 = arith.addi %scan3A_414, %scan3A_607 : i32
      %get3A_609 = arith.index_cast %scan3A_608 : i32 to index
      %get3A_610 = arith.constant 0 : index
      %get3A_611 = tpu.vector_load %arg9[%get3A_609, %get3A_610] {strides = array<i32>} : memref<128x128xf32, #tpu.memory_space<vmem>>, vector<1x16xf32>,
      %get3A_612 = vector.shape_cast %get3A_611 : vector<1x16xf32> to vector<16xf32>
      %mul3A_613 = arith.constant 3.125000e-02 : f32
      %mul3A_614 = vector.broadcast %mul3A_613 : f32 to vector<16xf32>
      %mul3A_615 = arith.mulf %get3A_612, %mul3A_614 : vector<16xf32>
      %swap3A_616 = arith.index_cast %scan3A_608 : i32 to index
      %swap3A_617 = arith.constant 0 : index
      %swap3A_618 = tpu.vector_load %arg9[%swap3A_616, %swap3A_617] {strides = array<i32>} : memref<128x128xf32, #tpu.memory_space<vmem>>, vector<1x16xf32>,
      %swap3A_619 = vector.shape_cast %swap3A_618 : vector<1x16xf32> to vector<16xf32>
      %swap3A_620 = vector.shape_cast %mul3A_615 : vector<16xf32> to vector<1x16xf32>
      tpu.vector_store %arg9[%swap3A_616, %swap3A_617], %swap3A_620 {strides = array<i32>} : memref<128x128xf32, #tpu.memory_space<vmem>>, vector<1x16xf32>,
      %get3A_621 = arith.index_cast %scan3A_608 : i32 to index
      %get3A_622 = arith.constant 16 : index
      %get3A_623 = tpu.vector_load %arg9[%get3A_621, %get3A_622] {strides = array<i32>} : memref<128x128xf32, #tpu.memory_space<vmem>>, vector<1x16xf32>,
      %get3A_624 = vector.shape_cast %get3A_623 : vector<1x16xf32> to vector<16xf32>
      %mul3A_625 = arith.constant 3.125000e-02 : f32
      %mul3A_626 = vector.broadcast %mul3A_625 : f32 to vector<16xf32>
      %mul3A_627 = arith.mulf %get3A_624, %mul3A_626 : vector<16xf32>
      %swap3A_628 = arith.index_cast %scan3A_608 : i32 to index
      %swap3A_629 = arith.constant 16 : index
      %swap3A_630 = tpu.vector_load %arg9[%swap3A_628, %swap3A_629] {strides = array<i32>} : memref<128x128xf32, #tpu.memory_space<vmem>>, vector<1x16xf32>,
      %swap3A_631 = vector.shape_cast %swap3A_630 : vector<1x16xf32> to vector<16xf32>
      %swap3A_632 = vector.shape_cast %mul3A_627 : vector<16xf32> to vector<1x16xf32>
      tpu.vector_store %arg9[%swap3A_628, %swap3A_629], %swap3A_632 {strides = array<i32>} : memref<128x128xf32, #tpu.memory_space<vmem>>, vector<1x16xf32>,
      %get3A_633 = arith.index_cast %scan3A_608 : i32 to index
      %get3A_634 = arith.constant 32 : index
      %get3A_635 = tpu.vector_load %arg9[%get3A_633, %get3A_634] {strides = array<i32>} : memref<128x128xf32, #tpu.memory_space<vmem>>, vector<1x16xf32>,
      %get3A_636 = vector.shape_cast %get3A_635 : vector<1x16xf32> to vector<16xf32>
      %mul3A_637 = arith.constant 3.125000e-02 : f32
      %mul3A_638 = vector.broadcast %mul3A_637 : f32 to vector<16xf32>
      %mul3A_639 = arith.mulf %get3A_636, %mul3A_638 : vector<16xf32>
      %swap3A_640 = arith.index_cast %scan3A_608 : i32 to index
      %swap3A_641 = arith.constant 32 : index
      %swap3A_642 = tpu.vector_load %arg9[%swap3A_640, %swap3A_641] {strides = array<i32>} : memref<128x128xf32, #tpu.memory_space<vmem>>, vector<1x16xf32>,
      %swap3A_643 = vector.shape_cast %swap3A_642 : vector<1x16xf32> to vector<16xf32>
      %swap3A_644 = vector.shape_cast %mul3A_639 : vector<16xf32> to vector<1x16xf32>
      tpu.vector_store %arg9[%swap3A_640, %swap3A_641], %swap3A_644 {strides = array<i32>} : memref<128x128xf32, #tpu.memory_space<vmem>>, vector<1x16xf32>,
      %get3A_645 = arith.index_cast %scan3A_608 : i32 to index
      %get3A_646 = arith.constant 48 : index
      %get3A_647 = tpu.vector_load %arg9[%get3A_645, %get3A_646] {strides = array<i32>} : memref<128x128xf32, #tpu.memory_space<vmem>>, vector<1x16xf32>,
      %get3A_648 = vector.shape_cast %get3A_647 : vector<1x16xf32> to vector<16xf32>
      %mul3A_649 = arith.constant 3.125000e-02 : f32
      %mul3A_650 = vector.broadcast %mul3A_649 : f32 to vector<16xf32>
      %mul3A_651 = arith.mulf %get3A_648, %mul3A_650 : vector<16xf32>
      %swap3A_652 = arith.index_cast %scan3A_608 : i32 to index
      %swap3A_653 = arith.constant 48 : index
      %swap3A_654 = tpu.vector_load %arg9[%swap3A_652, %swap3A_653] {strides = array<i32>} : memref<128x128xf32, #tpu.memory_space<vmem>>, vector<1x16xf32>,
      %swap3A_655 = vector.shape_cast %swap3A_654 : vector<1x16xf32> to vector<16xf32>
      %swap3A_656 = vector.shape_cast %mul3A_651 : vector<16xf32> to vector<1x16xf32>
      tpu.vector_store %arg9[%swap3A_652, %swap3A_653], %swap3A_656 {strides = array<i32>} : memref<128x128xf32, #tpu.memory_space<vmem>>, vector<1x16xf32>,
      %get3A_657 = arith.index_cast %scan3A_608 : i32 to index
      %get3A_658 = arith.constant 64 : index
      %get3A_659 = tpu.vector_load %arg9[%get3A_657, %get3A_658] {strides = array<i32>} : memref<128x128xf32, #tpu.memory_space<vmem>>, vector<1x16xf32>,
      %get3A_660 = vector.shape_cast %get3A_659 : vector<1x16xf32> to vector<16xf32>
      %mul3A_661 = arith.constant 3.125000e-02 : f32
      %mul3A_662 = vector.broadcast %mul3A_661 : f32 to vector<16xf32>
      %mul3A_663 = arith.mulf %get3A_660, %mul3A_662 : vector<16xf32>
      %swap3A_664 = arith.index_cast %scan3A_608 : i32 to index
      %swap3A_665 = arith.constant 64 : index
      %swap3A_666 = tpu.vector_load %arg9[%swap3A_664, %swap3A_665] {strides = array<i32>} : memref<128x128xf32, #tpu.memory_space<vmem>>, vector<1x16xf32>,
      %swap3A_667 = vector.shape_cast %swap3A_666 : vector<1x16xf32> to vector<16xf32>
      %swap3A_668 = vector.shape_cast %mul3A_663 : vector<16xf32> to vector<1x16xf32>
      tpu.vector_store %arg9[%swap3A_664, %swap3A_665], %swap3A_668 {strides = array<i32>} : memref<128x128xf32, #tpu.memory_space<vmem>>, vector<1x16xf32>,
      %get3A_669 = arith.index_cast %scan3A_608 : i32 to index
      %get3A_670 = arith.constant 80 : index
      %get3A_671 = tpu.vector_load %arg9[%get3A_669, %get3A_670] {strides = array<i32>} : memref<128x128xf32, #tpu.memory_space<vmem>>, vector<1x16xf32>,
      %get3A_672 = vector.shape_cast %get3A_671 : vector<1x16xf32> to vector<16xf32>
      %mul3A_673 = arith.constant 3.125000e-02 : f32
      %mul3A_674 = vector.broadcast %mul3A_673 : f32 to vector<16xf32>
      %mul3A_675 = arith.mulf %get3A_672, %mul3A_674 : vector<16xf32>
      %swap3A_676 = arith.index_cast %scan3A_608 : i32 to index
      %swap3A_677 = arith.constant 80 : index
      %swap3A_678 = tpu.vector_load %arg9[%swap3A_676, %swap3A_677] {strides = array<i32>} : memref<128x128xf32, #tpu.memory_space<vmem>>, vector<1x16xf32>,
      %swap3A_679 = vector.shape_cast %swap3A_678 : vector<1x16xf32> to vector<16xf32>
      %swap3A_680 = vector.shape_cast %mul3A_675 : vector<16xf32> to vector<1x16xf32>
      tpu.vector_store %arg9[%swap3A_676, %swap3A_677], %swap3A_680 {strides = array<i32>} : memref<128x128xf32, #tpu.memory_space<vmem>>, vector<1x16xf32>,
      %get3A_681 = arith.index_cast %scan3A_608 : i32 to index
      %get3A_682 = arith.constant 96 : index
      %get3A_683 = tpu.vector_load %arg9[%get3A_681, %get3A_682] {strides = array<i32>} : memref<128x128xf32, #tpu.memory_space<vmem>>, vector<1x16xf32>,
      %get3A_684 = vector.shape_cast %get3A_683 : vector<1x16xf32> to vector<16xf32>
      %mul3A_685 = arith.constant 3.125000e-02 : f32
      %mul3A_686 = vector.broadcast %mul3A_685 : f32 to vector<16xf32>
      %mul3A_687 = arith.mulf %get3A_684, %mul3A_686 : vector<16xf32>
      %swap3A_688 = arith.index_cast %scan3A_608 : i32 to index
      %swap3A_689 = arith.constant 96 : index
      %swap3A_690 = tpu.vector_load %arg9[%swap3A_688, %swap3A_689] {strides = array<i32>} : memref<128x128xf32, #tpu.memory_space<vmem>>, vector<1x16xf32>,
      %swap3A_691 = vector.shape_cast %swap3A_690 : vector<1x16xf32> to vector<16xf32>
      %swap3A_692 = vector.shape_cast %mul3A_687 : vector<16xf32> to vector<1x16xf32>
      tpu.vector_store %arg9[%swap3A_688, %swap3A_689], %swap3A_692 {strides = array<i32>} : memref<128x128xf32, #tpu.memory_space<vmem>>, vector<1x16xf32>,
      %get3A_693 = arith.index_cast %scan3A_608 : i32 to index
      %get3A_694 = arith.constant 112 : index
      %get3A_695 = tpu.vector_load %arg9[%get3A_693, %get3A_694] {strides = array<i32>} : memref<128x128xf32, #tpu.memory_space<vmem>>, vector<1x16xf32>,
      %get3A_696 = vector.shape_cast %get3A_695 : vector<1x16xf32> to vector<16xf32>
      %mul3A_697 = arith.constant 3.125000e-02 : f32
      %mul3A_698 = vector.broadcast %mul3A_697 : f32 to vector<16xf32>
      %mul3A_699 = arith.mulf %get3A_696, %mul3A_698 : vector<16xf32>
      %swap3A_700 = arith.index_cast %scan3A_608 : i32 to index
      %swap3A_701 = arith.constant 112 : index
      %swap3A_702 = tpu.vector_load %arg9[%swap3A_700, %swap3A_701] {strides = array<i32>} : memref<128x128xf32, #tpu.memory_space<vmem>>, vector<1x16xf32>,
      %swap3A_703 = vector.shape_cast %swap3A_702 : vector<1x16xf32> to vector<16xf32>
      %swap3A_704 = vector.shape_cast %mul3A_699 : vector<16xf32> to vector<1x16xf32>
      tpu.vector_store %arg9[%swap3A_700, %swap3A_701], %swap3A_704 {strides = array<i32>} : memref<128x128xf32, #tpu.memory_space<vmem>>, vector<1x16xf32>,
      %scan3A_705 = arith.constant 3 : i32
      %scan3A_706 = arith.addi %scan3A_414, %scan3A_705 : i32
      %get3A_707 = arith.index_cast %scan3A_706 : i32 to index
      %get3A_708 = arith.constant 0 : index
      %get3A_709 = tpu.vector_load %arg9[%get3A_707, %get3A_708] {strides = array<i32>} : memref<128x128xf32, #tpu.memory_space<vmem>>, vector<1x16xf32>,
      %get3A_710 = vector.shape_cast %get3A_709 : vector<1x16xf32> to vector<16xf32>
      %mul3A_711 = arith.constant 3.125000e-02 : f32
      %mul3A_712 = vector.broadcast %mul3A_711 : f32 to vector<16xf32>
      %mul3A_713 = arith.mulf %get3A_710, %mul3A_712 : vector<16xf32>
      %swap3A_714 = arith.index_cast %scan3A_706 : i32 to index
      %swap3A_715 = arith.constant 0 : index
      %swap3A_716 = tpu.vector_load %arg9[%swap3A_714, %swap3A_715] {strides = array<i32>} : memref<128x128xf32, #tpu.memory_space<vmem>>, vector<1x16xf32>,
      %swap3A_717 = vector.shape_cast %swap3A_716 : vector<1x16xf32> to vector<16xf32>
      %swap3A_718 = vector.shape_cast %mul3A_713 : vector<16xf32> to vector<1x16xf32>
      tpu.vector_store %arg9[%swap3A_714, %swap3A_715], %swap3A_718 {strides = array<i32>} : memref<128x128xf32, #tpu.memory_space<vmem>>, vector<1x16xf32>,
      %get3A_719 = arith.index_cast %scan3A_706 : i32 to index
      %get3A_720 = arith.constant 16 : index
      %get3A_721 = tpu.vector_load %arg9[%get3A_719, %get3A_720] {strides = array<i32>} : memref<128x128xf32, #tpu.memory_space<vmem>>, vector<1x16xf32>,
      %get3A_722 = vector.shape_cast %get3A_721 : vector<1x16xf32> to vector<16xf32>
      %mul3A_723 = arith.constant 3.125000e-02 : f32
      %mul3A_724 = vector.broadcast %mul3A_723 : f32 to vector<16xf32>
      %mul3A_725 = arith.mulf %get3A_722, %mul3A_724 : vector<16xf32>
      %swap3A_726 = arith.index_cast %scan3A_706 : i32 to index
      %swap3A_727 = arith.constant 16 : index
      %swap3A_728 = tpu.vector_load %arg9[%swap3A_726, %swap3A_727] {strides = array<i32>} : memref<128x128xf32, #tpu.memory_space<vmem>>, vector<1x16xf32>,
      %swap3A_729 = vector.shape_cast %swap3A_728 : vector<1x16xf32> to vector<16xf32>
      %swap3A_730 = vector.shape_cast %mul3A_725 : vector<16xf32> to vector<1x16xf32>
      tpu.vector_store %arg9[%swap3A_726, %swap3A_727], %swap3A_730 {strides = array<i32>} : memref<128x128xf32, #tpu.memory_space<vmem>>, vector<1x16xf32>,
      %get3A_731 = arith.index_cast %scan3A_706 : i32 to index
      %get3A_732 = arith.constant 32 : index
      %get3A_733 = tpu.vector_load %arg9[%get3A_731, %get3A_732] {strides = array<i32>} : memref<128x128xf32, #tpu.memory_space<vmem>>, vector<1x16xf32>,
      %get3A_734 = vector.shape_cast %get3A_733 : vector<1x16xf32> to vector<16xf32>
      %mul3A_735 = arith.constant 3.125000e-02 : f32
      %mul3A_736 = vector.broadcast %mul3A_735 : f32 to vector<16xf32>
      %mul3A_737 = arith.mulf %get3A_734, %mul3A_736 : vector<16xf32>
      %swap3A_738 = arith.index_cast %scan3A_706 : i32 to index
      %swap3A_739 = arith.constant 32 : index
      %swap3A_740 = tpu.vector_load %arg9[%swap3A_738, %swap3A_739] {strides = array<i32>} : memref<128x128xf32, #tpu.memory_space<vmem>>, vector<1x16xf32>,
      %swap3A_741 = vector.shape_cast %swap3A_740 : vector<1x16xf32> to vector<16xf32>
      %swap3A_742 = vector.shape_cast %mul3A_737 : vector<16xf32> to vector<1x16xf32>
      tpu.vector_store %arg9[%swap3A_738, %swap3A_739], %swap3A_742 {strides = array<i32>} : memref<128x128xf32, #tpu.memory_space<vmem>>, vector<1x16xf32>,
      %get3A_743 = arith.index_cast %scan3A_706 : i32 to index
      %get3A_744 = arith.constant 48 : index
      %get3A_745 = tpu.vector_load %arg9[%get3A_743, %get3A_744] {strides = array<i32>} : memref<128x128xf32, #tpu.memory_space<vmem>>, vector<1x16xf32>,
      %get3A_746 = vector.shape_cast %get3A_745 : vector<1x16xf32> to vector<16xf32>
      %mul3A_747 = arith.constant 3.125000e-02 : f32
      %mul3A_748 = vector.broadcast %mul3A_747 : f32 to vector<16xf32>
      %mul3A_749 = arith.mulf %get3A_746, %mul3A_748 : vector<16xf32>
      %swap3A_750 = arith.index_cast %scan3A_706 : i32 to index
      %swap3A_751 = arith.constant 48 : index
      %swap3A_752 = tpu.vector_load %arg9[%swap3A_750, %swap3A_751] {strides = array<i32>} : memref<128x128xf32, #tpu.memory_space<vmem>>, vector<1x16xf32>,
      %swap3A_753 = vector.shape_cast %swap3A_752 : vector<1x16xf32> to vector<16xf32>
      %swap3A_754 = vector.shape_cast %mul3A_749 : vector<16xf32> to vector<1x16xf32>
      tpu.vector_store %arg9[%swap3A_750, %swap3A_751], %swap3A_754 {strides = array<i32>} : memref<128x128xf32, #tpu.memory_space<vmem>>, vector<1x16xf32>,
      %get3A_755 = arith.index_cast %scan3A_706 : i32 to index
      %get3A_756 = arith.constant 64 : index
      %get3A_757 = tpu.vector_load %arg9[%get3A_755, %get3A_756] {strides = array<i32>} : memref<128x128xf32, #tpu.memory_space<vmem>>, vector<1x16xf32>,
      %get3A_758 = vector.shape_cast %get3A_757 : vector<1x16xf32> to vector<16xf32>
      %mul3A_759 = arith.constant 3.125000e-02 : f32
      %mul3A_760 = vector.broadcast %mul3A_759 : f32 to vector<16xf32>
      %mul3A_761 = arith.mulf %get3A_758, %mul3A_760 : vector<16xf32>
      %swap3A_762 = arith.index_cast %scan3A_706 : i32 to index
      %swap3A_763 = arith.constant 64 : index
      %swap3A_764 = tpu.vector_load %arg9[%swap3A_762, %swap3A_763] {strides = array<i32>} : memref<128x128xf32, #tpu.memory_space<vmem>>, vector<1x16xf32>,
      %swap3A_765 = vector.shape_cast %swap3A_764 : vector<1x16xf32> to vector<16xf32>
      %swap3A_766 = vector.shape_cast %mul3A_761 : vector<16xf32> to vector<1x16xf32>
      tpu.vector_store %arg9[%swap3A_762, %swap3A_763], %swap3A_766 {strides = array<i32>} : memref<128x128xf32, #tpu.memory_space<vmem>>, vector<1x16xf32>,
      %get3A_767 = arith.index_cast %scan3A_706 : i32 to index
      %get3A_768 = arith.constant 80 : index
      %get3A_769 = tpu.vector_load %arg9[%get3A_767, %get3A_768] {strides = array<i32>} : memref<128x128xf32, #tpu.memory_space<vmem>>, vector<1x16xf32>,
      %get3A_770 = vector.shape_cast %get3A_769 : vector<1x16xf32> to vector<16xf32>
      %mul3A_771 = arith.constant 3.125000e-02 : f32
      %mul3A_772 = vector.broadcast %mul3A_771 : f32 to vector<16xf32>
      %mul3A_773 = arith.mulf %get3A_770, %mul3A_772 : vector<16xf32>
      %swap3A_774 = arith.index_cast %scan3A_706 : i32 to index
      %swap3A_775 = arith.constant 80 : index
      %swap3A_776 = tpu.vector_load %arg9[%swap3A_774, %swap3A_775] {strides = array<i32>} : memref<128x128xf32, #tpu.memory_space<vmem>>, vector<1x16xf32>,
      %swap3A_777 = vector.shape_cast %swap3A_776 : vector<1x16xf32> to vector<16xf32>
      %swap3A_778 = vector.shape_cast %mul3A_773 : vector<16xf32> to vector<1x16xf32>
      tpu.vector_store %arg9[%swap3A_774, %swap3A_775], %swap3A_778 {strides = array<i32>} : memref<128x128xf32, #tpu.memory_space<vmem>>, vector<1x16xf32>,
      %get3A_779 = arith.index_cast %scan3A_706 : i32 to index
      %get3A_780 = arith.constant 96 : index
      %get3A_781 = tpu.vector_load %arg9[%get3A_779, %get3A_780] {strides = array<i32>} : memref<128x128xf32, #tpu.memory_space<vmem>>, vector<1x16xf32>,
      %get3A_782 = vector.shape_cast %get3A_781 : vector<1x16xf32> to vector<16xf32>
      %mul3A_783 = arith.constant 3.125000e-02 : f32
      %mul3A_784 = vector.broadcast %mul3A_783 : f32 to vector<16xf32>
      %mul3A_785 = arith.mulf %get3A_782, %mul3A_784 : vector<16xf32>
      %swap3A_786 = arith.index_cast %scan3A_706 : i32 to index
      %swap3A_787 = arith.constant 96 : index
      %swap3A_788 = tpu.vector_load %arg9[%swap3A_786, %swap3A_787] {strides = array<i32>} : memref<128x128xf32, #tpu.memory_space<vmem>>, vector<1x16xf32>,
      %swap3A_789 = vector.shape_cast %swap3A_788 : vector<1x16xf32> to vector<16xf32>
      %swap3A_790 = vector.shape_cast %mul3A_785 : vector<16xf32> to vector<1x16xf32>
      tpu.vector_store %arg9[%swap3A_786, %swap3A_787], %swap3A_790 {strides = array<i32>} : memref<128x128xf32, #tpu.memory_space<vmem>>, vector<1x16xf32>,
      %get3A_791 = arith.index_cast %scan3A_706 : i32 to index
      %get3A_792 = arith.constant 112 : index
      %get3A_793 = tpu.vector_load %arg9[%get3A_791, %get3A_792] {strides = array<i32>} : memref<128x128xf32, #tpu.memory_space<vmem>>, vector<1x16xf32>,
      %get3A_794 = vector.shape_cast %get3A_793 : vector<1x16xf32> to vector<16xf32>
      %mul3A_795 = arith.constant 3.125000e-02 : f32
      %mul3A_796 = vector.broadcast %mul3A_795 : f32 to vector<16xf32>
      %mul3A_797 = arith.mulf %get3A_794, %mul3A_796 : vector<16xf32>
      %swap3A_798 = arith.index_cast %scan3A_706 : i32 to index
      %swap3A_799 = arith.constant 112 : index
      %swap3A_800 = tpu.vector_load %arg9[%swap3A_798, %swap3A_799] {strides = array<i32>} : memref<128x128xf32, #tpu.memory_space<vmem>>, vector<1x16xf32>,
      %swap3A_801 = vector.shape_cast %swap3A_800 : vector<1x16xf32> to vector<16xf32>
      %swap3A_802 = vector.shape_cast %mul3A_797 : vector<16xf32> to vector<1x16xf32>
      tpu.vector_store %arg9[%swap3A_798, %swap3A_799], %swap3A_802 {strides = array<i32>} : memref<128x128xf32, #tpu.memory_space<vmem>>, vector<1x16xf32>,
    }
    %scan3A_267 = arith.constant 128 : i32
    %lt3A_268 = arith.constant 31 : i32
    %lt3A_269 = arith.cmpi slt, %add3A, %lt3A_268 : i32
    %convert_element_type3A_270 = arith.extui %lt3A_269 : i1 to i32
    %cond3A_271 = arith.constant 0 : i32
    %cond3A_272 = arith.cmpi ne, %convert_element_type3A_270, %cond3A_271 : i32
    scf.if %cond3A_272 {
      %add3A_414 = arith.constant 128 : i32
      %add3A_415 = arith.addi %mul3A_2, %add3A_414 : i32
      %dma_start3A_416 = arith.constant 0 : i32
      %dma_start3A_417 = arith.constant 0 : i32
      %dma_start3A_418 = tpu.memref_slice %arg9[%dma_start3A_416, %dma_start3A_417] : memref<128x128xf32, #tpu.memory_space<vmem>> -> memref<128x128xf32, #tpu.memory_space<vmem>>
      %dma_start3A_419 = arith.constant 0 : i32
      %dma_start3A_420 = tpu.memref_slice %arg4[%add3A_415, %dma_start3A_419] : memref<10000x128xf32, #tpu.memory_space<hbm>> -> memref<128x128xf32, #tpu.memory_space<hbm>>
      %dma_start3A_421 = arith.constant 0 : i32
      %dma_start3A_422 = tpu.memref_slice %arg4[%add3A_415, %dma_start3A_421] : memref<10000x128xf32, #tpu.memory_space<hbm>> -> memref<128x128xf32, #tpu.memory_space<hbm>>
      %dma_start3A_423 = arith.constant 0 : i32
      %dma_start3A_424 = arith.constant 0 : i32
      %dma_start3A_425 = tpu.memref_slice %arg9[%dma_start3A_423, %dma_start3A_424] : memref<128x128xf32, #tpu.memory_space<vmem>> -> memref<128x128xf32, #tpu.memory_space<vmem>>
      tpu.enqueue_dma source(%dma_start3A_425 : memref<128x128xf32, #tpu.memory_space<vmem>>) target(%dma_start3A_422 : memref<128x128xf32, #tpu.memory_space<hbm>>) target_semaphore(%arg13 : memref<!tpu.dma_semaphore, #tpu.memory_space<semaphore_mem>>)
    } else {
    }
    %eq3A_273 = arith.constant 31 : i32
    %eq3A_274 = arith.cmpi eq, %add3A, %eq3A_273 : i32
    %convert_element_type3A_275 = arith.extui %eq3A_274 : i1 to i32
    %cond3A_276 = arith.constant 0 : i32
    %cond3A_277 = arith.cmpi ne, %convert_element_type3A_275, %cond3A_276 : i32
    scf.if %cond3A_277 {
      %dma_start3A_414 = arith.constant 0 : i32
      %dma_start3A_415 = arith.constant 0 : i32
      %dma_start3A_416 = tpu.memref_slice %arg9[%dma_start3A_414, %dma_start3A_415] : memref<128x128xf32, #tpu.memory_space<vmem>> -> memref<128x128xf32, #tpu.memory_space<vmem>>
      %dma_start3A_417 = arith.constant 0 : i32
      %dma_start3A_418 = arith.constant 0 : i32
      %dma_start3A_419 = tpu.memref_slice %arg5[%dma_start3A_417, %dma_start3A_418] : memref<128x128xf32, #tpu.memory_space<hbm>> -> memref<128x128xf32, #tpu.memory_space<hbm>>
      %dma_start3A_420 = arith.constant 0 : i32
      %dma_start3A_421 = arith.constant 0 : i32
      %dma_start3A_422 = tpu.memref_slice %arg5[%dma_start3A_420, %dma_start3A_421] : memref<128x128xf32, #tpu.memory_space<hbm>> -> memref<128x128xf32, #tpu.memory_space<hbm>>
      %dma_start3A_423 = arith.constant 0 : i32
      %dma_start3A_424 = arith.constant 0 : i32
      %dma_start3A_425 = tpu.memref_slice %arg9[%dma_start3A_423, %dma_start3A_424] : memref<128x128xf32, #tpu.memory_space<vmem>> -> memref<128x128xf32, #tpu.memory_space<vmem>>
      tpu.enqueue_dma source(%dma_start3A_425 : memref<128x128xf32, #tpu.memory_space<vmem>>) target(%dma_start3A_422 : memref<128x128xf32, #tpu.memory_space<hbm>>) target_semaphore(%arg13 : memref<!tpu.dma_semaphore, #tpu.memory_space<semaphore_mem>>)
    } else {
    }
    %dma_wait3A_278 = arith.constant 0 : i32
    %dma_wait3A_279 = arith.constant 0 : i32
    %dma_wait3A_280 = tpu.memref_slice %arg8[%dma_wait3A_278, %dma_wait3A_279] : memref<128x128xf32, #tpu.memory_space<vmem>> -> memref<64x128xf32, #tpu.memory_space<vmem>>
    %dma_wait3A_281 = arith.constant 0 : i32
    %dma_wait3A_282 = arith.constant 0 : i32
    %dma_wait3A_283 = tpu.memref_slice %arg3[%dma_wait3A_281, %dma_wait3A_282] : memref<10000x128xf32, #tpu.memory_space<hbm>> -> memref<64x128xf32, #tpu.memory_space<hbm>>
    %dma_wait3A_284 = arith.constant 0 : i32
    %dma_wait3A_285 = arith.constant 0 : i32
    %dma_wait3A_286 = tpu.memref_slice %arg8[%dma_wait3A_284, %dma_wait3A_285] : memref<128x128xf32, #tpu.memory_space<vmem>> -> memref<64x128xf32, #tpu.memory_space<vmem>>
    %dma_wait3A_287 = arith.constant 0 : i32
    %dma_wait3A_288 = arith.constant 0 : i32
    %dma_wait3A_289 = tpu.memref_slice %arg3[%dma_wait3A_287, %dma_wait3A_288] : memref<10000x128xf32, #tpu.memory_space<hbm>> -> memref<64x128xf32, #tpu.memory_space<hbm>>
    tpu.wait_dma2 semaphore(%arg10 : memref<!tpu.dma_semaphore, #tpu.memory_space<semaphore_mem>>) src(%dma_wait3A_289 : memref<64x128xf32, #tpu.memory_space<hbm>>) dst(%dma_wait3A_286 : memref<64x128xf32, #tpu.memory_space<vmem>>)
    %dma_wait3A_290 = arith.constant 0 : i32
    %dma_wait3A_291 = arith.constant 0 : i32
    %dma_wait3A_292 = tpu.memref_slice %arg8[%dma_wait3A_290, %dma_wait3A_291] : memref<128x128xf32, #tpu.memory_space<vmem>> -> memref<64x128xf32, #tpu.memory_space<vmem>>
    %dma_wait3A_293 = arith.constant 0 : i32
    %dma_wait3A_294 = arith.constant 0 : i32
    %dma_wait3A_295 = tpu.memref_slice %arg3[%dma_wait3A_293, %dma_wait3A_294] : memref<10000x128xf32, #tpu.memory_space<hbm>> -> memref<64x128xf32, #tpu.memory_space<hbm>>
    %dma_wait3A_296 = arith.constant 0 : i32
    %dma_wait3A_297 = arith.constant 0 : i32
    %dma_wait3A_298 = tpu.memref_slice %arg8[%dma_wait3A_296, %dma_wait3A_297] : memref<128x128xf32, #tpu.memory_space<vmem>> -> memref<64x128xf32, #tpu.memory_space<vmem>>
    %dma_wait3A_299 = arith.constant 0 : i32
    %dma_wait3A_300 = arith.constant 0 : i32
    %dma_wait3A_301 = tpu.memref_slice %arg3[%dma_wait3A_299, %dma_wait3A_300] : memref<10000x128xf32, #tpu.memory_space<hbm>> -> memref<64x128xf32, #tpu.memory_space<hbm>>
    tpu.wait_dma2 semaphore(%arg10 : memref<!tpu.dma_semaphore, #tpu.memory_space<semaphore_mem>>) src(%dma_wait3A_301 : memref<64x128xf32, #tpu.memory_space<hbm>>) dst(%dma_wait3A_298 : memref<64x128xf32, #tpu.memory_space<vmem>>)
    %dma_wait3A_302 = arith.constant 0 : i32
    %dma_wait3A_303 = arith.constant 0 : i32
    %dma_wait3A_304 = tpu.memref_slice %arg8[%dma_wait3A_302, %dma_wait3A_303] : memref<128x128xf32, #tpu.memory_space<vmem>> -> memref<64x128xf32, #tpu.memory_space<vmem>>
    %dma_wait3A_305 = arith.constant 0 : i32
    %dma_wait3A_306 = arith.constant 0 : i32
    %dma_wait3A_307 = tpu.memref_slice %arg3[%dma_wait3A_305, %dma_wait3A_306] : memref<10000x128xf32, #tpu.memory_space<hbm>> -> memref<64x128xf32, #tpu.memory_space<hbm>>
    %dma_wait3A_308 = arith.constant 0 : i32
    %dma_wait3A_309 = arith.constant 0 : i32
    %dma_wait3A_310 = tpu.memref_slice %arg8[%dma_wait3A_308, %dma_wait3A_309] : memref<128x128xf32, #tpu.memory_space<vmem>> -> memref<64x128xf32, #tpu.memory_space<vmem>>
    %dma_wait3A_311 = arith.constant 0 : i32
    %dma_wait3A_312 = arith.constant 0 : i32
    %dma_wait3A_313 = tpu.memref_slice %arg3[%dma_wait3A_311, %dma_wait3A_312] : memref<10000x128xf32, #tpu.memory_space<hbm>> -> memref<64x128xf32, #tpu.memory_space<hbm>>
    tpu.wait_dma2 semaphore(%arg10 : memref<!tpu.dma_semaphore, #tpu.memory_space<semaphore_mem>>) src(%dma_wait3A_313 : memref<64x128xf32, #tpu.memory_space<hbm>>) dst(%dma_wait3A_310 : memref<64x128xf32, #tpu.memory_space<vmem>>)
    %dma_wait3A_314 = arith.constant 0 : i32
    %dma_wait3A_315 = arith.constant 0 : i32
    %dma_wait3A_316 = tpu.memref_slice %arg8[%dma_wait3A_314, %dma_wait3A_315] : memref<128x128xf32, #tpu.memory_space<vmem>> -> memref<64x128xf32, #tpu.memory_space<vmem>>
    %dma_wait3A_317 = arith.constant 0 : i32
    %dma_wait3A_318 = arith.constant 0 : i32
    %dma_wait3A_319 = tpu.memref_slice %arg3[%dma_wait3A_317, %dma_wait3A_318] : memref<10000x128xf32, #tpu.memory_space<hbm>> -> memref<64x128xf32, #tpu.memory_space<hbm>>
    %dma_wait3A_320 = arith.constant 0 : i32
    %dma_wait3A_321 = arith.constant 0 : i32
    %dma_wait3A_322 = tpu.memref_slice %arg8[%dma_wait3A_320, %dma_wait3A_321] : memref<128x128xf32, #tpu.memory_space<vmem>> -> memref<64x128xf32, #tpu.memory_space<vmem>>
    %dma_wait3A_323 = arith.constant 0 : i32
    %dma_wait3A_324 = arith.constant 0 : i32
    %dma_wait3A_325 = tpu.memref_slice %arg3[%dma_wait3A_323, %dma_wait3A_324] : memref<10000x128xf32, #tpu.memory_space<hbm>> -> memref<64x128xf32, #tpu.memory_space<hbm>>
    tpu.wait_dma2 semaphore(%arg10 : memref<!tpu.dma_semaphore, #tpu.memory_space<semaphore_mem>>) src(%dma_wait3A_325 : memref<64x128xf32, #tpu.memory_space<hbm>>) dst(%dma_wait3A_322 : memref<64x128xf32, #tpu.memory_space<vmem>>)
    %dma_wait3A_326 = arith.constant 0 : i32
    %dma_wait3A_327 = arith.constant 0 : i32
    %dma_wait3A_328 = tpu.memref_slice %arg8[%dma_wait3A_326, %dma_wait3A_327] : memref<128x128xf32, #tpu.memory_space<vmem>> -> memref<64x128xf32, #tpu.memory_space<vmem>>
    %dma_wait3A_329 = arith.constant 0 : i32
    %dma_wait3A_330 = arith.constant 0 : i32
    %dma_wait3A_331 = tpu.memref_slice %arg3[%dma_wait3A_329, %dma_wait3A_330] : memref<10000x128xf32, #tpu.memory_space<hbm>> -> memref<64x128xf32, #tpu.memory_space<hbm>>
    %dma_wait3A_332 = arith.constant 0 : i32
    %dma_wait3A_333 = arith.constant 0 : i32
    %dma_wait3A_334 = tpu.memref_slice %arg8[%dma_wait3A_332, %dma_wait3A_333] : memref<128x128xf32, #tpu.memory_space<vmem>> -> memref<64x128xf32, #tpu.memory_space<vmem>>
    %dma_wait3A_335 = arith.constant 0 : i32
    %dma_wait3A_336 = arith.constant 0 : i32
    %dma_wait3A_337 = tpu.memref_slice %arg3[%dma_wait3A_335, %dma_wait3A_336] : memref<10000x128xf32, #tpu.memory_space<hbm>> -> memref<64x128xf32, #tpu.memory_space<hbm>>
    tpu.wait_dma2 semaphore(%arg10 : memref<!tpu.dma_semaphore, #tpu.memory_space<semaphore_mem>>) src(%dma_wait3A_337 : memref<64x128xf32, #tpu.memory_space<hbm>>) dst(%dma_wait3A_334 : memref<64x128xf32, #tpu.memory_space<vmem>>)
    %dma_wait3A_338 = arith.constant 0 : i32
    %dma_wait3A_339 = arith.constant 0 : i32
    %dma_wait3A_340 = tpu.memref_slice %arg8[%dma_wait3A_338, %dma_wait3A_339] : memref<128x128xf32, #tpu.memory_space<vmem>> -> memref<64x128xf32, #tpu.memory_space<vmem>>
    %dma_wait3A_341 = arith.constant 0 : i32
    %dma_wait3A_342 = arith.constant 0 : i32
    %dma_wait3A_343 = tpu.memref_slice %arg3[%dma_wait3A_341, %dma_wait3A_342] : memref<10000x128xf32, #tpu.memory_space<hbm>> -> memref<64x128xf32, #tpu.memory_space<hbm>>
    %dma_wait3A_344 = arith.constant 0 : i32
    %dma_wait3A_345 = arith.constant 0 : i32
    %dma_wait3A_346 = tpu.memref_slice %arg8[%dma_wait3A_344, %dma_wait3A_345] : memref<128x128xf32, #tpu.memory_space<vmem>> -> memref<64x128xf32, #tpu.memory_space<vmem>>
    %dma_wait3A_347 = arith.constant 0 : i32
    %dma_wait3A_348 = arith.constant 0 : i32
    %dma_wait3A_349 = tpu.memref_slice %arg3[%dma_wait3A_347, %dma_wait3A_348] : memref<10000x128xf32, #tpu.memory_space<hbm>> -> memref<64x128xf32, #tpu.memory_space<hbm>>
    tpu.wait_dma2 semaphore(%arg10 : memref<!tpu.dma_semaphore, #tpu.memory_space<semaphore_mem>>) src(%dma_wait3A_349 : memref<64x128xf32, #tpu.memory_space<hbm>>) dst(%dma_wait3A_346 : memref<64x128xf32, #tpu.memory_space<vmem>>)
    %dma_wait3A_350 = arith.constant 0 : i32
    %dma_wait3A_351 = arith.constant 0 : i32
    %dma_wait3A_352 = tpu.memref_slice %arg8[%dma_wait3A_350, %dma_wait3A_351] : memref<128x128xf32, #tpu.memory_space<vmem>> -> memref<64x128xf32, #tpu.memory_space<vmem>>
    %dma_wait3A_353 = arith.constant 0 : i32
    %dma_wait3A_354 = arith.constant 0 : i32
    %dma_wait3A_355 = tpu.memref_slice %arg3[%dma_wait3A_353, %dma_wait3A_354] : memref<10000x128xf32, #tpu.memory_space<hbm>> -> memref<64x128xf32, #tpu.memory_space<hbm>>
    %dma_wait3A_356 = arith.constant 0 : i32
    %dma_wait3A_357 = arith.constant 0 : i32
    %dma_wait3A_358 = tpu.memref_slice %arg8[%dma_wait3A_356, %dma_wait3A_357] : memref<128x128xf32, #tpu.memory_space<vmem>> -> memref<64x128xf32, #tpu.memory_space<vmem>>
    %dma_wait3A_359 = arith.constant 0 : i32
    %dma_wait3A_360 = arith.constant 0 : i32
    %dma_wait3A_361 = tpu.memref_slice %arg3[%dma_wait3A_359, %dma_wait3A_360] : memref<10000x128xf32, #tpu.memory_space<hbm>> -> memref<64x128xf32, #tpu.memory_space<hbm>>
    tpu.wait_dma2 semaphore(%arg10 : memref<!tpu.dma_semaphore, #tpu.memory_space<semaphore_mem>>) src(%dma_wait3A_361 : memref<64x128xf32, #tpu.memory_space<hbm>>) dst(%dma_wait3A_358 : memref<64x128xf32, #tpu.memory_space<vmem>>)
    %dma_wait3A_362 = arith.constant 0 : i32
    %dma_wait3A_363 = arith.constant 0 : i32
    %dma_wait3A_364 = tpu.memref_slice %arg8[%dma_wait3A_362, %dma_wait3A_363] : memref<128x128xf32, #tpu.memory_space<vmem>> -> memref<64x128xf32, #tpu.memory_space<vmem>>
    %dma_wait3A_365 = arith.constant 0 : i32
    %dma_wait3A_366 = arith.constant 0 : i32
    %dma_wait3A_367 = tpu.memref_slice %arg3[%dma_wait3A_365, %dma_wait3A_366] : memref<10000x128xf32, #tpu.memory_space<hbm>> -> memref<64x128xf32, #tpu.memory_space<hbm>>
    %dma_wait3A_368 = arith.constant 0 : i32
    %dma_wait3A_369 = arith.constant 0 : i32
    %dma_wait3A_370 = tpu.memref_slice %arg8[%dma_wait3A_368, %dma_wait3A_369] : memref<128x128xf32, #tpu.memory_space<vmem>> -> memref<64x128xf32, #tpu.memory_space<vmem>>
    %dma_wait3A_371 = arith.constant 0 : i32
    %dma_wait3A_372 = arith.constant 0 : i32
    %dma_wait3A_373 = tpu.memref_slice %arg3[%dma_wait3A_371, %dma_wait3A_372] : memref<10000x128xf32, #tpu.memory_space<hbm>> -> memref<64x128xf32, #tpu.memory_space<hbm>>
    tpu.wait_dma2 semaphore(%arg10 : memref<!tpu.dma_semaphore, #tpu.memory_space<semaphore_mem>>) src(%dma_wait3A_373 : memref<64x128xf32, #tpu.memory_space<hbm>>) dst(%dma_wait3A_370 : memref<64x128xf32, #tpu.memory_space<vmem>>)
    %scan3A_374 = arith.constant 0 : i32
    %scan3A_375 = arith.constant 0 : i32
    %scan3A_376 = arith.constant 64 : i32
    %scan3A_377 = arith.addi %scan3A_375, %scan3A_376 : i32
    %scan3A_378 = arith.constant 4 : i32
    scf.for %scan3A_414 = %scan3A_375 to %scan3A_377 step %scan3A_378  : i32 {
      %get3A = arith.index_cast %scan3A_414 : i32 to index
      %get3A_415 = arith.constant 0 : index
      %get3A_416 = tpu.vector_load %arg8[%get3A, %get3A_415] {strides = array<i32>} : memref<128x128xf32, #tpu.memory_space<vmem>>, vector<1x16xf32>,
      %get3A_417 = vector.shape_cast %get3A_416 : vector<1x16xf32> to vector<16xf32>
      %mul3A_418 = arith.constant 3.125000e-02 : f32
      %mul3A_419 = vector.broadcast %mul3A_418 : f32 to vector<16xf32>
      %mul3A_420 = arith.mulf %get3A_417, %mul3A_419 : vector<16xf32>
      %swap3A = arith.index_cast %scan3A_414 : i32 to index
      %swap3A_421 = arith.constant 0 : index
      %swap3A_422 = tpu.vector_load %arg8[%swap3A, %swap3A_421] {strides = array<i32>} : memref<128x128xf32, #tpu.memory_space<vmem>>, vector<1x16xf32>,
      %swap3A_423 = vector.shape_cast %swap3A_422 : vector<1x16xf32> to vector<16xf32>
      %swap3A_424 = vector.shape_cast %mul3A_420 : vector<16xf32> to vector<1x16xf32>
      tpu.vector_store %arg8[%swap3A, %swap3A_421], %swap3A_424 {strides = array<i32>} : memref<128x128xf32, #tpu.memory_space<vmem>>, vector<1x16xf32>,
      %get3A_425 = arith.index_cast %scan3A_414 : i32 to index
      %get3A_426 = arith.constant 16 : index
      %get3A_427 = tpu.vector_load %arg8[%get3A_425, %get3A_426] {strides = array<i32>} : memref<128x128xf32, #tpu.memory_space<vmem>>, vector<1x16xf32>,
      %get3A_428 = vector.shape_cast %get3A_427 : vector<1x16xf32> to vector<16xf32>
      %mul3A_429 = arith.constant 3.125000e-02 : f32
      %mul3A_430 = vector.broadcast %mul3A_429 : f32 to vector<16xf32>
      %mul3A_431 = arith.mulf %get3A_428, %mul3A_430 : vector<16xf32>
      %swap3A_432 = arith.index_cast %scan3A_414 : i32 to index
      %swap3A_433 = arith.constant 16 : index
      %swap3A_434 = tpu.vector_load %arg8[%swap3A_432, %swap3A_433] {strides = array<i32>} : memref<128x128xf32, #tpu.memory_space<vmem>>, vector<1x16xf32>,
      %swap3A_435 = vector.shape_cast %swap3A_434 : vector<1x16xf32> to vector<16xf32>
      %swap3A_436 = vector.shape_cast %mul3A_431 : vector<16xf32> to vector<1x16xf32>
      tpu.vector_store %arg8[%swap3A_432, %swap3A_433], %swap3A_436 {strides = array<i32>} : memref<128x128xf32, #tpu.memory_space<vmem>>, vector<1x16xf32>,
      %get3A_437 = arith.index_cast %scan3A_414 : i32 to index
      %get3A_438 = arith.constant 32 : index
      %get3A_439 = tpu.vector_load %arg8[%get3A_437, %get3A_438] {strides = array<i32>} : memref<128x128xf32, #tpu.memory_space<vmem>>, vector<1x16xf32>,
      %get3A_440 = vector.shape_cast %get3A_439 : vector<1x16xf32> to vector<16xf32>
      %mul3A_441 = arith.constant 3.125000e-02 : f32
      %mul3A_442 = vector.broadcast %mul3A_441 : f32 to vector<16xf32>
      %mul3A_443 = arith.mulf %get3A_440, %mul3A_442 : vector<16xf32>
      %swap3A_444 = arith.index_cast %scan3A_414 : i32 to index
      %swap3A_445 = arith.constant 32 : index
      %swap3A_446 = tpu.vector_load %arg8[%swap3A_444, %swap3A_445] {strides = array<i32>} : memref<128x128xf32, #tpu.memory_space<vmem>>, vector<1x16xf32>,
      %swap3A_447 = vector.shape_cast %swap3A_446 : vector<1x16xf32> to vector<16xf32>
      %swap3A_448 = vector.shape_cast %mul3A_443 : vector<16xf32> to vector<1x16xf32>
      tpu.vector_store %arg8[%swap3A_444, %swap3A_445], %swap3A_448 {strides = array<i32>} : memref<128x128xf32, #tpu.memory_space<vmem>>, vector<1x16xf32>,
      %get3A_449 = arith.index_cast %scan3A_414 : i32 to index
      %get3A_450 = arith.constant 48 : index
      %get3A_451 = tpu.vector_load %arg8[%get3A_449, %get3A_450] {strides = array<i32>} : memref<128x128xf32, #tpu.memory_space<vmem>>, vector<1x16xf32>,
      %get3A_452 = vector.shape_cast %get3A_451 : vector<1x16xf32> to vector<16xf32>
      %mul3A_453 = arith.constant 3.125000e-02 : f32
      %mul3A_454 = vector.broadcast %mul3A_453 : f32 to vector<16xf32>
      %mul3A_455 = arith.mulf %get3A_452, %mul3A_454 : vector<16xf32>
      %swap3A_456 = arith.index_cast %scan3A_414 : i32 to index
      %swap3A_457 = arith.constant 48 : index
      %swap3A_458 = tpu.vector_load %arg8[%swap3A_456, %swap3A_457] {strides = array<i32>} : memref<128x128xf32, #tpu.memory_space<vmem>>, vector<1x16xf32>,
      %swap3A_459 = vector.shape_cast %swap3A_458 : vector<1x16xf32> to vector<16xf32>
      %swap3A_460 = vector.shape_cast %mul3A_455 : vector<16xf32> to vector<1x16xf32>
      tpu.vector_store %arg8[%swap3A_456, %swap3A_457], %swap3A_460 {strides = array<i32>} : memref<128x128xf32, #tpu.memory_space<vmem>>, vector<1x16xf32>,
      %get3A_461 = arith.index_cast %scan3A_414 : i32 to index
      %get3A_462 = arith.constant 64 : index
      %get3A_463 = tpu.vector_load %arg8[%get3A_461, %get3A_462] {strides = array<i32>} : memref<128x128xf32, #tpu.memory_space<vmem>>, vector<1x16xf32>,
      %get3A_464 = vector.shape_cast %get3A_463 : vector<1x16xf32> to vector<16xf32>
      %mul3A_465 = arith.constant 3.125000e-02 : f32
      %mul3A_466 = vector.broadcast %mul3A_465 : f32 to vector<16xf32>
      %mul3A_467 = arith.mulf %get3A_464, %mul3A_466 : vector<16xf32>
      %swap3A_468 = arith.index_cast %scan3A_414 : i32 to index
      %swap3A_469 = arith.constant 64 : index
      %swap3A_470 = tpu.vector_load %arg8[%swap3A_468, %swap3A_469] {strides = array<i32>} : memref<128x128xf32, #tpu.memory_space<vmem>>, vector<1x16xf32>,
      %swap3A_471 = vector.shape_cast %swap3A_470 : vector<1x16xf32> to vector<16xf32>
      %swap3A_472 = vector.shape_cast %mul3A_467 : vector<16xf32> to vector<1x16xf32>
      tpu.vector_store %arg8[%swap3A_468, %swap3A_469], %swap3A_472 {strides = array<i32>} : memref<128x128xf32, #tpu.memory_space<vmem>>, vector<1x16xf32>,
      %get3A_473 = arith.index_cast %scan3A_414 : i32 to index
      %get3A_474 = arith.constant 80 : index
      %get3A_475 = tpu.vector_load %arg8[%get3A_473, %get3A_474] {strides = array<i32>} : memref<128x128xf32, #tpu.memory_space<vmem>>, vector<1x16xf32>,
      %get3A_476 = vector.shape_cast %get3A_475 : vector<1x16xf32> to vector<16xf32>
      %mul3A_477 = arith.constant 3.125000e-02 : f32
      %mul3A_478 = vector.broadcast %mul3A_477 : f32 to vector<16xf32>
      %mul3A_479 = arith.mulf %get3A_476, %mul3A_478 : vector<16xf32>
      %swap3A_480 = arith.index_cast %scan3A_414 : i32 to index
      %swap3A_481 = arith.constant 80 : index
      %swap3A_482 = tpu.vector_load %arg8[%swap3A_480, %swap3A_481] {strides = array<i32>} : memref<128x128xf32, #tpu.memory_space<vmem>>, vector<1x16xf32>,
      %swap3A_483 = vector.shape_cast %swap3A_482 : vector<1x16xf32> to vector<16xf32>
      %swap3A_484 = vector.shape_cast %mul3A_479 : vector<16xf32> to vector<1x16xf32>
      tpu.vector_store %arg8[%swap3A_480, %swap3A_481], %swap3A_484 {strides = array<i32>} : memref<128x128xf32, #tpu.memory_space<vmem>>, vector<1x16xf32>,
      %get3A_485 = arith.index_cast %scan3A_414 : i32 to index
      %get3A_486 = arith.constant 96 : index
      %get3A_487 = tpu.vector_load %arg8[%get3A_485, %get3A_486] {strides = array<i32>} : memref<128x128xf32, #tpu.memory_space<vmem>>, vector<1x16xf32>,
      %get3A_488 = vector.shape_cast %get3A_487 : vector<1x16xf32> to vector<16xf32>
      %mul3A_489 = arith.constant 3.125000e-02 : f32
      %mul3A_490 = vector.broadcast %mul3A_489 : f32 to vector<16xf32>
      %mul3A_491 = arith.mulf %get3A_488, %mul3A_490 : vector<16xf32>
      %swap3A_492 = arith.index_cast %scan3A_414 : i32 to index
      %swap3A_493 = arith.constant 96 : index
      %swap3A_494 = tpu.vector_load %arg8[%swap3A_492, %swap3A_493] {strides = array<i32>} : memref<128x128xf32, #tpu.memory_space<vmem>>, vector<1x16xf32>,
      %swap3A_495 = vector.shape_cast %swap3A_494 : vector<1x16xf32> to vector<16xf32>
      %swap3A_496 = vector.shape_cast %mul3A_491 : vector<16xf32> to vector<1x16xf32>
      tpu.vector_store %arg8[%swap3A_492, %swap3A_493], %swap3A_496 {strides = array<i32>} : memref<128x128xf32, #tpu.memory_space<vmem>>, vector<1x16xf32>,
      %get3A_497 = arith.index_cast %scan3A_414 : i32 to index
      %get3A_498 = arith.constant 112 : index
      %get3A_499 = tpu.vector_load %arg8[%get3A_497, %get3A_498] {strides = array<i32>} : memref<128x128xf32, #tpu.memory_space<vmem>>, vector<1x16xf32>,
      %get3A_500 = vector.shape_cast %get3A_499 : vector<1x16xf32> to vector<16xf32>
      %mul3A_501 = arith.constant 3.125000e-02 : f32
      %mul3A_502 = vector.broadcast %mul3A_501 : f32 to vector<16xf32>
      %mul3A_503 = arith.mulf %get3A_500, %mul3A_502 : vector<16xf32>
      %swap3A_504 = arith.index_cast %scan3A_414 : i32 to index
      %swap3A_505 = arith.constant 112 : index
      %swap3A_506 = tpu.vector_load %arg8[%swap3A_504, %swap3A_505] {strides = array<i32>} : memref<128x128xf32, #tpu.memory_space<vmem>>, vector<1x16xf32>,
      %swap3A_507 = vector.shape_cast %swap3A_506 : vector<1x16xf32> to vector<16xf32>
      %swap3A_508 = vector.shape_cast %mul3A_503 : vector<16xf32> to vector<1x16xf32>
      tpu.vector_store %arg8[%swap3A_504, %swap3A_505], %swap3A_508 {strides = array<i32>} : memref<128x128xf32, #tpu.memory_space<vmem>>, vector<1x16xf32>,
      %scan3A_509 = arith.constant 1 : i32
      %scan3A_510 = arith.addi %scan3A_414, %scan3A_509 : i32
      %get3A_511 = arith.index_cast %scan3A_510 : i32 to index
      %get3A_512 = arith.constant 0 : index
      %get3A_513 = tpu.vector_load %arg8[%get3A_511, %get3A_512] {strides = array<i32>} : memref<128x128xf32, #tpu.memory_space<vmem>>, vector<1x16xf32>,
      %get3A_514 = vector.shape_cast %get3A_513 : vector<1x16xf32> to vector<16xf32>
      %mul3A_515 = arith.constant 3.125000e-02 : f32
      %mul3A_516 = vector.broadcast %mul3A_515 : f32 to vector<16xf32>
      %mul3A_517 = arith.mulf %get3A_514, %mul3A_516 : vector<16xf32>
      %swap3A_518 = arith.index_cast %scan3A_510 : i32 to index
      %swap3A_519 = arith.constant 0 : index
      %swap3A_520 = tpu.vector_load %arg8[%swap3A_518, %swap3A_519] {strides = array<i32>} : memref<128x128xf32, #tpu.memory_space<vmem>>, vector<1x16xf32>,
      %swap3A_521 = vector.shape_cast %swap3A_520 : vector<1x16xf32> to vector<16xf32>
      %swap3A_522 = vector.shape_cast %mul3A_517 : vector<16xf32> to vector<1x16xf32>
      tpu.vector_store %arg8[%swap3A_518, %swap3A_519], %swap3A_522 {strides = array<i32>} : memref<128x128xf32, #tpu.memory_space<vmem>>, vector<1x16xf32>,
      %get3A_523 = arith.index_cast %scan3A_510 : i32 to index
      %get3A_524 = arith.constant 16 : index
      %get3A_525 = tpu.vector_load %arg8[%get3A_523, %get3A_524] {strides = array<i32>} : memref<128x128xf32, #tpu.memory_space<vmem>>, vector<1x16xf32>,
      %get3A_526 = vector.shape_cast %get3A_525 : vector<1x16xf32> to vector<16xf32>
      %mul3A_527 = arith.constant 3.125000e-02 : f32
      %mul3A_528 = vector.broadcast %mul3A_527 : f32 to vector<16xf32>
      %mul3A_529 = arith.mulf %get3A_526, %mul3A_528 : vector<16xf32>
      %swap3A_530 = arith.index_cast %scan3A_510 : i32 to index
      %swap3A_531 = arith.constant 16 : index
      %swap3A_532 = tpu.vector_load %arg8[%swap3A_530, %swap3A_531] {strides = array<i32>} : memref<128x128xf32, #tpu.memory_space<vmem>>, vector<1x16xf32>,
      %swap3A_533 = vector.shape_cast %swap3A_532 : vector<1x16xf32> to vector<16xf32>
      %swap3A_534 = vector.shape_cast %mul3A_529 : vector<16xf32> to vector<1x16xf32>
      tpu.vector_store %arg8[%swap3A_530, %swap3A_531], %swap3A_534 {strides = array<i32>} : memref<128x128xf32, #tpu.memory_space<vmem>>, vector<1x16xf32>,
      %get3A_535 = arith.index_cast %scan3A_510 : i32 to index
      %get3A_536 = arith.constant 32 : index
      %get3A_537 = tpu.vector_load %arg8[%get3A_535, %get3A_536] {strides = array<i32>} : memref<128x128xf32, #tpu.memory_space<vmem>>, vector<1x16xf32>,
      %get3A_538 = vector.shape_cast %get3A_537 : vector<1x16xf32> to vector<16xf32>
      %mul3A_539 = arith.constant 3.125000e-02 : f32
      %mul3A_540 = vector.broadcast %mul3A_539 : f32 to vector<16xf32>
      %mul3A_541 = arith.mulf %get3A_538, %mul3A_540 : vector<16xf32>
      %swap3A_542 = arith.index_cast %scan3A_510 : i32 to index
      %swap3A_543 = arith.constant 32 : index
      %swap3A_544 = tpu.vector_load %arg8[%swap3A_542, %swap3A_543] {strides = array<i32>} : memref<128x128xf32, #tpu.memory_space<vmem>>, vector<1x16xf32>,
      %swap3A_545 = vector.shape_cast %swap3A_544 : vector<1x16xf32> to vector<16xf32>
      %swap3A_546 = vector.shape_cast %mul3A_541 : vector<16xf32> to vector<1x16xf32>
      tpu.vector_store %arg8[%swap3A_542, %swap3A_543], %swap3A_546 {strides = array<i32>} : memref<128x128xf32, #tpu.memory_space<vmem>>, vector<1x16xf32>,
      %get3A_547 = arith.index_cast %scan3A_510 : i32 to index
      %get3A_548 = arith.constant 48 : index
      %get3A_549 = tpu.vector_load %arg8[%get3A_547, %get3A_548] {strides = array<i32>} : memref<128x128xf32, #tpu.memory_space<vmem>>, vector<1x16xf32>,
      %get3A_550 = vector.shape_cast %get3A_549 : vector<1x16xf32> to vector<16xf32>
      %mul3A_551 = arith.constant 3.125000e-02 : f32
      %mul3A_552 = vector.broadcast %mul3A_551 : f32 to vector<16xf32>
      %mul3A_553 = arith.mulf %get3A_550, %mul3A_552 : vector<16xf32>
      %swap3A_554 = arith.index_cast %scan3A_510 : i32 to index
      %swap3A_555 = arith.constant 48 : index
      %swap3A_556 = tpu.vector_load %arg8[%swap3A_554, %swap3A_555] {strides = array<i32>} : memref<128x128xf32, #tpu.memory_space<vmem>>, vector<1x16xf32>,
      %swap3A_557 = vector.shape_cast %swap3A_556 : vector<1x16xf32> to vector<16xf32>
      %swap3A_558 = vector.shape_cast %mul3A_553 : vector<16xf32> to vector<1x16xf32>
      tpu.vector_store %arg8[%swap3A_554, %swap3A_555], %swap3A_558 {strides = array<i32>} : memref<128x128xf32, #tpu.memory_space<vmem>>, vector<1x16xf32>,
      %get3A_559 = arith.index_cast %scan3A_510 : i32 to index
      %get3A_560 = arith.constant 64 : index
      %get3A_561 = tpu.vector_load %arg8[%get3A_559, %get3A_560] {strides = array<i32>} : memref<128x128xf32, #tpu.memory_space<vmem>>, vector<1x16xf32>,
      %get3A_562 = vector.shape_cast %get3A_561 : vector<1x16xf32> to vector<16xf32>
      %mul3A_563 = arith.constant 3.125000e-02 : f32
      %mul3A_564 = vector.broadcast %mul3A_563 : f32 to vector<16xf32>
      %mul3A_565 = arith.mulf %get3A_562, %mul3A_564 : vector<16xf32>
      %swap3A_566 = arith.index_cast %scan3A_510 : i32 to index
      %swap3A_567 = arith.constant 64 : index
      %swap3A_568 = tpu.vector_load %arg8[%swap3A_566, %swap3A_567] {strides = array<i32>} : memref<128x128xf32, #tpu.memory_space<vmem>>, vector<1x16xf32>,
      %swap3A_569 = vector.shape_cast %swap3A_568 : vector<1x16xf32> to vector<16xf32>
      %swap3A_570 = vector.shape_cast %mul3A_565 : vector<16xf32> to vector<1x16xf32>
      tpu.vector_store %arg8[%swap3A_566, %swap3A_567], %swap3A_570 {strides = array<i32>} : memref<128x128xf32, #tpu.memory_space<vmem>>, vector<1x16xf32>,
      %get3A_571 = arith.index_cast %scan3A_510 : i32 to index
      %get3A_572 = arith.constant 80 : index
      %get3A_573 = tpu.vector_load %arg8[%get3A_571, %get3A_572] {strides = array<i32>} : memref<128x128xf32, #tpu.memory_space<vmem>>, vector<1x16xf32>,
      %get3A_574 = vector.shape_cast %get3A_573 : vector<1x16xf32> to vector<16xf32>
      %mul3A_575 = arith.constant 3.125000e-02 : f32
      %mul3A_576 = vector.broadcast %mul3A_575 : f32 to vector<16xf32>
      %mul3A_577 = arith.mulf %get3A_574, %mul3A_576 : vector<16xf32>
      %swap3A_578 = arith.index_cast %scan3A_510 : i32 to index
      %swap3A_579 = arith.constant 80 : index
      %swap3A_580 = tpu.vector_load %arg8[%swap3A_578, %swap3A_579] {strides = array<i32>} : memref<128x128xf32, #tpu.memory_space<vmem>>, vector<1x16xf32>,
      %swap3A_581 = vector.shape_cast %swap3A_580 : vector<1x16xf32> to vector<16xf32>
      %swap3A_582 = vector.shape_cast %mul3A_577 : vector<16xf32> to vector<1x16xf32>
      tpu.vector_store %arg8[%swap3A_578, %swap3A_579], %swap3A_582 {strides = array<i32>} : memref<128x128xf32, #tpu.memory_space<vmem>>, vector<1x16xf32>,
      %get3A_583 = arith.index_cast %scan3A_510 : i32 to index
      %get3A_584 = arith.constant 96 : index
      %get3A_585 = tpu.vector_load %arg8[%get3A_583, %get3A_584] {strides = array<i32>} : memref<128x128xf32, #tpu.memory_space<vmem>>, vector<1x16xf32>,
      %get3A_586 = vector.shape_cast %get3A_585 : vector<1x16xf32> to vector<16xf32>
      %mul3A_587 = arith.constant 3.125000e-02 : f32
      %mul3A_588 = vector.broadcast %mul3A_587 : f32 to vector<16xf32>
      %mul3A_589 = arith.mulf %get3A_586, %mul3A_588 : vector<16xf32>
      %swap3A_590 = arith.index_cast %scan3A_510 : i32 to index
      %swap3A_591 = arith.constant 96 : index
      %swap3A_592 = tpu.vector_load %arg8[%swap3A_590, %swap3A_591] {strides = array<i32>} : memref<128x128xf32, #tpu.memory_space<vmem>>, vector<1x16xf32>,
      %swap3A_593 = vector.shape_cast %swap3A_592 : vector<1x16xf32> to vector<16xf32>
      %swap3A_594 = vector.shape_cast %mul3A_589 : vector<16xf32> to vector<1x16xf32>
      tpu.vector_store %arg8[%swap3A_590, %swap3A_591], %swap3A_594 {strides = array<i32>} : memref<128x128xf32, #tpu.memory_space<vmem>>, vector<1x16xf32>,
      %get3A_595 = arith.index_cast %scan3A_510 : i32 to index
      %get3A_596 = arith.constant 112 : index
      %get3A_597 = tpu.vector_load %arg8[%get3A_595, %get3A_596] {strides = array<i32>} : memref<128x128xf32, #tpu.memory_space<vmem>>, vector<1x16xf32>,
      %get3A_598 = vector.shape_cast %get3A_597 : vector<1x16xf32> to vector<16xf32>
      %mul3A_599 = arith.constant 3.125000e-02 : f32
      %mul3A_600 = vector.broadcast %mul3A_599 : f32 to vector<16xf32>
      %mul3A_601 = arith.mulf %get3A_598, %mul3A_600 : vector<16xf32>
      %swap3A_602 = arith.index_cast %scan3A_510 : i32 to index
      %swap3A_603 = arith.constant 112 : index
      %swap3A_604 = tpu.vector_load %arg8[%swap3A_602, %swap3A_603] {strides = array<i32>} : memref<128x128xf32, #tpu.memory_space<vmem>>, vector<1x16xf32>,
      %swap3A_605 = vector.shape_cast %swap3A_604 : vector<1x16xf32> to vector<16xf32>
      %swap3A_606 = vector.shape_cast %mul3A_601 : vector<16xf32> to vector<1x16xf32>
      tpu.vector_store %arg8[%swap3A_602, %swap3A_603], %swap3A_606 {strides = array<i32>} : memref<128x128xf32, #tpu.memory_space<vmem>>, vector<1x16xf32>,
      %scan3A_607 = arith.constant 2 : i32
      %scan3A_608 = arith.addi %scan3A_414, %scan3A_607 : i32
      %get3A_609 = arith.index_cast %scan3A_608 : i32 to index
      %get3A_610 = arith.constant 0 : index
      %get3A_611 = tpu.vector_load %arg8[%get3A_609, %get3A_610] {strides = array<i32>} : memref<128x128xf32, #tpu.memory_space<vmem>>, vector<1x16xf32>,
      %get3A_612 = vector.shape_cast %get3A_611 : vector<1x16xf32> to vector<16xf32>
      %mul3A_613 = arith.constant 3.125000e-02 : f32
      %mul3A_614 = vector.broadcast %mul3A_613 : f32 to vector<16xf32>
      %mul3A_615 = arith.mulf %get3A_612, %mul3A_614 : vector<16xf32>
      %swap3A_616 = arith.index_cast %scan3A_608 : i32 to index
      %swap3A_617 = arith.constant 0 : index
      %swap3A_618 = tpu.vector_load %arg8[%swap3A_616, %swap3A_617] {strides = array<i32>} : memref<128x128xf32, #tpu.memory_space<vmem>>, vector<1x16xf32>,
      %swap3A_619 = vector.shape_cast %swap3A_618 : vector<1x16xf32> to vector<16xf32>
      %swap3A_620 = vector.shape_cast %mul3A_615 : vector<16xf32> to vector<1x16xf32>
      tpu.vector_store %arg8[%swap3A_616, %swap3A_617], %swap3A_620 {strides = array<i32>} : memref<128x128xf32, #tpu.memory_space<vmem>>, vector<1x16xf32>,
      %get3A_621 = arith.index_cast %scan3A_608 : i32 to index
      %get3A_622 = arith.constant 16 : index
      %get3A_623 = tpu.vector_load %arg8[%get3A_621, %get3A_622] {strides = array<i32>} : memref<128x128xf32, #tpu.memory_space<vmem>>, vector<1x16xf32>,
      %get3A_624 = vector.shape_cast %get3A_623 : vector<1x16xf32> to vector<16xf32>
      %mul3A_625 = arith.constant 3.125000e-02 : f32
      %mul3A_626 = vector.broadcast %mul3A_625 : f32 to vector<16xf32>
      %mul3A_627 = arith.mulf %get3A_624, %mul3A_626 : vector<16xf32>
      %swap3A_628 = arith.index_cast %scan3A_608 : i32 to index
      %swap3A_629 = arith.constant 16 : index
      %swap3A_630 = tpu.vector_load %arg8[%swap3A_628, %swap3A_629] {strides = array<i32>} : memref<128x128xf32, #tpu.memory_space<vmem>>, vector<1x16xf32>,
      %swap3A_631 = vector.shape_cast %swap3A_630 : vector<1x16xf32> to vector<16xf32>
      %swap3A_632 = vector.shape_cast %mul3A_627 : vector<16xf32> to vector<1x16xf32>
      tpu.vector_store %arg8[%swap3A_628, %swap3A_629], %swap3A_632 {strides = array<i32>} : memref<128x128xf32, #tpu.memory_space<vmem>>, vector<1x16xf32>,
      %get3A_633 = arith.index_cast %scan3A_608 : i32 to index
      %get3A_634 = arith.constant 32 : index
      %get3A_635 = tpu.vector_load %arg8[%get3A_633, %get3A_634] {strides = array<i32>} : memref<128x128xf32, #tpu.memory_space<vmem>>, vector<1x16xf32>,
      %get3A_636 = vector.shape_cast %get3A_635 : vector<1x16xf32> to vector<16xf32>
      %mul3A_637 = arith.constant 3.125000e-02 : f32
      %mul3A_638 = vector.broadcast %mul3A_637 : f32 to vector<16xf32>
      %mul3A_639 = arith.mulf %get3A_636, %mul3A_638 : vector<16xf32>
      %swap3A_640 = arith.index_cast %scan3A_608 : i32 to index
      %swap3A_641 = arith.constant 32 : index
      %swap3A_642 = tpu.vector_load %arg8[%swap3A_640, %swap3A_641] {strides = array<i32>} : memref<128x128xf32, #tpu.memory_space<vmem>>, vector<1x16xf32>,
      %swap3A_643 = vector.shape_cast %swap3A_642 : vector<1x16xf32> to vector<16xf32>
      %swap3A_644 = vector.shape_cast %mul3A_639 : vector<16xf32> to vector<1x16xf32>
      tpu.vector_store %arg8[%swap3A_640, %swap3A_641], %swap3A_644 {strides = array<i32>} : memref<128x128xf32, #tpu.memory_space<vmem>>, vector<1x16xf32>,
      %get3A_645 = arith.index_cast %scan3A_608 : i32 to index
      %get3A_646 = arith.constant 48 : index
      %get3A_647 = tpu.vector_load %arg8[%get3A_645, %get3A_646] {strides = array<i32>} : memref<128x128xf32, #tpu.memory_space<vmem>>, vector<1x16xf32>,
      %get3A_648 = vector.shape_cast %get3A_647 : vector<1x16xf32> to vector<16xf32>
      %mul3A_649 = arith.constant 3.125000e-02 : f32
      %mul3A_650 = vector.broadcast %mul3A_649 : f32 to vector<16xf32>
      %mul3A_651 = arith.mulf %get3A_648, %mul3A_650 : vector<16xf32>
      %swap3A_652 = arith.index_cast %scan3A_608 : i32 to index
      %swap3A_653 = arith.constant 48 : index
      %swap3A_654 = tpu.vector_load %arg8[%swap3A_652, %swap3A_653] {strides = array<i32>} : memref<128x128xf32, #tpu.memory_space<vmem>>, vector<1x16xf32>,
      %swap3A_655 = vector.shape_cast %swap3A_654 : vector<1x16xf32> to vector<16xf32>
      %swap3A_656 = vector.shape_cast %mul3A_651 : vector<16xf32> to vector<1x16xf32>
      tpu.vector_store %arg8[%swap3A_652, %swap3A_653], %swap3A_656 {strides = array<i32>} : memref<128x128xf32, #tpu.memory_space<vmem>>, vector<1x16xf32>,
      %get3A_657 = arith.index_cast %scan3A_608 : i32 to index
      %get3A_658 = arith.constant 64 : index
      %get3A_659 = tpu.vector_load %arg8[%get3A_657, %get3A_658] {strides = array<i32>} : memref<128x128xf32, #tpu.memory_space<vmem>>, vector<1x16xf32>,
      %get3A_660 = vector.shape_cast %get3A_659 : vector<1x16xf32> to vector<16xf32>
      %mul3A_661 = arith.constant 3.125000e-02 : f32
      %mul3A_662 = vector.broadcast %mul3A_661 : f32 to vector<16xf32>
      %mul3A_663 = arith.mulf %get3A_660, %mul3A_662 : vector<16xf32>
      %swap3A_664 = arith.index_cast %scan3A_608 : i32 to index
      %swap3A_665 = arith.constant 64 : index
      %swap3A_666 = tpu.vector_load %arg8[%swap3A_664, %swap3A_665] {strides = array<i32>} : memref<128x128xf32, #tpu.memory_space<vmem>>, vector<1x16xf32>,
      %swap3A_667 = vector.shape_cast %swap3A_666 : vector<1x16xf32> to vector<16xf32>
      %swap3A_668 = vector.shape_cast %mul3A_663 : vector<16xf32> to vector<1x16xf32>
      tpu.vector_store %arg8[%swap3A_664, %swap3A_665], %swap3A_668 {strides = array<i32>} : memref<128x128xf32, #tpu.memory_space<vmem>>, vector<1x16xf32>,
      %get3A_669 = arith.index_cast %scan3A_608 : i32 to index
      %get3A_670 = arith.constant 80 : index
      %get3A_671 = tpu.vector_load %arg8[%get3A_669, %get3A_670] {strides = array<i32>} : memref<128x128xf32, #tpu.memory_space<vmem>>, vector<1x16xf32>,
      %get3A_672 = vector.shape_cast %get3A_671 : vector<1x16xf32> to vector<16xf32>
      %mul3A_673 = arith.constant 3.125000e-02 : f32
      %mul3A_674 = vector.broadcast %mul3A_673 : f32 to vector<16xf32>
      %mul3A_675 = arith.mulf %get3A_672, %mul3A_674 : vector<16xf32>
      %swap3A_676 = arith.index_cast %scan3A_608 : i32 to index
      %swap3A_677 = arith.constant 80 : index
      %swap3A_678 = tpu.vector_load %arg8[%swap3A_676, %swap3A_677] {strides = array<i32>} : memref<128x128xf32, #tpu.memory_space<vmem>>, vector<1x16xf32>,
      %swap3A_679 = vector.shape_cast %swap3A_678 : vector<1x16xf32> to vector<16xf32>
      %swap3A_680 = vector.shape_cast %mul3A_675 : vector<16xf32> to vector<1x16xf32>
      tpu.vector_store %arg8[%swap3A_676, %swap3A_677], %swap3A_680 {strides = array<i32>} : memref<128x128xf32, #tpu.memory_space<vmem>>, vector<1x16xf32>,
      %get3A_681 = arith.index_cast %scan3A_608 : i32 to index
      %get3A_682 = arith.constant 96 : index
      %get3A_683 = tpu.vector_load %arg8[%get3A_681, %get3A_682] {strides = array<i32>} : memref<128x128xf32, #tpu.memory_space<vmem>>, vector<1x16xf32>,
      %get3A_684 = vector.shape_cast %get3A_683 : vector<1x16xf32> to vector<16xf32>
      %mul3A_685 = arith.constant 3.125000e-02 : f32
      %mul3A_686 = vector.broadcast %mul3A_685 : f32 to vector<16xf32>
      %mul3A_687 = arith.mulf %get3A_684, %mul3A_686 : vector<16xf32>
      %swap3A_688 = arith.index_cast %scan3A_608 : i32 to index
      %swap3A_689 = arith.constant 96 : index
      %swap3A_690 = tpu.vector_load %arg8[%swap3A_688, %swap3A_689] {strides = array<i32>} : memref<128x128xf32, #tpu.memory_space<vmem>>, vector<1x16xf32>,
      %swap3A_691 = vector.shape_cast %swap3A_690 : vector<1x16xf32> to vector<16xf32>
      %swap3A_692 = vector.shape_cast %mul3A_687 : vector<16xf32> to vector<1x16xf32>
      tpu.vector_store %arg8[%swap3A_688, %swap3A_689], %swap3A_692 {strides = array<i32>} : memref<128x128xf32, #tpu.memory_space<vmem>>, vector<1x16xf32>,
      %get3A_693 = arith.index_cast %scan3A_608 : i32 to index
      %get3A_694 = arith.constant 112 : index
      %get3A_695 = tpu.vector_load %arg8[%get3A_693, %get3A_694] {strides = array<i32>} : memref<128x128xf32, #tpu.memory_space<vmem>>, vector<1x16xf32>,
      %get3A_696 = vector.shape_cast %get3A_695 : vector<1x16xf32> to vector<16xf32>
      %mul3A_697 = arith.constant 3.125000e-02 : f32
      %mul3A_698 = vector.broadcast %mul3A_697 : f32 to vector<16xf32>
      %mul3A_699 = arith.mulf %get3A_696, %mul3A_698 : vector<16xf32>
      %swap3A_700 = arith.index_cast %scan3A_608 : i32 to index
      %swap3A_701 = arith.constant 112 : index
      %swap3A_702 = tpu.vector_load %arg8[%swap3A_700, %swap3A_701] {strides = array<i32>} : memref<128x128xf32, #tpu.memory_space<vmem>>, vector<1x16xf32>,
      %swap3A_703 = vector.shape_cast %swap3A_702 : vector<1x16xf32> to vector<16xf32>
      %swap3A_704 = vector.shape_cast %mul3A_699 : vector<16xf32> to vector<1x16xf32>
      tpu.vector_store %arg8[%swap3A_700, %swap3A_701], %swap3A_704 {strides = array<i32>} : memref<128x128xf32, #tpu.memory_space<vmem>>, vector<1x16xf32>,
      %scan3A_705 = arith.constant 3 : i32
      %scan3A_706 = arith.addi %scan3A_414, %scan3A_705 : i32
      %get3A_707 = arith.index_cast %scan3A_706 : i32 to index
      %get3A_708 = arith.constant 0 : index
      %get3A_709 = tpu.vector_load %arg8[%get3A_707, %get3A_708] {strides = array<i32>} : memref<128x128xf32, #tpu.memory_space<vmem>>, vector<1x16xf32>,
      %get3A_710 = vector.shape_cast %get3A_709 : vector<1x16xf32> to vector<16xf32>
      %mul3A_711 = arith.constant 3.125000e-02 : f32
      %mul3A_712 = vector.broadcast %mul3A_711 : f32 to vector<16xf32>
      %mul3A_713 = arith.mulf %get3A_710, %mul3A_712 : vector<16xf32>
      %swap3A_714 = arith.index_cast %scan3A_706 : i32 to index
      %swap3A_715 = arith.constant 0 : index
      %swap3A_716 = tpu.vector_load %arg8[%swap3A_714, %swap3A_715] {strides = array<i32>} : memref<128x128xf32, #tpu.memory_space<vmem>>, vector<1x16xf32>,
      %swap3A_717 = vector.shape_cast %swap3A_716 : vector<1x16xf32> to vector<16xf32>
      %swap3A_718 = vector.shape_cast %mul3A_713 : vector<16xf32> to vector<1x16xf32>
      tpu.vector_store %arg8[%swap3A_714, %swap3A_715], %swap3A_718 {strides = array<i32>} : memref<128x128xf32, #tpu.memory_space<vmem>>, vector<1x16xf32>,
      %get3A_719 = arith.index_cast %scan3A_706 : i32 to index
      %get3A_720 = arith.constant 16 : index
      %get3A_721 = tpu.vector_load %arg8[%get3A_719, %get3A_720] {strides = array<i32>} : memref<128x128xf32, #tpu.memory_space<vmem>>, vector<1x16xf32>,
      %get3A_722 = vector.shape_cast %get3A_721 : vector<1x16xf32> to vector<16xf32>
      %mul3A_723 = arith.constant 3.125000e-02 : f32
      %mul3A_724 = vector.broadcast %mul3A_723 : f32 to vector<16xf32>
      %mul3A_725 = arith.mulf %get3A_722, %mul3A_724 : vector<16xf32>
      %swap3A_726 = arith.index_cast %scan3A_706 : i32 to index
      %swap3A_727 = arith.constant 16 : index
      %swap3A_728 = tpu.vector_load %arg8[%swap3A_726, %swap3A_727] {strides = array<i32>} : memref<128x128xf32, #tpu.memory_space<vmem>>, vector<1x16xf32>,
      %swap3A_729 = vector.shape_cast %swap3A_728 : vector<1x16xf32> to vector<16xf32>
      %swap3A_730 = vector.shape_cast %mul3A_725 : vector<16xf32> to vector<1x16xf32>
      tpu.vector_store %arg8[%swap3A_726, %swap3A_727], %swap3A_730 {strides = array<i32>} : memref<128x128xf32, #tpu.memory_space<vmem>>, vector<1x16xf32>,
      %get3A_731 = arith.index_cast %scan3A_706 : i32 to index
      %get3A_732 = arith.constant 32 : index
      %get3A_733 = tpu.vector_load %arg8[%get3A_731, %get3A_732] {strides = array<i32>} : memref<128x128xf32, #tpu.memory_space<vmem>>, vector<1x16xf32>,
      %get3A_734 = vector.shape_cast %get3A_733 : vector<1x16xf32> to vector<16xf32>
      %mul3A_735 = arith.constant 3.125000e-02 : f32
      %mul3A_736 = vector.broadcast %mul3A_735 : f32 to vector<16xf32>
      %mul3A_737 = arith.mulf %get3A_734, %mul3A_736 : vector<16xf32>
      %swap3A_738 = arith.index_cast %scan3A_706 : i32 to index
      %swap3A_739 = arith.constant 32 : index
      %swap3A_740 = tpu.vector_load %arg8[%swap3A_738, %swap3A_739] {strides = array<i32>} : memref<128x128xf32, #tpu.memory_space<vmem>>, vector<1x16xf32>,
      %swap3A_741 = vector.shape_cast %swap3A_740 : vector<1x16xf32> to vector<16xf32>
      %swap3A_742 = vector.shape_cast %mul3A_737 : vector<16xf32> to vector<1x16xf32>
      tpu.vector_store %arg8[%swap3A_738, %swap3A_739], %swap3A_742 {strides = array<i32>} : memref<128x128xf32, #tpu.memory_space<vmem>>, vector<1x16xf32>,
      %get3A_743 = arith.index_cast %scan3A_706 : i32 to index
      %get3A_744 = arith.constant 48 : index
      %get3A_745 = tpu.vector_load %arg8[%get3A_743, %get3A_744] {strides = array<i32>} : memref<128x128xf32, #tpu.memory_space<vmem>>, vector<1x16xf32>,
      %get3A_746 = vector.shape_cast %get3A_745 : vector<1x16xf32> to vector<16xf32>
      %mul3A_747 = arith.constant 3.125000e-02 : f32
      %mul3A_748 = vector.broadcast %mul3A_747 : f32 to vector<16xf32>
      %mul3A_749 = arith.mulf %get3A_746, %mul3A_748 : vector<16xf32>
      %swap3A_750 = arith.index_cast %scan3A_706 : i32 to index
      %swap3A_751 = arith.constant 48 : index
      %swap3A_752 = tpu.vector_load %arg8[%swap3A_750, %swap3A_751] {strides = array<i32>} : memref<128x128xf32, #tpu.memory_space<vmem>>, vector<1x16xf32>,
      %swap3A_753 = vector.shape_cast %swap3A_752 : vector<1x16xf32> to vector<16xf32>
      %swap3A_754 = vector.shape_cast %mul3A_749 : vector<16xf32> to vector<1x16xf32>
      tpu.vector_store %arg8[%swap3A_750, %swap3A_751], %swap3A_754 {strides = array<i32>} : memref<128x128xf32, #tpu.memory_space<vmem>>, vector<1x16xf32>,
      %get3A_755 = arith.index_cast %scan3A_706 : i32 to index
      %get3A_756 = arith.constant 64 : index
      %get3A_757 = tpu.vector_load %arg8[%get3A_755, %get3A_756] {strides = array<i32>} : memref<128x128xf32, #tpu.memory_space<vmem>>, vector<1x16xf32>,
      %get3A_758 = vector.shape_cast %get3A_757 : vector<1x16xf32> to vector<16xf32>
      %mul3A_759 = arith.constant 3.125000e-02 : f32
      %mul3A_760 = vector.broadcast %mul3A_759 : f32 to vector<16xf32>
      %mul3A_761 = arith.mulf %get3A_758, %mul3A_760 : vector<16xf32>
      %swap3A_762 = arith.index_cast %scan3A_706 : i32 to index
      %swap3A_763 = arith.constant 64 : index
      %swap3A_764 = tpu.vector_load %arg8[%swap3A_762, %swap3A_763] {strides = array<i32>} : memref<128x128xf32, #tpu.memory_space<vmem>>, vector<1x16xf32>,
      %swap3A_765 = vector.shape_cast %swap3A_764 : vector<1x16xf32> to vector<16xf32>
      %swap3A_766 = vector.shape_cast %mul3A_761 : vector<16xf32> to vector<1x16xf32>
      tpu.vector_store %arg8[%swap3A_762, %swap3A_763], %swap3A_766 {strides = array<i32>} : memref<128x128xf32, #tpu.memory_space<vmem>>, vector<1x16xf32>,
      %get3A_767 = arith.index_cast %scan3A_706 : i32 to index
      %get3A_768 = arith.constant 80 : index
      %get3A_769 = tpu.vector_load %arg8[%get3A_767, %get3A_768] {strides = array<i32>} : memref<128x128xf32, #tpu.memory_space<vmem>>, vector<1x16xf32>,
      %get3A_770 = vector.shape_cast %get3A_769 : vector<1x16xf32> to vector<16xf32>
      %mul3A_771 = arith.constant 3.125000e-02 : f32
      %mul3A_772 = vector.broadcast %mul3A_771 : f32 to vector<16xf32>
      %mul3A_773 = arith.mulf %get3A_770, %mul3A_772 : vector<16xf32>
      %swap3A_774 = arith.index_cast %scan3A_706 : i32 to index
      %swap3A_775 = arith.constant 80 : index
      %swap3A_776 = tpu.vector_load %arg8[%swap3A_774, %swap3A_775] {strides = array<i32>} : memref<128x128xf32, #tpu.memory_space<vmem>>, vector<1x16xf32>,
      %swap3A_777 = vector.shape_cast %swap3A_776 : vector<1x16xf32> to vector<16xf32>
      %swap3A_778 = vector.shape_cast %mul3A_773 : vector<16xf32> to vector<1x16xf32>
      tpu.vector_store %arg8[%swap3A_774, %swap3A_775], %swap3A_778 {strides = array<i32>} : memref<128x128xf32, #tpu.memory_space<vmem>>, vector<1x16xf32>,
      %get3A_779 = arith.index_cast %scan3A_706 : i32 to index
      %get3A_780 = arith.constant 96 : index
      %get3A_781 = tpu.vector_load %arg8[%get3A_779, %get3A_780] {strides = array<i32>} : memref<128x128xf32, #tpu.memory_space<vmem>>, vector<1x16xf32>,
      %get3A_782 = vector.shape_cast %get3A_781 : vector<1x16xf32> to vector<16xf32>
      %mul3A_783 = arith.constant 3.125000e-02 : f32
      %mul3A_784 = vector.broadcast %mul3A_783 : f32 to vector<16xf32>
      %mul3A_785 = arith.mulf %get3A_782, %mul3A_784 : vector<16xf32>
      %swap3A_786 = arith.index_cast %scan3A_706 : i32 to index
      %swap3A_787 = arith.constant 96 : index
      %swap3A_788 = tpu.vector_load %arg8[%swap3A_786, %swap3A_787] {strides = array<i32>} : memref<128x128xf32, #tpu.memory_space<vmem>>, vector<1x16xf32>,
      %swap3A_789 = vector.shape_cast %swap3A_788 : vector<1x16xf32> to vector<16xf32>
      %swap3A_790 = vector.shape_cast %mul3A_785 : vector<16xf32> to vector<1x16xf32>
      tpu.vector_store %arg8[%swap3A_786, %swap3A_787], %swap3A_790 {strides = array<i32>} : memref<128x128xf32, #tpu.memory_space<vmem>>, vector<1x16xf32>,
      %get3A_791 = arith.index_cast %scan3A_706 : i32 to index
      %get3A_792 = arith.constant 112 : index
      %get3A_793 = tpu.vector_load %arg8[%get3A_791, %get3A_792] {strides = array<i32>} : memref<128x128xf32, #tpu.memory_space<vmem>>, vector<1x16xf32>,
      %get3A_794 = vector.shape_cast %get3A_793 : vector<1x16xf32> to vector<16xf32>
      %mul3A_795 = arith.constant 3.125000e-02 : f32
      %mul3A_796 = vector.broadcast %mul3A_795 : f32 to vector<16xf32>
      %mul3A_797 = arith.mulf %get3A_794, %mul3A_796 : vector<16xf32>
      %swap3A_798 = arith.index_cast %scan3A_706 : i32 to index
      %swap3A_799 = arith.constant 112 : index
      %swap3A_800 = tpu.vector_load %arg8[%swap3A_798, %swap3A_799] {strides = array<i32>} : memref<128x128xf32, #tpu.memory_space<vmem>>, vector<1x16xf32>,
      %swap3A_801 = vector.shape_cast %swap3A_800 : vector<1x16xf32> to vector<16xf32>
      %swap3A_802 = vector.shape_cast %mul3A_797 : vector<16xf32> to vector<1x16xf32>
      tpu.vector_store %arg8[%swap3A_798, %swap3A_799], %swap3A_802 {strides = array<i32>} : memref<128x128xf32, #tpu.memory_space<vmem>>, vector<1x16xf32>,
    }
    %scan3A_379 = arith.constant 64 : i32
    %lt3A_380 = arith.constant 31 : i32
    %lt3A_381 = arith.cmpi slt, %add3A, %lt3A_380 : i32
    %convert_element_type3A_382 = arith.extui %lt3A_381 : i1 to i32
    %cond3A_383 = arith.constant 0 : i32
    %cond3A_384 = arith.cmpi ne, %convert_element_type3A_382, %cond3A_383 : i32
    scf.if %cond3A_384 {
      %add3A_414 = arith.constant 256 : i32
      %add3A_415 = arith.addi %mul3A_2, %add3A_414 : i32
      %dma_start3A_416 = arith.constant 0 : i32
      %dma_start3A_417 = arith.constant 0 : i32
      %dma_start3A_418 = tpu.memref_slice %arg8[%dma_start3A_416, %dma_start3A_417] : memref<128x128xf32, #tpu.memory_space<vmem>> -> memref<64x128xf32, #tpu.memory_space<vmem>>
      %dma_start3A_419 = arith.constant 0 : i32
      %dma_start3A_420 = tpu.memref_slice %arg4[%add3A_415, %dma_start3A_419] : memref<10000x128xf32, #tpu.memory_space<hbm>> -> memref<64x128xf32, #tpu.memory_space<hbm>>
      %dma_start3A_421 = arith.constant 0 : i32
      %dma_start3A_422 = tpu.memref_slice %arg4[%add3A_415, %dma_start3A_421] : memref<10000x128xf32, #tpu.memory_space<hbm>> -> memref<64x128xf32, #tpu.memory_space<hbm>>
      %dma_start3A_423 = arith.constant 0 : i32
      %dma_start3A_424 = arith.constant 0 : i32
      %dma_start3A_425 = tpu.memref_slice %arg8[%dma_start3A_423, %dma_start3A_424] : memref<128x128xf32, #tpu.memory_space<vmem>> -> memref<64x128xf32, #tpu.memory_space<vmem>>
      tpu.enqueue_dma source(%dma_start3A_425 : memref<64x128xf32, #tpu.memory_space<vmem>>) target(%dma_start3A_422 : memref<64x128xf32, #tpu.memory_space<hbm>>) target_semaphore(%arg12 : memref<!tpu.dma_semaphore, #tpu.memory_space<semaphore_mem>>)
    } else {
    }
    %eq3A_385 = arith.constant 31 : i32
    %eq3A_386 = arith.cmpi eq, %add3A, %eq3A_385 : i32
    %convert_element_type3A_387 = arith.extui %eq3A_386 : i1 to i32
    %cond3A_388 = arith.constant 0 : i32
    %cond3A_389 = arith.cmpi ne, %convert_element_type3A_387, %cond3A_388 : i32
    scf.if %cond3A_389 {
      %dma_start3A_414 = arith.constant 0 : i32
      %dma_start3A_415 = arith.constant 0 : i32
      %dma_start3A_416 = tpu.memref_slice %arg8[%dma_start3A_414, %dma_start3A_415] : memref<128x128xf32, #tpu.memory_space<vmem>> -> memref<64x128xf32, #tpu.memory_space<vmem>>
      %dma_start3A_417 = arith.constant 0 : i32
      %dma_start3A_418 = arith.constant 0 : i32
      %dma_start3A_419 = tpu.memref_slice %arg5[%dma_start3A_417, %dma_start3A_418] : memref<128x128xf32, #tpu.memory_space<hbm>> -> memref<64x128xf32, #tpu.memory_space<hbm>>
      %dma_start3A_420 = arith.constant 0 : i32
      %dma_start3A_421 = arith.constant 0 : i32
      %dma_start3A_422 = tpu.memref_slice %arg5[%dma_start3A_420, %dma_start3A_421] : memref<128x128xf32, #tpu.memory_space<hbm>> -> memref<64x128xf32, #tpu.memory_space<hbm>>
      %dma_start3A_423 = arith.constant 0 : i32
      %dma_start3A_424 = arith.constant 0 : i32
      %dma_start3A_425 = tpu.memref_slice %arg8[%dma_start3A_423, %dma_start3A_424] : memref<128x128xf32, #tpu.memory_space<vmem>> -> memref<64x128xf32, #tpu.memory_space<vmem>>
      tpu.enqueue_dma source(%dma_start3A_425 : memref<64x128xf32, #tpu.memory_space<vmem>>) target(%dma_start3A_422 : memref<64x128xf32, #tpu.memory_space<hbm>>) target_semaphore(%arg12 : memref<!tpu.dma_semaphore, #tpu.memory_space<semaphore_mem>>)
    } else {
    }
    %dma_wait3A_390 = arith.constant 0 : i32
    %dma_wait3A_391 = arith.constant 0 : i32
    %dma_wait3A_392 = tpu.memref_slice %arg9[%dma_wait3A_390, %dma_wait3A_391] : memref<128x128xf32, #tpu.memory_space<vmem>> -> memref<128x128xf32, #tpu.memory_space<vmem>>
    %dma_wait3A_393 = arith.constant 0 : i32
    %dma_wait3A_394 = arith.constant 0 : i32
    %dma_wait3A_395 = tpu.memref_slice %arg4[%dma_wait3A_393, %dma_wait3A_394] : memref<10000x128xf32, #tpu.memory_space<hbm>> -> memref<128x128xf32, #tpu.memory_space<hbm>>
    %dma_wait3A_396 = arith.constant 0 : i32
    %dma_wait3A_397 = arith.constant 0 : i32
    %dma_wait3A_398 = tpu.memref_slice %arg4[%dma_wait3A_396, %dma_wait3A_397] : memref<10000x128xf32, #tpu.memory_space<hbm>> -> memref<128x128xf32, #tpu.memory_space<hbm>>
    %dma_wait3A_399 = arith.constant 0 : i32
    %dma_wait3A_400 = arith.constant 0 : i32
    %dma_wait3A_401 = tpu.memref_slice %arg9[%dma_wait3A_399, %dma_wait3A_400] : memref<128x128xf32, #tpu.memory_space<vmem>> -> memref<128x128xf32, #tpu.memory_space<vmem>>
    tpu.wait_dma2 semaphore(%arg13 : memref<!tpu.dma_semaphore, #tpu.memory_space<semaphore_mem>>) src(%dma_wait3A_401 : memref<128x128xf32, #tpu.memory_space<vmem>>) dst(%dma_wait3A_398 : memref<128x128xf32, #tpu.memory_space<hbm>>)
    %dma_wait3A_402 = arith.constant 0 : i32
    %dma_wait3A_403 = arith.constant 0 : i32
    %dma_wait3A_404 = tpu.memref_slice %arg8[%dma_wait3A_402, %dma_wait3A_403] : memref<128x128xf32, #tpu.memory_space<vmem>> -> memref<64x128xf32, #tpu.memory_space<vmem>>
    %dma_wait3A_405 = arith.constant 0 : i32
    %dma_wait3A_406 = arith.constant 0 : i32
    %dma_wait3A_407 = tpu.memref_slice %arg4[%dma_wait3A_405, %dma_wait3A_406] : memref<10000x128xf32, #tpu.memory_space<hbm>> -> memref<64x128xf32, #tpu.memory_space<hbm>>
    %dma_wait3A_408 = arith.constant 0 : i32
    %dma_wait3A_409 = arith.constant 0 : i32
    %dma_wait3A_410 = tpu.memref_slice %arg4[%dma_wait3A_408, %dma_wait3A_409] : memref<10000x128xf32, #tpu.memory_space<hbm>> -> memref<64x128xf32, #tpu.memory_space<hbm>>
    %dma_wait3A_411 = arith.constant 0 : i32
    %dma_wait3A_412 = arith.constant 0 : i32
    %dma_wait3A_413 = tpu.memref_slice %arg8[%dma_wait3A_411, %dma_wait3A_412] : memref<128x128xf32, #tpu.memory_space<vmem>> -> memref<64x128xf32, #tpu.memory_space<vmem>>
    tpu.wait_dma2 semaphore(%arg12 : memref<!tpu.dma_semaphore, #tpu.memory_space<semaphore_mem>>) src(%dma_wait3A_413 : memref<64x128xf32, #tpu.memory_space<vmem>>) dst(%dma_wait3A_410 : memref<64x128xf32, #tpu.memory_space<hbm>>)
    return
  }
}

</mosaic_0001>

<sc_bundles>
// kernel: kernel.3.cloned.1.call-start
scs
__scs_entry_jumppad:
0x0: {  	(pc) =	sbr.rel $0x88, $3  }
0x1: {  	(tag) =	ssettag $0x0;
	lr =	simm.s32 $0x1  }
0x2: {  	[smem:$0x3F9F] =	sst lr;
	_ =	strace $0xD0000000  }
0x3: {  	_ = 	snop  }
0x4: {  	_ = 	snop  }
0x5: {  	_ = 	snop  }
0x6: {  	_ = 	snop  }
0x7: {  	_ = 	snop  }
__scs_overlays_trampoline_lowered:
0x8: {  	[smem:$0x3FAE] =	sst s0  }
0x9: {  	[smem:$0x3FAF] =	sst s1  }
0xa: {  	[smem:$0x3FB0] =	sst s2  }
0xb: {  	[smem:$0x3FB1] =	sst s3  }
0xc: {  	[smem:$0x3FB2] =	sst s4  }
0xd: {  	[smem:$0x3FB3] =	sst s5  }
0xe: {  	[smem:$0x3FB4] =	sst s6  }
0xf: {  	[smem:$0x3FB5] =	sst s7  }
0x10: {  	[smem:$0x3FB6] =	sst s8  }
0x11: {  	[smem:$0x3FB7] =	sst s9;
	s0 =	simm.s32 @!p0 $0x0  }
0x12: {  	s1 =	sld [smem:$0x3F9D];
	s0 =	simm.s32 @p0 $0x1  }
0x13: {  	[smem:$0x3FB8] =	sst s0;
	s0 =	simm.s32 @!p1 $0x0  }
0x14: {  	s2 =	sld [smem:$0x3F9C];
	s0 =	simm.s32 @p1 $0x1  }
0x15: {  	[smem:$0x3FB9] =	sst s0;
	s0 =	simm.s32 @!p2 $0x0  }
0x16: {  	s3 =	sld [smem:$0x3FDB];
	s0 =	simm.s32 @p2 $0x1  }
0x17: {  	s4 =	simm.s32 $0x1BF5;
	[smem:$0x3FBB] =	sst s0  }
0x18: {  	s0 =	sld [smem:$0x3F9E];
	_ =	swait.ge [sflag:s4], $0x0  }
0x19: {  	s7 =	sld [smem:$0x3F9F]  }
0x1a: {  	s8 =	sadd.s32 $0xFFFFE003, lr  }
0x1b: {  	s9 =	sadd.s32 $0xFFFFFEF7, lr;
	s5 =	simm.s32 $0xFFFFFFFF;
	p2 =	slt.u32 s8, $0xFFFFF086  }
0x1c: {  	p1 =	slt.u32 s9, $0xF7A;
	s5 =	simm.s32 @!p2 $0x0  }
0x1d: {  	s5 =	simm.s32 @p1 $0x1;
	p0 =	seq.s32 s7, s2  }
0x1e: {  	s7 =	smul.u32 @!p0 $0xF7A, s2;
	p2 =	seq.s32 @!p0 s5, $0x0  }
0x1f: {  	s9 =	smul.u32 $0xF7A, s1;
	s8 =	simm.s32 @!p0 $0x1BF5;
	p2 =	por !p2, p0  }
0x20: {  	[sflag:s8] =	ssyncset.s32 @!p0 $0xFFFFF086;
	s6 =	sadd.s32 @!p0 s3, s7;
	s7 =	simm.s32 @!p0 $0x108  }
0x21: {  	s3 =	sadd.s32 s3, s9;
	s6 =	sadd.s32 @!p0 $0x88, s6;
	s7 =	simm.s32 @p2 $0x1082  }
0x22: {  	[simem:s7], [sflag:s8] =	dma.local @!p0 [hbm:s6], $0xF7A  }
0x23: {  	s9 =	sor.u32 $0xD0000000, s2;
	s6 =	simm.s32 $0x108;
	_ =	swait.ge @!p0 [sflag:s8], $0x0  }
0x24: {  	s3 =	sadd.s32 $0x88, s3;
	s6 =	simm.s32 @!p1 $0x1082;
	[sflag:s4] =	ssyncset.s32 $0xFFFFF086  }
0x25: {  	[simem:s6], [sflag:s4] =	dma.local [hbm:s3], $0xF7A  }
0x26: {  	[smem:$0x3F9F] =	sst s1;
	(tag) =	ssettag s2;
	_ =	strace s9  }
0x27: {  	s1 =	sld [smem:$0x3FAF]  }
0x28: {  	s2 =	sld [smem:$0x3FB0]  }
0x29: {  	s4 =	sld [smem:$0x3FB2]  }
0x2a: {  	p0 =	seq.s32 s5, $0x0;
	s5 =	sld [smem:$0x3FB3]  }
0x2b: {  	s6 =	sld [smem:$0x3FB4]  }
0x2c: {  	s7 =	sld [smem:$0x3FB5]  }
0x2d: {  	s3 =	simm.s32 $0x108;
	s8 =	sld [smem:$0x3FB6]  }
0x2e: {  	s3 =	simm.s32 @!p0 $0x1082;
	s9 =	sld [smem:$0x3FB7]  }
0x2f: {  	lr =	sadd.s32 s0, s3;
	s0 =	sld [smem:$0x3FAE]  }
0x30: {  	s3 =	sld [smem:$0x3FB1]  }
0x31: {  	[smem:$0x3FBA] =	sst s10  }
0x32: {  	s10 =	sld [smem:$0x3FB8];
	_ =	sdelay $0x3  }
0x33: {  	p0 =	seq.s32 s10, $0x1;
	s10 =	sld [smem:$0x3FBA];
	_ =	sdelay $0x3  }
0x34: {  	[smem:$0x3FBA] =	sst s10  }
0x35: {  	s10 =	sld [smem:$0x3FB9];
	_ =	sdelay $0x3  }
0x36: {  	p1 =	seq.s32 s10, $0x1;
	s10 =	sld [smem:$0x3FBA];
	_ =	sdelay $0x3  }
0x37: {  	[smem:$0x3FBA] =	sst s10  }
0x38: {  	s10 =	sld [smem:$0x3FBB]  }
0x39: {  	_ = 	snop;
	(pc) =	sbr.ind lr, $3  }
0x3a: {  	_ = 	snop  }
0x3b: {  	_ = 	snop  }
0x3c: {  	p2 =	seq.s32 s10, $0x1;
	s10 =	sld [smem:$0x3FBA]  }
0x3d: {  	_ =	shalt  }
0x3e: {  	_ =	shalt  }
0x3f: {  	_ =	shalt  }
0x40: {  	_ =	shalt  }
0x41: {  	_ =	shalt  }
0x42: {  	_ =	shalt  }
0x43: {  	_ =	shalt  }
0x44: {  	_ =	shalt  }
0x45: {  	_ =	shalt  }
0x46: {  	_ =	shalt  }
0x47: {  	_ =	shalt  }
0x48: {  	_ =	shalt  }
0x49: {  	_ =	shalt  }
0x4a: {  	_ =	shalt  }
0x4b: {  	_ =	shalt  }
0x4c: {  	_ =	shalt  }
0x4d: {  	_ =	shalt  }
0x4e: {  	_ =	shalt  }
0x4f: {  	_ =	shalt  }
0x50: {  	_ =	shalt  }
0x51: {  	_ =	shalt  }
0x52: {  	_ =	shalt  }
0x53: {  	_ =	shalt  }
0x54: {  	_ =	shalt  }
0x55: {  	_ =	shalt  }
0x56: {  	_ =	shalt  }
0x57: {  	_ =	shalt  }
0x58: {  	_ =	shalt  }
0x59: {  	_ =	shalt  }
0x5a: {  	_ =	shalt  }
0x5b: {  	_ =	shalt  }
0x5c: {  	_ =	shalt  }
0x5d: {  	_ =	shalt  }
0x5e: {  	_ =	shalt  }
0x5f: {  	_ =	shalt  }
0x60: {  	_ =	shalt  }
0x61: {  	_ =	shalt  }
0x62: {  	_ =	shalt  }
0x63: {  	_ =	shalt  }
0x64: {  	_ =	shalt  }
0x65: {  	_ =	shalt  }
0x66: {  	_ =	shalt  }
0x67: {  	_ =	shalt  }
0x68: {  	_ =	shalt  }
0x69: {  	_ =	shalt  }
0x6a: {  	_ =	shalt  }
0x6b: {  	_ =	shalt  }
0x6c: {  	_ =	shalt  }
0x6d: {  	_ =	shalt  }
0x6e: {  	_ =	shalt  }
0x6f: {  	_ =	shalt  }
0x70: {  	_ =	shalt  }
0x71: {  	_ =	shalt  }
0x72: {  	_ =	shalt  }
0x73: {  	_ =	shalt  }
0x74: {  	_ =	shalt  }
0x75: {  	_ =	shalt  }
0x76: {  	_ =	shalt  }
0x77: {  	_ =	shalt  }
0x78: {  	_ =	shalt  }
0x79: {  	_ =	shalt  }
0x7a: {  	_ =	shalt  }
0x7b: {  	_ =	shalt  }
0x7c: {  	_ =	shalt  }
0x7d: {  	_ =	shalt  }
0x7e: {  	_ =	shalt  }
0x7f: {  	_ =	shalt  }
0x80: {  	_ =	shalt  }
0x81: {  	_ =	shalt  }
0x82: {  	_ =	shalt  }
0x83: {  	_ =	shalt  }
0x84: {  	_ =	shalt  }
0x85: {  	_ =	shalt  }
0x86: {  	_ =	shalt  }
0x87: {  	_ =	shalt  }
.Lfunc_end0:
.L_simem_size_0:
called_computation_lowered:
.L_overlay_start_0:
0x88: {  	s2 =	sld [smem:$0x3FD9]  }
0x89: {  	s3 =	sld [smem:$0x3FFE];
	_ =	sdelay $0x1  }
0x8a: {  	s1 =	srdreg.scid  }
0x8b: {  	s0 =	sand.u32 $0x1, s1  }
0x8c: {  	s17 =	sshll.u32 s0, $0xA;
	s2 =	sadd.s32 s3, s2  }
0x8d: {  	s2 =	sadd.s32 s2, s17  }
0x8e: {  	[smem:$0x3FC6] =	sst s2  }
0x8f: {  	_ = 	snop  }
0x90: {  	s2 =	sld [smem:$0x3FC8]  }
0x91: {  	s18 =	sld [smem:$0x3FD0];
	(tm) =	ssettm $0x1  }
0x92: {  	s4 =	sld [smem:$0x3FFB];
	_ =	sdelay $0x3  }
0x93: {  	_ =	strace s4  }
0x94: {  	s4 =	sld [smem:$0x3FFC];
	_ =	sdelay $0x3  }
0x95: {  	_ =	strace s4  }
0x96: {  	s4 =	sld [smem:$0x3FFD];
	_ =	sdelay $0x3  }
0x97: {  	_ =	strace s4  }
0x98: {  	_ =	strace $0x8FFFFFFF  }
0x99: {  	s19 =	sld [smem:$0x3FDB];
	_ =	sdelay $0x1  }
0x9a: {  	s5 =	simm.s32 $_scs_section_size  }
0x9b: {  	s6 =	simm.s32 $_size__tile_overlayer_lowered;
	s7 =	simm.s32 $_tile_overlayer_lowered  }
0x9c: {  	s22 =	simm.s32 $0x1BFF;
	s21 =	sshll.u32 s7, $0x1;
	s4 =	sadd.s32 s5, s19  }
0x9d: {  	s8 =	simm.s32 $0x0;
	s20 =	sshll.u32 s6, $0x1;
	s6 =	sadd.s32 s21, s4  }
0x9e: {  	[timem:s8], [sflag:s22] =	dma.local [hbm:s6], s20  }
0x9f: {  	_ =	swait.ge [sflag:s22], s20  }
0xa0: {  	s5 =	ssub.s32 $0x0, s20;
	[sflag:s22] =	ssyncset.done $0x0  }
0xa1: {  	[sflag:s22] =	ssyncadd.s32 s5;
	_ =	sdelay $0x1  }
0xa2: {  	s23 =	simm.s32 $0x1B8B  }
0xa3: {  	_ =	swait.ge [sflag:s23], $0x1  }
0xa4: {  	[sflag:s23] =	ssyncset.done $0x0  }
0xa5: {  	s25 =	simm.s32 $0x1B8E;
	s24 =	sld [smem:$0x3FFE];
	[sflag:s23] =	ssyncadd.s32 $0xFFFFFFFF  }
0xa6: {  	s26 =	simm.s32 $execute0_lowered;
	[smem:$0x3FD2] =	sst s25  }
0xa7: {  	s6 =	sshll.u32 s26, $0x1;
	_ =	strace $0x80000046;
	[dreg:$0x1] =	wrdreg $0xFFFFFFFF  }
0xa8: {  	s28 =	simm.s32 $_size_execute0_lowered;
	s4 =	sadd.s32 s4, s6;
	[dreg:$0x0] =	wrdreg $0x0  }
0xa9: {  	s6 =	sshll.u32 s28, $0x1;
	[dreg:$0x2] =	wrdreg s4  }
0xaa: {  	[dreg:$0x3] =	wrdreg s6  }
0xab: {  	[dreg:$0x4] =	wrdreg $0xC0  }
0xac: {  	_ =	task [dreg:s8], $0x5FFFF  }
0xad: {  	[dreg:$0x1] =	wrdreg $0xFFFFFFFF  }
0xae: {  	[dreg:$0x0] =	wrdreg $0x60  }
0xaf: {  	[dreg:$0x2] =	wrdreg s24  }
0xb0: {  	[dreg:$0x3] =	wrdreg s2  }
0xb1: {  	[dreg:$0x4] =	wrdreg s18  }
0xb2: {  	[dreg:$0x5] =	wrdreg $0x0  }
0xb3: {  	[dreg:$0x6] =	wrdreg $0x9  }
0xb4: {  	_ =	task.clear_ibuf [dreg:s8], $0x7FFFF;
	_ =	strace $0x90000046  }
0xb5: {  	s29 =	simm.s32 $0x9;
	_ =	strace $0x80000048  }
0xb6: {  	_ =	swait.ge [sflag:s29], $0x1  }
0xb7: {  	[sflag:s29] =	ssyncadd.s32 $0xFFFFFFFF  }
0xb8: {  	_ =	strace $0x90000048  }
0xb9: {  	_ =	sfence  }
0xba: {  	s30 =	sld [smem:$0x0];
	_ =	sdelay $0x2  }
0xbb: {  	s31 =	sshll.u32 s1, $0xD;
	s1 =	sshrl.u32 s1, $0x2  }
0xbc: {  	s3 =	sand.u32 $0x4000, s31;
	s1 =	sadd.s32 s1, s30  }
0xbd: {  	s0 =	sor.u32 s3, s0;
	s1 =	sshll.u32 s1, $0x11  }
0xbe: {  	s0 =	sor.u32 s1, s0  }
0xbf: {  	s0 =	sadd.s32 $0x8F2B, s0  }
0xc0: {  	[sflag:s0] =	ssyncadd.remote.s32 $0x1  }
0xc1: {  	_ =	sfence.sel $0xFFFF  }
0xc2: {  	[dreg:$0x0] =	wrdreg $0xFFFFFFFF;
	(pc) =	sbr.abs _section_cstart, $3  }
0xc3: {  	[dreg:$0x1] =	wrdreg $0xFFFFFFFF  }
0xc4: {  	_ =	task.clear_ibuf [dreg:s8], $0x2FFFF;
	_ =	strace $0x9FFFFFFF  }
0xc5: {  	(tm) =	ssettm $0x7FFFFFFF  }
tec
execute0_lowered:
.L_overlay_start_1:
0x0: {  	(tag) =	ssettag $0x1  }
0x1: {  	s4 =	rddreg [dreg:$0x0]  }
0x2: {  	s5 =	rddreg [dreg:$0x1];
	s1 =	srdreg.scid  }
0x3: {  	s0 =	stileid.u32;
	s8 =	rddreg [dreg:$0x2]  }
0x4: {  	s2 =	rddreg [dreg:$0x3];
	s3 =	simm.s32 $0x0;
	s14 =	simm.s32 $0x6  }
0x5: {  	s15 =	simm.s32 $0x5;
	s16 =	simm.s32 $0x80;
	s17 =	simm.s32 $0x16880  }
0x6: {  	s18 =	simm.s32 $0x1A880;
	s19 =	simm.s32 $0x1;
	s21 =	simm.s32 $0x2  }
0x7: {  	s23 =	simm.s32 $0x3;
	s6 =	sand.u32 $0x1, s1;
	s1 =	rddreg [dreg:$0x4]  }
0x8: {  	s24 =	simm.s32 $0x0;
	s26 =	sshll.u32 s0, $0x1;
	[smem:$0x7FF] =	sst s3  }
0x9: {  	s9 =	smul.u32 $0x278, s0;
	s22 =	sadd.s32 $0xC800, s4;
	s20 =	sor.u32 s6, s26  }
0xa: {  	s29 =	sshll.u32 s0, $0x6;
	s6 =	ssub.s32 $0x2, s6;
	s7 =	smul.u32 $0x600, s20  }
0xb: {  	_ =	strace $0x80000047;
	s28 =	sshrl.u32 s6, $0x1;
	s11 =	smul.u32 $0xA000, s20  }
0xc: {  	s9 =	smin.u32 s9, $0x2498;
	s30 =	smul.u32 $0x1400, s20;
	p0 =	seq.s32 s20, $0x1F  }
0xd: {  	s20 =	simm.s32 $0x40;
	s10 =	sshll.u32 s9, $0x7;
	s9 =	sshll.u32 s9, $0x4  }
0xe: {  	s12 =	ssub.s32 s6, s28;
	s7 =	sadd.s32 s7, s4;
	s13 =	sadd.s32 s10, s2  }
0xf: {  	s4 =	sadd.s32 s5, s9;
	s31 =	sshrl.u32 s11, $0x3;
	s5 =	sor.u32 $0x1C05, s29  }
0x10: {  	s11 =	smax.u32 s12, $0x1;
	s6 =	sadd.s32 $0x800, s7;
	s10 =	sadd.s32 s8, s31  }
0x11: {  	s7 =	sadd.s32 s8, s30;
	s8 =	sadd.s32 $0x26C00, s8;
	s12 =	sshrl.u32 s13, $0x3  }
0x12: {  	s13 =	simm.s32 $0x13880;
	s9 =	sadd.s32 $0x800, s10;
	s10 =	sadd.s32 $0x1000, s10  }
0x13: {  	v0 =	vimm.f32 $0.0e+00;
	s9 =	smov.u32 @p0 s22;
	s10 =	smov.u32 @p0 s22;
	s22 =	simm.s32 $0x4  }
.LBB2_1:
0x14: {  	[spmem:s12], [sflag:s5] =	dma.local [hbm:s4], $0x2780  }
0x15: {  	[tilespmem:s13], [sflag:$0x6] =	stream.linear.gather [hbm4b:s6+s3], $0x3000, $0x38;
	[tilespmem:$0x1E880] =	vst v63  }
0x16: {  	_ =	swait.ge [sflag:s14], $0x3000  }
0x17: {  	[sflag:s14] =	ssyncset.done $0x0  }
0x18: {  	s26 =	simm.s32 $0x16980;
	[sflag:s14] =	ssyncadd.s32 $0xFFFFD000  }
0x19: {  	[tilespmem:s26+$0xFFFFFF00] =	vst v0  }
0x1a: {  	[tilespmem:s26+$0xF0] =	vst v0  }
0x1b: {  	[tilespmem:s26+$0xE0] =	vst v0  }
0x1c: {  	[tilespmem:s26+$0xD0] =	vst v0  }
0x1d: {  	[tilespmem:s26+$0xC0] =	vst v0  }
0x1e: {  	[tilespmem:s26+$0xB0] =	vst v0  }
0x1f: {  	[tilespmem:s26+$0xA0] =	vst v0  }
0x20: {  	[tilespmem:s26+$0x90] =	vst v0  }
0x21: {  	[tilespmem:s26+$0x80] =	vst v0  }
0x22: {  	[tilespmem:s26+$0x70] =	vst v0  }
0x23: {  	[tilespmem:s26+$0x60] =	vst v0  }
0x24: {  	[tilespmem:s26+$0x50] =	vst v0  }
0x25: {  	[tilespmem:s26+$0x40] =	vst v0  }
0x26: {  	[tilespmem:s26+$0x30] =	vst v0  }
0x27: {  	[tilespmem:s26+$0x20] =	vst v0  }
0x28: {  	[tilespmem:s26+$0x10] =	vst v0  }
0x29: {  	[tilespmem:s26+$0x0] =	vst v0  }
0x2a: {  	[tilespmem:s26+$0xFFFFFFF0] =	vst v0  }
0x2b: {  	[tilespmem:s26+$0xFFFFFFE0] =	vst v0  }
0x2c: {  	[tilespmem:s26+$0xFFFFFFD0] =	vst v0  }
0x2d: {  	[tilespmem:s26+$0xFFFFFFC0] =	vst v0  }
0x2e: {  	[tilespmem:s26+$0xFFFFFFB0] =	vst v0  }
0x2f: {  	[tilespmem:s26+$0xFFFFFFA0] =	vst v0  }
0x30: {  	[tilespmem:s26+$0xFFFFFF90] =	vst v0  }
0x31: {  	[tilespmem:s26+$0xFFFFFF80] =	vst v0  }
0x32: {  	[tilespmem:s26+$0xFFFFFF70] =	vst v0  }
0x33: {  	[tilespmem:s26+$0xFFFFFF60] =	vst v0  }
0x34: {  	[tilespmem:s26+$0xFFFFFF50] =	vst v0  }
0x35: {  	[tilespmem:s26+$0xFFFFFF40] =	vst v0  }
0x36: {  	[tilespmem:s26+$0xFFFFFF30] =	vst v0  }
0x37: {  	s28 =	simm.s32 $0x0;
	[tilespmem:s26+$0xFFFFFF20] =	vst v0  }
.LBB2_2:
0x38: {  	s28 =	sadd.s32 $0x4, s28;
	[tilespmem:s26+$0xFFFFFF10] =	vst v0;
	s26 =	sadd.s32 $0x200, s26;
	s25 =	simm.s32 $0x1A980  }
0x39: {  	[tilespmem:s26+$0xFFFFFF00] =	vst v0;
	p1 =	slt.u32 s28, $0x7C  }
0x3a: {  	[tilespmem:s26+$0xF0] =	vst v0  }
0x3b: {  	[tilespmem:s26+$0xE0] =	vst v0  }
0x3c: {  	[tilespmem:s26+$0xD0] =	vst v0  }
0x3d: {  	[tilespmem:s26+$0xC0] =	vst v0  }
0x3e: {  	[tilespmem:s26+$0xB0] =	vst v0  }
0x3f: {  	[tilespmem:s26+$0xA0] =	vst v0  }
0x40: {  	[tilespmem:s26+$0x90] =	vst v0  }
0x41: {  	[tilespmem:s26+$0x80] =	vst v0  }
0x42: {  	[tilespmem:s26+$0x70] =	vst v0  }
0x43: {  	[tilespmem:s26+$0x60] =	vst v0  }
0x44: {  	[tilespmem:s26+$0x50] =	vst v0  }
0x45: {  	[tilespmem:s26+$0x40] =	vst v0  }
0x46: {  	[tilespmem:s26+$0x30] =	vst v0  }
0x47: {  	[tilespmem:s26+$0x20] =	vst v0  }
0x48: {  	[tilespmem:s26+$0x10] =	vst v0  }
0x49: {  	[tilespmem:s26+$0x0] =	vst v0  }
0x4a: {  	[tilespmem:s26+$0xFFFFFFF0] =	vst v0  }
0x4b: {  	[tilespmem:s26+$0xFFFFFFE0] =	vst v0  }
0x4c: {  	[tilespmem:s26+$0xFFFFFFD0] =	vst v0  }
0x4d: {  	[tilespmem:s26+$0xFFFFFFC0] =	vst v0  }
0x4e: {  	[tilespmem:s26+$0xFFFFFFB0] =	vst v0  }
0x4f: {  	[tilespmem:s26+$0xFFFFFFA0] =	vst v0  }
0x50: {  	[tilespmem:s26+$0xFFFFFF90] =	vst v0  }
0x51: {  	[tilespmem:s26+$0xFFFFFF80] =	vst v0  }
0x52: {  	[tilespmem:s26+$0xFFFFFF70] =	vst v0  }
.Ltmp0:
0x53: {  	[tilespmem:s26+$0xFFFFFF60] =	vst v0;
	(pc) =	sbr.rel @p1 .LBB2_2-.Ltmp0, $4  }
0x54: {  	[tilespmem:s26+$0xFFFFFF50] =	vst v0  }
0x55: {  	[tilespmem:s26+$0xFFFFFF40] =	vst v0  }
0x56: {  	[tilespmem:s26+$0xFFFFFF30] =	vst v0  }
0x57: {  	[tilespmem:s26+$0xFFFFFF20] =	vst v0  }
0x58: {  	[tilespmem:s26+$0xFFFFFF10] =	vst v0  }
0x59: {  	[tilespmem:s25+$0xFFFFFF00] =	vst v0  }
0x5a: {  	[tilespmem:s25+$0xF0] =	vst v0  }
0x5b: {  	[tilespmem:s25+$0xE0] =	vst v0  }
0x5c: {  	[tilespmem:s25+$0xD0] =	vst v0  }
0x5d: {  	[tilespmem:s25+$0xC0] =	vst v0  }
0x5e: {  	[tilespmem:s25+$0xB0] =	vst v0  }
0x5f: {  	[tilespmem:s25+$0xA0] =	vst v0  }
0x60: {  	[tilespmem:s25+$0x90] =	vst v0  }
0x61: {  	[tilespmem:s25+$0x80] =	vst v0  }
0x62: {  	[tilespmem:s25+$0x70] =	vst v0  }
0x63: {  	[tilespmem:s25+$0x60] =	vst v0  }
0x64: {  	[tilespmem:s25+$0x50] =	vst v0  }
0x65: {  	[tilespmem:s25+$0x40] =	vst v0  }
0x66: {  	[tilespmem:s25+$0x30] =	vst v0  }
0x67: {  	[tilespmem:s25+$0x20] =	vst v0  }
0x68: {  	[tilespmem:s25+$0x10] =	vst v0  }
0x69: {  	[tilespmem:s25+$0x0] =	vst v0  }
0x6a: {  	[tilespmem:s25+$0xFFFFFFF0] =	vst v0  }
0x6b: {  	[tilespmem:s25+$0xFFFFFFE0] =	vst v0  }
0x6c: {  	[tilespmem:s25+$0xFFFFFFD0] =	vst v0  }
0x6d: {  	[tilespmem:s25+$0xFFFFFFC0] =	vst v0  }
0x6e: {  	[tilespmem:s25+$0xFFFFFFB0] =	vst v0  }
0x6f: {  	[tilespmem:s25+$0xFFFFFFA0] =	vst v0  }
0x70: {  	[tilespmem:s25+$0xFFFFFF90] =	vst v0  }
0x71: {  	[tilespmem:s25+$0xFFFFFF80] =	vst v0  }
0x72: {  	[tilespmem:s25+$0xFFFFFF70] =	vst v0  }
0x73: {  	[tilespmem:s25+$0xFFFFFF60] =	vst v0  }
0x74: {  	[tilespmem:s25+$0xFFFFFF50] =	vst v0  }
0x75: {  	[tilespmem:s25+$0xFFFFFF40] =	vst v0  }
0x76: {  	[tilespmem:s25+$0xFFFFFF30] =	vst v0  }
0x77: {  	s26 =	simm.s32 $0x0;
	[tilespmem:s25+$0xFFFFFF20] =	vst v0  }
.LBB2_4:
0x78: {  	s26 =	sadd.s32 $0x4, s26;
	[tilespmem:s25+$0xFFFFFF10] =	vst v0;
	s25 =	sadd.s32 $0x200, s25  }
0x79: {  	[tilespmem:s25+$0xFFFFFF00] =	vst v0;
	p1 =	slt.u32 s26, $0x7C  }
0x7a: {  	[tilespmem:s25+$0xF0] =	vst v0  }
0x7b: {  	[tilespmem:s25+$0xE0] =	vst v0  }
0x7c: {  	[tilespmem:s25+$0xD0] =	vst v0  }
0x7d: {  	[tilespmem:s25+$0xC0] =	vst v0  }
0x7e: {  	[tilespmem:s25+$0xB0] =	vst v0  }
0x7f: {  	[tilespmem:s25+$0xA0] =	vst v0  }
0x80: {  	[tilespmem:s25+$0x90] =	vst v0  }
0x81: {  	[tilespmem:s25+$0x80] =	vst v0  }
0x82: {  	[tilespmem:s25+$0x70] =	vst v0  }
0x83: {  	[tilespmem:s25+$0x60] =	vst v0  }
0x84: {  	[tilespmem:s25+$0x50] =	vst v0  }
0x85: {  	[tilespmem:s25+$0x40] =	vst v0  }
0x86: {  	[tilespmem:s25+$0x30] =	vst v0  }
0x87: {  	[tilespmem:s25+$0x20] =	vst v0  }
0x88: {  	[tilespmem:s25+$0x10] =	vst v0  }
0x89: {  	[tilespmem:s25+$0x0] =	vst v0  }
0x8a: {  	[tilespmem:s25+$0xFFFFFFF0] =	vst v0  }
0x8b: {  	[tilespmem:s25+$0xFFFFFFE0] =	vst v0  }
0x8c: {  	[tilespmem:s25+$0xFFFFFFD0] =	vst v0  }
0x8d: {  	[tilespmem:s25+$0xFFFFFFC0] =	vst v0  }
0x8e: {  	[tilespmem:s25+$0xFFFFFFB0] =	vst v0  }
0x8f: {  	[tilespmem:s25+$0xFFFFFFA0] =	vst v0  }
0x90: {  	[tilespmem:s25+$0xFFFFFF90] =	vst v0  }
0x91: {  	[tilespmem:s25+$0xFFFFFF80] =	vst v0  }
0x92: {  	[tilespmem:s25+$0xFFFFFF70] =	vst v0  }
.Ltmp1:
0x93: {  	[tilespmem:s25+$0xFFFFFF60] =	vst v0;
	(pc) =	sbr.rel @p1 .LBB2_4-.Ltmp1, $4  }
0x94: {  	[tilespmem:s25+$0xFFFFFF50] =	vst v0  }
0x95: {  	[tilespmem:s25+$0xFFFFFF40] =	vst v0  }
0x96: {  	[tilespmem:s25+$0xFFFFFF30] =	vst v0  }
0x97: {  	[tilespmem:s25+$0xFFFFFF20] =	vst v0  }
0x98: {  	[tilespmem:s25+$0xFFFFFF10] =	vst v0  }
0x99: {  	_ =	swait.ge [sflag:s15], $0x2780  }
0x9a: {  	[sflag:s15] =	ssyncset.done $0x0  }
0x9b: {  	[sflag:s15] =	ssyncadd.s32 $0xFFFFD880  }
0x9c: {  	s25 =	simm.s32 $0x0;
	s26 =	simm.s32 $0x13880;
	[bflag:$0x0] =	sbarrier.arrive $0xFFFF  }
.LBB2_6:
0x9d: {  	[tilespmem:s17], [sflag:$0x1] =	stream.indirect.gather.add.f32 [spmem:s2], $0x80, s26, s16, $0xb8;
	[tilespmem:$0x1E880] =	vst v63  }
0x9e: {  	p1 =	slt.u32 s25, $0x8;
	s25 =	sadd.s32 $0x1, s25  }
0x9f: {  	p2 =	sne.s32 s25, $0x20  }
.Ltmp2:
0xa0: {  	_ = 	snop;
	(pc) =	sbr.rel @p2 .LBB2_6-.Ltmp2, $4  }
0xa1: {  	s28 =	simm.s32 @!p1 $0x1  }
0xa2: {  	_ =	swait.ge @!p1 [sflag:s28], $0x4000  }
0xa3: {  	[sflag:s28] =	ssyncset.done @!p1 $0x0  }
0xa4: {  	s26 =	sadd.s32 $0x80, s26;
	[sflag:s28] =	ssyncadd.s32 @!p1 $0xFFFFC000  }
0xa5: {  	s25 =	simm.s32 $0x14880;
	p1 =	por $0x1, $0x1  }
0xa6: {  	[tilespmem:s18], [sflag:$0x2] =	stream.indirect.gather.add.f32 [spmem:s2], $0x80, s25, s16, $0xb8;
	[tilespmem:$0x1E880] =	vst v63  }
0xa7: {  	s28 =	simm.s32 @!p1 $0x2  }
0xa8: {  	_ =	swait.ge @!p1 [sflag:s28], $0x4000  }
0xa9: {  	s26 =	simm.s32 $0x1;
	[sflag:s28] =	ssyncset.done @!p1 $0x0  }
.LBB2_8:
0xaa: {  	[sflag:s28] =	ssyncadd.s32 @!p1 $0xFFFFC000  }
0xab: {  	s25 =	sadd.s32 $0x80, s25;
	s28 =	smov.u32 s26;
	s26 =	sadd.s32 $0x1, s26  }
0xac: {  	p2 =	sne.s32 s26, $0x20  }
0xad: {  	[tilespmem:s18], [sflag:$0x2] =	stream.indirect.gather.add.f32 [spmem:s2], $0x80, s25, s16, $0xb8;
	[tilespmem:$0x1E880] =	vst v63  }
.Ltmp3:
0xae: {  	_ = 	snop;
	(pc) =	sbr.rel @p2 .LBB2_8-.Ltmp3, $4  }
0xaf: {  	p1 =	slt.u32 s28, $0x8  }
0xb0: {  	s28 =	simm.s32 @!p1 $0x2  }
0xb1: {  	_ =	swait.ge @!p1 [sflag:s28], $0x4000  }
0xb2: {  	[sflag:s28] =	ssyncset.done @!p1 $0x0  }
0xb3: {  	[sflag:s28] =	ssyncadd.s32 @!p1 $0xFFFFC000  }
0xb4: {  	_ =	swait.ge [sflag:s19], $0x4000  }
0xb5: {  	[sflag:s19] =	ssyncset.done $0x0  }
0xb6: {  	[sflag:s19] =	ssyncadd.s32 $0xFFFFC000  }
0xb7: {  	_ =	swait.ge [sflag:s19], $0x4000  }
0xb8: {  	[sflag:s19] =	ssyncset.done $0x0  }
0xb9: {  	[sflag:s19] =	ssyncadd.s32 $0xFFFFC000  }
0xba: {  	_ =	swait.ge [sflag:s19], $0x4000  }
0xbb: {  	[sflag:s19] =	ssyncset.done $0x0  }
0xbc: {  	[sflag:s19] =	ssyncadd.s32 $0xFFFFC000  }
0xbd: {  	_ =	swait.ge [sflag:s19], $0x4000  }
0xbe: {  	[sflag:s19] =	ssyncset.done $0x0  }
0xbf: {  	[sflag:s19] =	ssyncadd.s32 $0xFFFFC000  }
0xc0: {  	_ =	swait.ge [sflag:s19], $0x4000  }
0xc1: {  	[sflag:s19] =	ssyncset.done $0x0  }
0xc2: {  	[sflag:s19] =	ssyncadd.s32 $0xFFFFC000  }
0xc3: {  	_ =	swait.ge [sflag:s19], $0x4000  }
0xc4: {  	[sflag:s19] =	ssyncset.done $0x0  }
0xc5: {  	[sflag:s19] =	ssyncadd.s32 $0xFFFFC000  }
0xc6: {  	_ =	swait.ge [sflag:s19], $0x4000  }
0xc7: {  	[sflag:s19] =	ssyncset.done $0x0  }
0xc8: {  	[sflag:s19] =	ssyncadd.s32 $0xFFFFC000  }
0xc9: {  	_ =	swait.ge [sflag:s19], $0x4000  }
0xca: {  	[sflag:s19] =	ssyncset.done $0x0  }
0xcb: {  	s25 =	simm.s32 $0x16980;
	[sflag:s19] =	ssyncadd.s32 $0xFFFFC000  }
0xcc: {  	v1 =	vld [tilespmem:s25+$0xFFFFFF00]  }
0xcd: {  	v2 =	vld [tilespmem:s25+$0xFFFFFF10]  }
0xce: {  	v3 =	vld [tilespmem:s25+$0xFFFFFF20]  }
0xcf: {  	v4 =	vld [tilespmem:s25+$0xFFFFFF30]  }
0xd0: {  	v5 =	vld [tilespmem:s25+$0xFFFFFF40]  }
0xd1: {  	v6 =	vld [tilespmem:s25+$0xFFFFFF50];
	v1 =	vmul.f32 $3.125000000e-02, v1  }
0xd2: {  	v7 =	vld [tilespmem:s25+$0xFFFFFF60];
	v2 =	vmul.f32 $3.125000000e-02, v2  }
0xd3: {  	[tilespmem:s25+$0xFFFFFF00] =	vst v1;
	v1 =	vmul.f32 $3.125000000e-02, v3;
	v3 =	vld [tilespmem:s25+$0xFFFFFF70]  }
0xd4: {  	[tilespmem:s25+$0xFFFFFF10] =	vst v2;
	v2 =	vmul.f32 $3.125000000e-02, v4;
	v4 =	vld [tilespmem:s25+$0xFFFFFF80]  }
0xd5: {  	[tilespmem:s25+$0xFFFFFF20] =	vst v1;
	v1 =	vmul.f32 $3.125000000e-02, v5;
	v5 =	vld [tilespmem:s25+$0xFFFFFF90]  }
0xd6: {  	[tilespmem:s25+$0xFFFFFF30] =	vst v2;
	v2 =	vmul.f32 $3.125000000e-02, v6;
	v6 =	vld [tilespmem:s25+$0xFFFFFFA0]  }
0xd7: {  	[tilespmem:s25+$0xFFFFFF40] =	vst v1;
	v1 =	vmul.f32 $3.125000000e-02, v7;
	v7 =	vld [tilespmem:s25+$0xFFFFFFB0]  }
0xd8: {  	[tilespmem:s25+$0xFFFFFF50] =	vst v2;
	v2 =	vmul.f32 $3.125000000e-02, v3;
	v3 =	vld [tilespmem:s25+$0xFFFFFFC0]  }
0xd9: {  	[tilespmem:s25+$0xFFFFFF60] =	vst v1;
	v1 =	vmul.f32 $3.125000000e-02, v4;
	v4 =	vld [tilespmem:s25+$0xFFFFFFD0]  }
0xda: {  	[tilespmem:s25+$0xFFFFFF70] =	vst v2;
	v2 =	vmul.f32 $3.125000000e-02, v5;
	v5 =	vld [tilespmem:s25+$0xFFFFFFE0]  }
0xdb: {  	[tilespmem:s25+$0xFFFFFF80] =	vst v1;
	v1 =	vmul.f32 $3.125000000e-02, v6;
	v6 =	vld [tilespmem:s25+$0x0]  }
0xdc: {  	[tilespmem:s25+$0xFFFFFF90] =	vst v2;
	v2 =	vmul.f32 $3.125000000e-02, v7;
	v7 =	vld [tilespmem:s25+$0x10]  }
0xdd: {  	[tilespmem:s25+$0xFFFFFFA0] =	vst v1;
	v1 =	vmul.f32 $3.125000000e-02, v3;
	v3 =	vld [tilespmem:s25+$0x20]  }
0xde: {  	[tilespmem:s25+$0xFFFFFFB0] =	vst v2;
	v2 =	vmul.f32 $3.125000000e-02, v4;
	v4 =	vld [tilespmem:s25+$0x30]  }
0xdf: {  	[tilespmem:s25+$0xFFFFFFC0] =	vst v1;
	v1 =	vmul.f32 $3.125000000e-02, v5;
	v5 =	vld [tilespmem:s25+$0x40]  }
0xe0: {  	[tilespmem:s25+$0xFFFFFFD0] =	vst v2;
	v2 =	vmul.f32 $3.125000000e-02, v6;
	v6 =	vld [tilespmem:s25+$0x50]  }
0xe1: {  	[tilespmem:s25+$0xFFFFFFE0] =	vst v1;
	v1 =	vmul.f32 $3.125000000e-02, v7;
	v7 =	vld [tilespmem:s25+$0x60]  }
0xe2: {  	[tilespmem:s25+$0x0] =	vst v2;
	v2 =	vmul.f32 $3.125000000e-02, v3;
	v3 =	vld [tilespmem:s25+$0x70]  }
0xe3: {  	[tilespmem:s25+$0x10] =	vst v1;
	v1 =	vmul.f32 $3.125000000e-02, v4;
	v4 =	vld [tilespmem:s25+$0x80]  }
0xe4: {  	[tilespmem:s25+$0x20] =	vst v2;
	v2 =	vmul.f32 $3.125000000e-02, v5;
	v5 =	vld [tilespmem:s25+$0x90]  }
0xe5: {  	[tilespmem:s25+$0x30] =	vst v1;
	v1 =	vmul.f32 $3.125000000e-02, v6;
	v6 =	vld [tilespmem:s25+$0xA0]  }
0xe6: {  	[tilespmem:s25+$0x40] =	vst v2;
	v2 =	vmul.f32 $3.125000000e-02, v7;
	v7 =	vld [tilespmem:s25+$0xB0]  }
0xe7: {  	[tilespmem:s25+$0x50] =	vst v1;
	v3 =	vmul.f32 $3.125000000e-02, v3;
	v1 =	vld [tilespmem:s25+$0xC0]  }
0xe8: {  	[tilespmem:s25+$0x60] =	vst v2;
	v4 =	vmul.f32 $3.125000000e-02, v4;
	v2 =	vld [tilespmem:s25+$0xD0]  }
0xe9: {  	[tilespmem:s25+$0x70] =	vst v3;
	v8 =	vmul.f32 $3.125000000e-02, v5;
	v3 =	vld [tilespmem:s25+$0xE0]  }
0xea: {  	[tilespmem:s25+$0x80] =	vst v4;
	v4 =	vld [tilespmem:s25+$0xF0];
	v6 =	vmul.f32 $3.125000000e-02, v6  }
0xeb: {  	s26 =	simm.s32 $0x0;
	s28 =	simm.s32 $0x16B80;
	v5 =	vld [tilespmem:s25+$0xFFFFFFF0];
	[tilespmem:s25+$0x90] =	vst v8;
	v7 =	vmul.f32 $3.125000000e-02, v7  }
.LBB2_10:
0xec: {  	v8 =	vld [tilespmem:s28+$0xFFFFFF00];
	[tilespmem:s25+$0xA0] =	vst v6;
	v1 =	vmul.f32 $3.125000000e-02, v1  }
0xed: {  	v6 =	vld [tilespmem:s28+$0xFFFFFF10];
	[tilespmem:s25+$0xB0] =	vst v7;
	v2 =	vmul.f32 $3.125000000e-02, v2  }
0xee: {  	v7 =	vld [tilespmem:s28+$0xFFFFFF20];
	[tilespmem:s25+$0xC0] =	vst v1;
	v1 =	vmul.f32 $3.125000000e-02, v3  }
0xef: {  	v3 =	vld [tilespmem:s28+$0xFFFFFF30];
	[tilespmem:s25+$0xD0] =	vst v2;
	v2 =	vmul.f32 $3.125000000e-02, v4  }
0xf0: {  	v4 =	vld [tilespmem:s28+$0xFFFFFF40];
	v5 =	vmul.f32 $3.125000000e-02, v5;
	[tilespmem:s25+$0xE0] =	vst v1  }
0xf1: {  	v1 =	vmul.f32 $3.125000000e-02, v8;
	v8 =	vld [tilespmem:s28+$0xFFFFFF50];
	[tilespmem:s25+$0xF0] =	vst v2  }
0xf2: {  	v2 =	vmul.f32 $3.125000000e-02, v6;
	v6 =	vld [tilespmem:s28+$0xFFFFFF60];
	[tilespmem:s25+$0xFFFFFFF0] =	vst v5;
	s25 =	smov.u32 s28  }
0xf3: {  	[tilespmem:s28+$0xFFFFFF00] =	vst v1;
	v1 =	vmul.f32 $3.125000000e-02, v7;
	v5 =	vld [tilespmem:s28+$0xFFFFFF70]  }
0xf4: {  	[tilespmem:s28+$0xFFFFFF10] =	vst v2;
	v2 =	vmul.f32 $3.125000000e-02, v3;
	v3 =	vld [tilespmem:s28+$0xFFFFFF80]  }
0xf5: {  	[tilespmem:s28+$0xFFFFFF20] =	vst v1;
	v1 =	vmul.f32 $3.125000000e-02, v4;
	v4 =	vld [tilespmem:s28+$0xFFFFFF90]  }
0xf6: {  	[tilespmem:s28+$0xFFFFFF30] =	vst v2;
	v2 =	vmul.f32 $3.125000000e-02, v8;
	v7 =	vld [tilespmem:s28+$0xFFFFFFA0]  }
0xf7: {  	[tilespmem:s28+$0xFFFFFF40] =	vst v1;
	v1 =	vmul.f32 $3.125000000e-02, v6;
	v6 =	vld [tilespmem:s28+$0xFFFFFFB0]  }
0xf8: {  	[tilespmem:s28+$0xFFFFFF50] =	vst v2;
	v2 =	vmul.f32 $3.125000000e-02, v5;
	v5 =	vld [tilespmem:s28+$0xFFFFFFC0]  }
0xf9: {  	[tilespmem:s28+$0xFFFFFF60] =	vst v1;
	v1 =	vmul.f32 $3.125000000e-02, v3;
	v3 =	vld [tilespmem:s28+$0xFFFFFFD0]  }
0xfa: {  	[tilespmem:s28+$0xFFFFFF70] =	vst v2;
	v2 =	vmul.f32 $3.125000000e-02, v4;
	v4 =	vld [tilespmem:s28+$0xFFFFFFE0]  }
0xfb: {  	[tilespmem:s28+$0xFFFFFF80] =	vst v1;
	v1 =	vmul.f32 $3.125000000e-02, v7;
	v7 =	vld [tilespmem:s28+$0x0]  }
0xfc: {  	[tilespmem:s28+$0xFFFFFF90] =	vst v2;
	v2 =	vmul.f32 $3.125000000e-02, v6;
	v6 =	vld [tilespmem:s28+$0x10]  }
0xfd: {  	[tilespmem:s28+$0xFFFFFFA0] =	vst v1;
	v1 =	vmul.f32 $3.125000000e-02, v5;
	v5 =	vld [tilespmem:s28+$0x20]  }
0xfe: {  	[tilespmem:s28+$0xFFFFFFB0] =	vst v2;
	v2 =	vmul.f32 $3.125000000e-02, v3;
	v3 =	vld [tilespmem:s28+$0x30]  }
0xff: {  	[tilespmem:s28+$0xFFFFFFC0] =	vst v1;
	v1 =	vmul.f32 $3.125000000e-02, v4;
	v4 =	vld [tilespmem:s28+$0x40]  }
0x100: {  	[tilespmem:s28+$0xFFFFFFD0] =	vst v2;
	v2 =	vmul.f32 $3.125000000e-02, v7;
	v7 =	vld [tilespmem:s28+$0x50]  }
0x101: {  	[tilespmem:s28+$0xFFFFFFE0] =	vst v1;
	v1 =	vmul.f32 $3.125000000e-02, v6;
	v6 =	vld [tilespmem:s28+$0x60]  }
0x102: {  	[tilespmem:s28+$0x0] =	vst v2;
	v2 =	vmul.f32 $3.125000000e-02, v5;
	v5 =	vld [tilespmem:s28+$0x70]  }
0x103: {  	[tilespmem:s28+$0x10] =	vst v1;
	v1 =	vmul.f32 $3.125000000e-02, v3;
	v3 =	vld [tilespmem:s28+$0x80]  }
0x104: {  	[tilespmem:s28+$0x20] =	vst v2;
	v2 =	vmul.f32 $3.125000000e-02, v4;
	v4 =	vld [tilespmem:s28+$0x90]  }
0x105: {  	s26 =	sadd.s32 $0x4, s26;
	[tilespmem:s28+$0x30] =	vst v1;
	v1 =	vmul.f32 $3.125000000e-02, v7;
	v7 =	vld [tilespmem:s28+$0xA0]  }
0x106: {  	p1 =	slt.u32 s26, $0x7C;
	[tilespmem:s28+$0x40] =	vst v2;
	v2 =	vmul.f32 $3.125000000e-02, v6;
	v8 =	vld [tilespmem:s28+$0xB0]  }
.Ltmp4:
0x107: {  	[tilespmem:s28+$0x50] =	vst v1;
	v5 =	vmul.f32 $3.125000000e-02, v5;
	v1 =	vld [tilespmem:s28+$0xC0];
	(pc) =	sbr.rel @p1 .LBB2_10-.Ltmp4, $4  }
0x108: {  	[tilespmem:s28+$0x60] =	vst v2;
	v6 =	vmul.f32 $3.125000000e-02, v3;
	v2 =	vld [tilespmem:s28+$0xD0]  }
0x109: {  	[tilespmem:s28+$0x70] =	vst v5;
	v9 =	vmul.f32 $3.125000000e-02, v4;
	v3 =	vld [tilespmem:s28+$0xE0]  }
0x10a: {  	[tilespmem:s28+$0x80] =	vst v6;
	v6 =	vmul.f32 $3.125000000e-02, v7;
	v4 =	vld [tilespmem:s28+$0xF0]  }
0x10b: {  	s28 =	sadd.s32 $0x200, s28;
	v5 =	vld [tilespmem:s25+$0xFFFFFFF0];
	[tilespmem:s25+$0x90] =	vst v9;
	v7 =	vmul.f32 $3.125000000e-02, v8  }
0x10c: {  	[tilespmem:s25+$0xA0] =	vst v6;
	v1 =	vmul.f32 $3.125000000e-02, v1  }
0x10d: {  	[tilespmem:s25+$0xB0] =	vst v7;
	v2 =	vmul.f32 $3.125000000e-02, v2  }
0x10e: {  	[tilespmem:s25+$0xC0] =	vst v1;
	v1 =	vmul.f32 $3.125000000e-02, v3  }
0x10f: {  	[tilespmem:s25+$0xD0] =	vst v2;
	v2 =	vmul.f32 $3.125000000e-02, v4  }
0x110: {  	v3 =	vmul.f32 $3.125000000e-02, v5;
	[tilespmem:s25+$0xE0] =	vst v1  }
0x111: {  	[tilespmem:s25+$0xF0] =	vst v2  }
0x112: {  	s26 =	simm.s32 @p0 $0x16880;
	[tilespmem:s25+$0xFFFFFFF0] =	vst v3;
	s25 =	simm.s32 @p0 $0x0  }
0x113: {  	[hbm4b:s8+s25] =	stream.linear.scatter @p0 [tilespmem:s26], [sflag:$0x3], $0x2800, $0x38;
	[tilespmem:$0x1E880] =	vst v63  }
0x114: {  	s25 =	simm.s32 @p0 $0x3  }
0x115: {  	_ =	swait.ge @p0 [sflag:s25], $0x2800  }
0x116: {  	[sflag:s25] =	ssyncset.done @p0 $0x0  }
0x117: {  	s26 =	simm.s32 @!p0 $0x16880;
	[sflag:s25] =	ssyncadd.s32 @p0 $0xFFFFD800;
	s25 =	simm.s32 @!p0 $0x0  }
0x118: {  	[hbm4b:s7+s25] =	stream.linear.scatter @!p0 [tilespmem:s26], [sflag:$0x3], $0x4000, $0x38;
	[tilespmem:$0x1E880] =	vst v63  }
0x119: {  	s25 =	simm.s32 @!p0 $0x3  }
0x11a: {  	_ =	swait.ge @!p0 [sflag:s25], $0x4000  }
0x11b: {  	[sflag:s25] =	ssyncset.done @!p0 $0x0  }
0x11c: {  	[sflag:s25] =	ssyncadd.s32 @!p0 $0xFFFFC000;
	s25 =	simm.s32 $0x16980  }
0x11d: {  	[tilespmem:s25+$0xFFFFFF00] =	vst v0  }
0x11e: {  	[tilespmem:s25+$0xF0] =	vst v0  }
0x11f: {  	[tilespmem:s25+$0xE0] =	vst v0  }
0x120: {  	[tilespmem:s25+$0xD0] =	vst v0  }
0x121: {  	[tilespmem:s25+$0xC0] =	vst v0  }
0x122: {  	[tilespmem:s25+$0xB0] =	vst v0  }
0x123: {  	[tilespmem:s25+$0xA0] =	vst v0  }
0x124: {  	[tilespmem:s25+$0x90] =	vst v0  }
0x125: {  	[tilespmem:s25+$0x80] =	vst v0  }
0x126: {  	[tilespmem:s25+$0x70] =	vst v0  }
0x127: {  	[tilespmem:s25+$0x60] =	vst v0  }
0x128: {  	[tilespmem:s25+$0x50] =	vst v0  }
0x129: {  	[tilespmem:s25+$0x40] =	vst v0  }
0x12a: {  	[tilespmem:s25+$0x30] =	vst v0  }
0x12b: {  	[tilespmem:s25+$0x20] =	vst v0  }
0x12c: {  	[tilespmem:s25+$0x10] =	vst v0  }
0x12d: {  	[tilespmem:s25+$0x0] =	vst v0  }
0x12e: {  	[tilespmem:s25+$0xFFFFFFF0] =	vst v0  }
0x12f: {  	[tilespmem:s25+$0xFFFFFFE0] =	vst v0  }
0x130: {  	[tilespmem:s25+$0xFFFFFFD0] =	vst v0  }
0x131: {  	[tilespmem:s25+$0xFFFFFFC0] =	vst v0  }
0x132: {  	[tilespmem:s25+$0xFFFFFFB0] =	vst v0  }
0x133: {  	[tilespmem:s25+$0xFFFFFFA0] =	vst v0  }
0x134: {  	[tilespmem:s25+$0xFFFFFF90] =	vst v0  }
0x135: {  	[tilespmem:s25+$0xFFFFFF80] =	vst v0  }
0x136: {  	[tilespmem:s25+$0xFFFFFF70] =	vst v0  }
0x137: {  	[tilespmem:s25+$0xFFFFFF60] =	vst v0  }
0x138: {  	[tilespmem:s25+$0xFFFFFF50] =	vst v0  }
0x139: {  	[tilespmem:s25+$0xFFFFFF40] =	vst v0  }
0x13a: {  	[tilespmem:s25+$0xFFFFFF30] =	vst v0  }
0x13b: {  	s28 =	simm.s32 $0x0;
	s26 =	simm.s32 $0x15880;
	[tilespmem:s25+$0xFFFFFF20] =	vst v0  }
.LBB2_12:
0x13c: {  	s28 =	sadd.s32 $0x4, s28;
	[tilespmem:s25+$0xFFFFFF10] =	vst v0;
	s25 =	sadd.s32 $0x200, s25  }
0x13d: {  	[tilespmem:s25+$0xFFFFFF00] =	vst v0;
	p1 =	slt.u32 s28, $0x3C  }
0x13e: {  	[tilespmem:s25+$0xF0] =	vst v0  }
0x13f: {  	[tilespmem:s25+$0xE0] =	vst v0  }
0x140: {  	[tilespmem:s25+$0xD0] =	vst v0  }
0x141: {  	[tilespmem:s25+$0xC0] =	vst v0  }
0x142: {  	[tilespmem:s25+$0xB0] =	vst v0  }
0x143: {  	[tilespmem:s25+$0xA0] =	vst v0  }
0x144: {  	[tilespmem:s25+$0x90] =	vst v0  }
0x145: {  	[tilespmem:s25+$0x80] =	vst v0  }
0x146: {  	[tilespmem:s25+$0x70] =	vst v0  }
0x147: {  	[tilespmem:s25+$0x60] =	vst v0  }
0x148: {  	[tilespmem:s25+$0x50] =	vst v0  }
0x149: {  	[tilespmem:s25+$0x40] =	vst v0  }
0x14a: {  	[tilespmem:s25+$0x30] =	vst v0  }
0x14b: {  	[tilespmem:s25+$0x20] =	vst v0  }
0x14c: {  	[tilespmem:s25+$0x10] =	vst v0  }
0x14d: {  	[tilespmem:s25+$0x0] =	vst v0  }
0x14e: {  	[tilespmem:s25+$0xFFFFFFF0] =	vst v0  }
0x14f: {  	[tilespmem:s25+$0xFFFFFFE0] =	vst v0  }
0x150: {  	[tilespmem:s25+$0xFFFFFFD0] =	vst v0  }
0x151: {  	[tilespmem:s25+$0xFFFFFFC0] =	vst v0  }
0x152: {  	[tilespmem:s25+$0xFFFFFFB0] =	vst v0  }
0x153: {  	[tilespmem:s25+$0xFFFFFFA0] =	vst v0  }
0x154: {  	[tilespmem:s25+$0xFFFFFF90] =	vst v0  }
0x155: {  	[tilespmem:s25+$0xFFFFFF80] =	vst v0  }
0x156: {  	[tilespmem:s25+$0xFFFFFF70] =	vst v0  }
.Ltmp5:
0x157: {  	[tilespmem:s25+$0xFFFFFF60] =	vst v0;
	(pc) =	sbr.rel @p1 .LBB2_12-.Ltmp5, $4  }
0x158: {  	[tilespmem:s25+$0xFFFFFF50] =	vst v0  }
0x159: {  	[tilespmem:s25+$0xFFFFFF40] =	vst v0  }
0x15a: {  	[tilespmem:s25+$0xFFFFFF30] =	vst v0  }
0x15b: {  	[tilespmem:s25+$0xFFFFFF20] =	vst v0  }
0x15c: {  	[tilespmem:s25+$0xFFFFFF10] =	vst v0;
	p1 =	por $0x1, $0x1  }
0x15d: {  	[tilespmem:s17], [sflag:$0x1] =	stream.indirect.gather.add.f32 [spmem:s2], $0x80, s26, s20, $0xb8;
	[tilespmem:$0x1E880] =	vst v63  }
0x15e: {  	s28 =	simm.s32 @!p1 $0x1  }
0x15f: {  	_ =	swait.ge @!p1 [sflag:s28], $0x2000  }
0x160: {  	s25 =	simm.s32 $0x1;
	[sflag:s28] =	ssyncset.done @!p1 $0x0  }
.LBB2_14:
0x161: {  	[sflag:s28] =	ssyncadd.s32 @!p1 $0xFFFFE000  }
0x162: {  	s26 =	sadd.s32 $0x80, s26;
	s28 =	smov.u32 s25;
	s25 =	sadd.s32 $0x1, s25  }
0x163: {  	p2 =	sne.s32 s25, $0x20  }
0x164: {  	[tilespmem:s17], [sflag:$0x1] =	stream.indirect.gather.add.f32 [spmem:s2], $0x80, s26, s20, $0xb8;
	[tilespmem:$0x1E880] =	vst v63  }
.Ltmp6:
0x165: {  	_ = 	snop;
	(pc) =	sbr.rel @p2 .LBB2_14-.Ltmp6, $4  }
0x166: {  	p1 =	slt.u32 s28, $0x8  }
0x167: {  	s28 =	simm.s32 @!p1 $0x1  }
0x168: {  	_ =	swait.ge @!p1 [sflag:s28], $0x2000  }
0x169: {  	[sflag:s28] =	ssyncset.done @!p1 $0x0  }
0x16a: {  	[sflag:s28] =	ssyncadd.s32 @!p1 $0xFFFFE000  }
0x16b: {  	_ =	swait.ge [sflag:s21], $0x4000  }
0x16c: {  	[sflag:s21] =	ssyncset.done $0x0  }
0x16d: {  	[sflag:s21] =	ssyncadd.s32 $0xFFFFC000  }
0x16e: {  	_ =	swait.ge [sflag:s21], $0x4000  }
0x16f: {  	[sflag:s21] =	ssyncset.done $0x0  }
0x170: {  	[sflag:s21] =	ssyncadd.s32 $0xFFFFC000  }
0x171: {  	_ =	swait.ge [sflag:s21], $0x4000  }
0x172: {  	[sflag:s21] =	ssyncset.done $0x0  }
0x173: {  	[sflag:s21] =	ssyncadd.s32 $0xFFFFC000  }
0x174: {  	_ =	swait.ge [sflag:s21], $0x4000  }
0x175: {  	[sflag:s21] =	ssyncset.done $0x0  }
0x176: {  	[sflag:s21] =	ssyncadd.s32 $0xFFFFC000  }
0x177: {  	_ =	swait.ge [sflag:s21], $0x4000  }
0x178: {  	[sflag:s21] =	ssyncset.done $0x0  }
0x179: {  	[sflag:s21] =	ssyncadd.s32 $0xFFFFC000  }
0x17a: {  	_ =	swait.ge [sflag:s21], $0x4000  }
0x17b: {  	[sflag:s21] =	ssyncset.done $0x0  }
0x17c: {  	[sflag:s21] =	ssyncadd.s32 $0xFFFFC000  }
0x17d: {  	_ =	swait.ge [sflag:s21], $0x4000  }
0x17e: {  	[sflag:s21] =	ssyncset.done $0x0  }
0x17f: {  	[sflag:s21] =	ssyncadd.s32 $0xFFFFC000  }
0x180: {  	_ =	swait.ge [sflag:s21], $0x4000  }
0x181: {  	[sflag:s21] =	ssyncset.done $0x0  }
0x182: {  	s25 =	simm.s32 $0x1A980;
	[sflag:s21] =	ssyncadd.s32 $0xFFFFC000  }
0x183: {  	v1 =	vld [tilespmem:s25+$0xFFFFFF00]  }
0x184: {  	v2 =	vld [tilespmem:s25+$0xFFFFFF10]  }
0x185: {  	v3 =	vld [tilespmem:s25+$0xFFFFFF20]  }
0x186: {  	v4 =	vld [tilespmem:s25+$0xFFFFFF30]  }
0x187: {  	v5 =	vld [tilespmem:s25+$0xFFFFFF40]  }
0x188: {  	v6 =	vld [tilespmem:s25+$0xFFFFFF50];
	v1 =	vmul.f32 $3.125000000e-02, v1  }
0x189: {  	v7 =	vld [tilespmem:s25+$0xFFFFFF60];
	v2 =	vmul.f32 $3.125000000e-02, v2  }
0x18a: {  	[tilespmem:s25+$0xFFFFFF00] =	vst v1;
	v1 =	vmul.f32 $3.125000000e-02, v3;
	v3 =	vld [tilespmem:s25+$0xFFFFFF70]  }
0x18b: {  	[tilespmem:s25+$0xFFFFFF10] =	vst v2;
	v2 =	vmul.f32 $3.125000000e-02, v4;
	v4 =	vld [tilespmem:s25+$0xFFFFFF80]  }
0x18c: {  	[tilespmem:s25+$0xFFFFFF20] =	vst v1;
	v1 =	vmul.f32 $3.125000000e-02, v5;
	v5 =	vld [tilespmem:s25+$0xFFFFFF90]  }
0x18d: {  	[tilespmem:s25+$0xFFFFFF30] =	vst v2;
	v2 =	vmul.f32 $3.125000000e-02, v6;
	v6 =	vld [tilespmem:s25+$0xFFFFFFA0]  }
0x18e: {  	[tilespmem:s25+$0xFFFFFF40] =	vst v1;
	v1 =	vmul.f32 $3.125000000e-02, v7;
	v7 =	vld [tilespmem:s25+$0xFFFFFFB0]  }
0x18f: {  	[tilespmem:s25+$0xFFFFFF50] =	vst v2;
	v2 =	vmul.f32 $3.125000000e-02, v3;
	v3 =	vld [tilespmem:s25+$0xFFFFFFC0]  }
0x190: {  	[tilespmem:s25+$0xFFFFFF60] =	vst v1;
	v1 =	vmul.f32 $3.125000000e-02, v4;
	v4 =	vld [tilespmem:s25+$0xFFFFFFD0]  }
0x191: {  	[tilespmem:s25+$0xFFFFFF70] =	vst v2;
	v2 =	vmul.f32 $3.125000000e-02, v5;
	v5 =	vld [tilespmem:s25+$0xFFFFFFE0]  }
0x192: {  	[tilespmem:s25+$0xFFFFFF80] =	vst v1;
	v1 =	vmul.f32 $3.125000000e-02, v6;
	v6 =	vld [tilespmem:s25+$0x0]  }
0x193: {  	[tilespmem:s25+$0xFFFFFF90] =	vst v2;
	v2 =	vmul.f32 $3.125000000e-02, v7;
	v7 =	vld [tilespmem:s25+$0x10]  }
0x194: {  	[tilespmem:s25+$0xFFFFFFA0] =	vst v1;
	v1 =	vmul.f32 $3.125000000e-02, v3;
	v3 =	vld [tilespmem:s25+$0x20]  }
0x195: {  	[tilespmem:s25+$0xFFFFFFB0] =	vst v2;
	v2 =	vmul.f32 $3.125000000e-02, v4;
	v4 =	vld [tilespmem:s25+$0x30]  }
0x196: {  	[tilespmem:s25+$0xFFFFFFC0] =	vst v1;
	v1 =	vmul.f32 $3.125000000e-02, v5;
	v5 =	vld [tilespmem:s25+$0x40]  }
0x197: {  	[tilespmem:s25+$0xFFFFFFD0] =	vst v2;
	v2 =	vmul.f32 $3.125000000e-02, v6;
	v6 =	vld [tilespmem:s25+$0x50]  }
0x198: {  	[tilespmem:s25+$0xFFFFFFE0] =	vst v1;
	v1 =	vmul.f32 $3.125000000e-02, v7;
	v7 =	vld [tilespmem:s25+$0x60]  }
0x199: {  	[tilespmem:s25+$0x0] =	vst v2;
	v2 =	vmul.f32 $3.125000000e-02, v3;
	v3 =	vld [tilespmem:s25+$0x70]  }
0x19a: {  	[tilespmem:s25+$0x10] =	vst v1;
	v1 =	vmul.f32 $3.125000000e-02, v4;
	v4 =	vld [tilespmem:s25+$0x80]  }
0x19b: {  	[tilespmem:s25+$0x20] =	vst v2;
	v2 =	vmul.f32 $3.125000000e-02, v5;
	v5 =	vld [tilespmem:s25+$0x90]  }
0x19c: {  	[tilespmem:s25+$0x30] =	vst v1;
	v1 =	vmul.f32 $3.125000000e-02, v6;
	v6 =	vld [tilespmem:s25+$0xA0]  }
0x19d: {  	[tilespmem:s25+$0x40] =	vst v2;
	v2 =	vmul.f32 $3.125000000e-02, v7;
	v7 =	vld [tilespmem:s25+$0xB0]  }
0x19e: {  	[tilespmem:s25+$0x50] =	vst v1;
	v3 =	vmul.f32 $3.125000000e-02, v3;
	v1 =	vld [tilespmem:s25+$0xC0]  }
0x19f: {  	[tilespmem:s25+$0x60] =	vst v2;
	v4 =	vmul.f32 $3.125000000e-02, v4;
	v2 =	vld [tilespmem:s25+$0xD0]  }
0x1a0: {  	[tilespmem:s25+$0x70] =	vst v3;
	v8 =	vmul.f32 $3.125000000e-02, v5;
	v3 =	vld [tilespmem:s25+$0xE0]  }
0x1a1: {  	[tilespmem:s25+$0x80] =	vst v4;
	v4 =	vld [tilespmem:s25+$0xF0];
	v6 =	vmul.f32 $3.125000000e-02, v6  }
0x1a2: {  	s26 =	simm.s32 $0x0;
	s28 =	simm.s32 $0x1AB80;
	v5 =	vld [tilespmem:s25+$0xFFFFFFF0];
	[tilespmem:s25+$0x90] =	vst v8;
	v7 =	vmul.f32 $3.125000000e-02, v7  }
.LBB2_16:
0x1a3: {  	v8 =	vld [tilespmem:s28+$0xFFFFFF00];
	[tilespmem:s25+$0xA0] =	vst v6;
	v1 =	vmul.f32 $3.125000000e-02, v1  }
0x1a4: {  	v6 =	vld [tilespmem:s28+$0xFFFFFF10];
	[tilespmem:s25+$0xB0] =	vst v7;
	v2 =	vmul.f32 $3.125000000e-02, v2  }
0x1a5: {  	v7 =	vld [tilespmem:s28+$0xFFFFFF20];
	[tilespmem:s25+$0xC0] =	vst v1;
	v1 =	vmul.f32 $3.125000000e-02, v3  }
0x1a6: {  	v3 =	vld [tilespmem:s28+$0xFFFFFF30];
	[tilespmem:s25+$0xD0] =	vst v2;
	v2 =	vmul.f32 $3.125000000e-02, v4  }
0x1a7: {  	v4 =	vld [tilespmem:s28+$0xFFFFFF40];
	v5 =	vmul.f32 $3.125000000e-02, v5;
	[tilespmem:s25+$0xE0] =	vst v1  }
0x1a8: {  	v1 =	vmul.f32 $3.125000000e-02, v8;
	v8 =	vld [tilespmem:s28+$0xFFFFFF50];
	[tilespmem:s25+$0xF0] =	vst v2  }
0x1a9: {  	v2 =	vmul.f32 $3.125000000e-02, v6;
	v6 =	vld [tilespmem:s28+$0xFFFFFF60];
	[tilespmem:s25+$0xFFFFFFF0] =	vst v5;
	s25 =	smov.u32 s28  }
0x1aa: {  	[tilespmem:s28+$0xFFFFFF00] =	vst v1;
	v1 =	vmul.f32 $3.125000000e-02, v7;
	v5 =	vld [tilespmem:s28+$0xFFFFFF70]  }
0x1ab: {  	[tilespmem:s28+$0xFFFFFF10] =	vst v2;
	v2 =	vmul.f32 $3.125000000e-02, v3;
	v3 =	vld [tilespmem:s28+$0xFFFFFF80]  }
0x1ac: {  	[tilespmem:s28+$0xFFFFFF20] =	vst v1;
	v1 =	vmul.f32 $3.125000000e-02, v4;
	v4 =	vld [tilespmem:s28+$0xFFFFFF90]  }
0x1ad: {  	[tilespmem:s28+$0xFFFFFF30] =	vst v2;
	v2 =	vmul.f32 $3.125000000e-02, v8;
	v7 =	vld [tilespmem:s28+$0xFFFFFFA0]  }
0x1ae: {  	[tilespmem:s28+$0xFFFFFF40] =	vst v1;
	v1 =	vmul.f32 $3.125000000e-02, v6;
	v6 =	vld [tilespmem:s28+$0xFFFFFFB0]  }
0x1af: {  	[tilespmem:s28+$0xFFFFFF50] =	vst v2;
	v2 =	vmul.f32 $3.125000000e-02, v5;
	v5 =	vld [tilespmem:s28+$0xFFFFFFC0]  }
0x1b0: {  	[tilespmem:s28+$0xFFFFFF60] =	vst v1;
	v1 =	vmul.f32 $3.125000000e-02, v3;
	v3 =	vld [tilespmem:s28+$0xFFFFFFD0]  }
0x1b1: {  	[tilespmem:s28+$0xFFFFFF70] =	vst v2;
	v2 =	vmul.f32 $3.125000000e-02, v4;
	v4 =	vld [tilespmem:s28+$0xFFFFFFE0]  }
0x1b2: {  	[tilespmem:s28+$0xFFFFFF80] =	vst v1;
	v1 =	vmul.f32 $3.125000000e-02, v7;
	v7 =	vld [tilespmem:s28+$0x0]  }
0x1b3: {  	[tilespmem:s28+$0xFFFFFF90] =	vst v2;
	v2 =	vmul.f32 $3.125000000e-02, v6;
	v6 =	vld [tilespmem:s28+$0x10]  }
0x1b4: {  	[tilespmem:s28+$0xFFFFFFA0] =	vst v1;
	v1 =	vmul.f32 $3.125000000e-02, v5;
	v5 =	vld [tilespmem:s28+$0x20]  }
0x1b5: {  	[tilespmem:s28+$0xFFFFFFB0] =	vst v2;
	v2 =	vmul.f32 $3.125000000e-02, v3;
	v3 =	vld [tilespmem:s28+$0x30]  }
0x1b6: {  	[tilespmem:s28+$0xFFFFFFC0] =	vst v1;
	v1 =	vmul.f32 $3.125000000e-02, v4;
	v4 =	vld [tilespmem:s28+$0x40]  }
0x1b7: {  	[tilespmem:s28+$0xFFFFFFD0] =	vst v2;
	v2 =	vmul.f32 $3.125000000e-02, v7;
	v7 =	vld [tilespmem:s28+$0x50]  }
0x1b8: {  	[tilespmem:s28+$0xFFFFFFE0] =	vst v1;
	v1 =	vmul.f32 $3.125000000e-02, v6;
	v6 =	vld [tilespmem:s28+$0x60]  }
0x1b9: {  	[tilespmem:s28+$0x0] =	vst v2;
	v2 =	vmul.f32 $3.125000000e-02, v5;
	v5 =	vld [tilespmem:s28+$0x70]  }
0x1ba: {  	[tilespmem:s28+$0x10] =	vst v1;
	v1 =	vmul.f32 $3.125000000e-02, v3;
	v3 =	vld [tilespmem:s28+$0x80]  }
0x1bb: {  	[tilespmem:s28+$0x20] =	vst v2;
	v2 =	vmul.f32 $3.125000000e-02, v4;
	v4 =	vld [tilespmem:s28+$0x90]  }
0x1bc: {  	s26 =	sadd.s32 $0x4, s26;
	[tilespmem:s28+$0x30] =	vst v1;
	v1 =	vmul.f32 $3.125000000e-02, v7;
	v7 =	vld [tilespmem:s28+$0xA0]  }
0x1bd: {  	p1 =	slt.u32 s26, $0x7C;
	[tilespmem:s28+$0x40] =	vst v2;
	v2 =	vmul.f32 $3.125000000e-02, v6;
	v8 =	vld [tilespmem:s28+$0xB0]  }
.Ltmp7:
0x1be: {  	[tilespmem:s28+$0x50] =	vst v1;
	v5 =	vmul.f32 $3.125000000e-02, v5;
	v1 =	vld [tilespmem:s28+$0xC0];
	(pc) =	sbr.rel @p1 .LBB2_16-.Ltmp7, $4  }
0x1bf: {  	[tilespmem:s28+$0x60] =	vst v2;
	v6 =	vmul.f32 $3.125000000e-02, v3;
	v2 =	vld [tilespmem:s28+$0xD0]  }
0x1c0: {  	[tilespmem:s28+$0x70] =	vst v5;
	v9 =	vmul.f32 $3.125000000e-02, v4;
	v3 =	vld [tilespmem:s28+$0xE0]  }
0x1c1: {  	[tilespmem:s28+$0x80] =	vst v6;
	v6 =	vmul.f32 $3.125000000e-02, v7;
	v4 =	vld [tilespmem:s28+$0xF0]  }
0x1c2: {  	s28 =	sadd.s32 $0x200, s28;
	v5 =	vld [tilespmem:s25+$0xFFFFFFF0];
	[tilespmem:s25+$0x90] =	vst v9;
	v7 =	vmul.f32 $3.125000000e-02, v8  }
0x1c3: {  	[tilespmem:s25+$0xA0] =	vst v6;
	v1 =	vmul.f32 $3.125000000e-02, v1  }
0x1c4: {  	[tilespmem:s25+$0xB0] =	vst v7;
	v2 =	vmul.f32 $3.125000000e-02, v2  }
0x1c5: {  	[tilespmem:s25+$0xC0] =	vst v1;
	v1 =	vmul.f32 $3.125000000e-02, v3  }
0x1c6: {  	[tilespmem:s25+$0xD0] =	vst v2;
	v2 =	vmul.f32 $3.125000000e-02, v4  }
0x1c7: {  	v3 =	vmul.f32 $3.125000000e-02, v5;
	[tilespmem:s25+$0xE0] =	vst v1  }
0x1c8: {  	[tilespmem:s25+$0xF0] =	vst v2  }
0x1c9: {  	[tilespmem:s25+$0xFFFFFFF0] =	vst v3  }
0x1ca: {  	[hbm4b:s9+s3] =	stream.linear.scatter [tilespmem:s18], [sflag:$0x4], $0x4000, $0x38;
	[tilespmem:$0x1E880] =	vst v63  }
0x1cb: {  	_ =	swait.ge [sflag:s19], $0x2000  }
0x1cc: {  	[sflag:s19] =	ssyncset.done $0x0  }
0x1cd: {  	[sflag:s19] =	ssyncadd.s32 $0xFFFFE000  }
0x1ce: {  	_ =	swait.ge [sflag:s19], $0x2000  }
0x1cf: {  	[sflag:s19] =	ssyncset.done $0x0  }
0x1d0: {  	[sflag:s19] =	ssyncadd.s32 $0xFFFFE000  }
0x1d1: {  	_ =	swait.ge [sflag:s19], $0x2000  }
0x1d2: {  	[sflag:s19] =	ssyncset.done $0x0  }
0x1d3: {  	[sflag:s19] =	ssyncadd.s32 $0xFFFFE000  }
0x1d4: {  	_ =	swait.ge [sflag:s19], $0x2000  }
0x1d5: {  	[sflag:s19] =	ssyncset.done $0x0  }
0x1d6: {  	[sflag:s19] =	ssyncadd.s32 $0xFFFFE000  }
0x1d7: {  	_ =	swait.ge [sflag:s19], $0x2000  }
0x1d8: {  	[sflag:s19] =	ssyncset.done $0x0  }
0x1d9: {  	[sflag:s19] =	ssyncadd.s32 $0xFFFFE000  }
0x1da: {  	_ =	swait.ge [sflag:s19], $0x2000  }
0x1db: {  	[sflag:s19] =	ssyncset.done $0x0  }
0x1dc: {  	[sflag:s19] =	ssyncadd.s32 $0xFFFFE000  }
0x1dd: {  	_ =	swait.ge [sflag:s19], $0x2000  }
0x1de: {  	[sflag:s19] =	ssyncset.done $0x0  }
0x1df: {  	[sflag:s19] =	ssyncadd.s32 $0xFFFFE000  }
0x1e0: {  	_ =	swait.ge [sflag:s19], $0x2000  }
0x1e1: {  	[sflag:s19] =	ssyncset.done $0x0  }
0x1e2: {  	s25 =	simm.s32 $0x16980;
	[sflag:s19] =	ssyncadd.s32 $0xFFFFE000  }
0x1e3: {  	v1 =	vld [tilespmem:s25+$0xFFFFFF00]  }
0x1e4: {  	v2 =	vld [tilespmem:s25+$0xFFFFFF10]  }
0x1e5: {  	v3 =	vld [tilespmem:s25+$0xFFFFFF20]  }
0x1e6: {  	v4 =	vld [tilespmem:s25+$0xFFFFFF30]  }
0x1e7: {  	v5 =	vld [tilespmem:s25+$0xFFFFFF40]  }
0x1e8: {  	v6 =	vld [tilespmem:s25+$0xFFFFFF50];
	v1 =	vmul.f32 $3.125000000e-02, v1  }
0x1e9: {  	v7 =	vld [tilespmem:s25+$0xFFFFFF60];
	v2 =	vmul.f32 $3.125000000e-02, v2  }
0x1ea: {  	[tilespmem:s25+$0xFFFFFF00] =	vst v1;
	v1 =	vmul.f32 $3.125000000e-02, v3;
	v3 =	vld [tilespmem:s25+$0xFFFFFF70]  }
0x1eb: {  	[tilespmem:s25+$0xFFFFFF10] =	vst v2;
	v2 =	vmul.f32 $3.125000000e-02, v4;
	v4 =	vld [tilespmem:s25+$0xFFFFFF80]  }
0x1ec: {  	[tilespmem:s25+$0xFFFFFF20] =	vst v1;
	v1 =	vmul.f32 $3.125000000e-02, v5;
	v5 =	vld [tilespmem:s25+$0xFFFFFF90]  }
0x1ed: {  	[tilespmem:s25+$0xFFFFFF30] =	vst v2;
	v2 =	vmul.f32 $3.125000000e-02, v6;
	v6 =	vld [tilespmem:s25+$0xFFFFFFA0]  }
0x1ee: {  	[tilespmem:s25+$0xFFFFFF40] =	vst v1;
	v1 =	vmul.f32 $3.125000000e-02, v7;
	v7 =	vld [tilespmem:s25+$0xFFFFFFB0]  }
0x1ef: {  	[tilespmem:s25+$0xFFFFFF50] =	vst v2;
	v2 =	vmul.f32 $3.125000000e-02, v3;
	v3 =	vld [tilespmem:s25+$0xFFFFFFC0]  }
0x1f0: {  	[tilespmem:s25+$0xFFFFFF60] =	vst v1;
	v1 =	vmul.f32 $3.125000000e-02, v4;
	v4 =	vld [tilespmem:s25+$0xFFFFFFD0]  }
0x1f1: {  	[tilespmem:s25+$0xFFFFFF70] =	vst v2;
	v2 =	vmul.f32 $3.125000000e-02, v5;
	v5 =	vld [tilespmem:s25+$0xFFFFFFE0]  }
0x1f2: {  	[tilespmem:s25+$0xFFFFFF80] =	vst v1;
	v1 =	vmul.f32 $3.125000000e-02, v6;
	v6 =	vld [tilespmem:s25+$0x0]  }
0x1f3: {  	[tilespmem:s25+$0xFFFFFF90] =	vst v2;
	v2 =	vmul.f32 $3.125000000e-02, v7;
	v7 =	vld [tilespmem:s25+$0x10]  }
0x1f4: {  	[tilespmem:s25+$0xFFFFFFA0] =	vst v1;
	v1 =	vmul.f32 $3.125000000e-02, v3;
	v3 =	vld [tilespmem:s25+$0x20]  }
0x1f5: {  	[tilespmem:s25+$0xFFFFFFB0] =	vst v2;
	v2 =	vmul.f32 $3.125000000e-02, v4;
	v4 =	vld [tilespmem:s25+$0x30]  }
0x1f6: {  	[tilespmem:s25+$0xFFFFFFC0] =	vst v1;
	v1 =	vmul.f32 $3.125000000e-02, v5;
	v5 =	vld [tilespmem:s25+$0x40]  }
0x1f7: {  	[tilespmem:s25+$0xFFFFFFD0] =	vst v2;
	v2 =	vmul.f32 $3.125000000e-02, v6;
	v6 =	vld [tilespmem:s25+$0x50]  }
0x1f8: {  	[tilespmem:s25+$0xFFFFFFE0] =	vst v1;
	v1 =	vmul.f32 $3.125000000e-02, v7;
	v7 =	vld [tilespmem:s25+$0x60]  }
0x1f9: {  	[tilespmem:s25+$0x0] =	vst v2;
	v2 =	vmul.f32 $3.125000000e-02, v3;
	v3 =	vld [tilespmem:s25+$0x70]  }
0x1fa: {  	[tilespmem:s25+$0x10] =	vst v1;
	v1 =	vmul.f32 $3.125000000e-02, v4;
	v4 =	vld [tilespmem:s25+$0x80]  }
0x1fb: {  	[tilespmem:s25+$0x20] =	vst v2;
	v2 =	vmul.f32 $3.125000000e-02, v5;
	v5 =	vld [tilespmem:s25+$0x90]  }
0x1fc: {  	[tilespmem:s25+$0x30] =	vst v1;
	v1 =	vmul.f32 $3.125000000e-02, v6;
	v6 =	vld [tilespmem:s25+$0xA0]  }
0x1fd: {  	[tilespmem:s25+$0x40] =	vst v2;
	v2 =	vmul.f32 $3.125000000e-02, v7;
	v7 =	vld [tilespmem:s25+$0xB0]  }
0x1fe: {  	[tilespmem:s25+$0x50] =	vst v1;
	v3 =	vmul.f32 $3.125000000e-02, v3;
	v1 =	vld [tilespmem:s25+$0xC0]  }
0x1ff: {  	[tilespmem:s25+$0x60] =	vst v2;
	v4 =	vmul.f32 $3.125000000e-02, v4;
	v2 =	vld [tilespmem:s25+$0xD0]  }
0x200: {  	[tilespmem:s25+$0x70] =	vst v3;
	v8 =	vmul.f32 $3.125000000e-02, v5;
	v3 =	vld [tilespmem:s25+$0xE0]  }
0x201: {  	[tilespmem:s25+$0x80] =	vst v4;
	v4 =	vld [tilespmem:s25+$0xF0];
	v6 =	vmul.f32 $3.125000000e-02, v6  }
0x202: {  	s26 =	simm.s32 $0x0;
	s28 =	simm.s32 $0x16B80;
	v5 =	vld [tilespmem:s25+$0xFFFFFFF0];
	[tilespmem:s25+$0x90] =	vst v8;
	v7 =	vmul.f32 $3.125000000e-02, v7  }
.LBB2_18:
0x203: {  	v8 =	vld [tilespmem:s28+$0xFFFFFF00];
	[tilespmem:s25+$0xA0] =	vst v6;
	v1 =	vmul.f32 $3.125000000e-02, v1  }
0x204: {  	v6 =	vld [tilespmem:s28+$0xFFFFFF10];
	[tilespmem:s25+$0xB0] =	vst v7;
	v2 =	vmul.f32 $3.125000000e-02, v2  }
0x205: {  	v7 =	vld [tilespmem:s28+$0xFFFFFF20];
	[tilespmem:s25+$0xC0] =	vst v1;
	v1 =	vmul.f32 $3.125000000e-02, v3  }
0x206: {  	v3 =	vld [tilespmem:s28+$0xFFFFFF30];
	[tilespmem:s25+$0xD0] =	vst v2;
	v2 =	vmul.f32 $3.125000000e-02, v4  }
0x207: {  	v4 =	vld [tilespmem:s28+$0xFFFFFF40];
	v5 =	vmul.f32 $3.125000000e-02, v5;
	[tilespmem:s25+$0xE0] =	vst v1  }
0x208: {  	v1 =	vmul.f32 $3.125000000e-02, v8;
	v8 =	vld [tilespmem:s28+$0xFFFFFF50];
	[tilespmem:s25+$0xF0] =	vst v2  }
0x209: {  	v2 =	vmul.f32 $3.125000000e-02, v6;
	v6 =	vld [tilespmem:s28+$0xFFFFFF60];
	[tilespmem:s25+$0xFFFFFFF0] =	vst v5;
	s25 =	smov.u32 s28  }
0x20a: {  	[tilespmem:s28+$0xFFFFFF00] =	vst v1;
	v1 =	vmul.f32 $3.125000000e-02, v7;
	v5 =	vld [tilespmem:s28+$0xFFFFFF70]  }
0x20b: {  	[tilespmem:s28+$0xFFFFFF10] =	vst v2;
	v2 =	vmul.f32 $3.125000000e-02, v3;
	v3 =	vld [tilespmem:s28+$0xFFFFFF80]  }
0x20c: {  	[tilespmem:s28+$0xFFFFFF20] =	vst v1;
	v1 =	vmul.f32 $3.125000000e-02, v4;
	v4 =	vld [tilespmem:s28+$0xFFFFFF90]  }
0x20d: {  	[tilespmem:s28+$0xFFFFFF30] =	vst v2;
	v2 =	vmul.f32 $3.125000000e-02, v8;
	v7 =	vld [tilespmem:s28+$0xFFFFFFA0]  }
0x20e: {  	[tilespmem:s28+$0xFFFFFF40] =	vst v1;
	v1 =	vmul.f32 $3.125000000e-02, v6;
	v6 =	vld [tilespmem:s28+$0xFFFFFFB0]  }
0x20f: {  	[tilespmem:s28+$0xFFFFFF50] =	vst v2;
	v2 =	vmul.f32 $3.125000000e-02, v5;
	v5 =	vld [tilespmem:s28+$0xFFFFFFC0]  }
0x210: {  	[tilespmem:s28+$0xFFFFFF60] =	vst v1;
	v1 =	vmul.f32 $3.125000000e-02, v3;
	v3 =	vld [tilespmem:s28+$0xFFFFFFD0]  }
0x211: {  	[tilespmem:s28+$0xFFFFFF70] =	vst v2;
	v2 =	vmul.f32 $3.125000000e-02, v4;
	v4 =	vld [tilespmem:s28+$0xFFFFFFE0]  }
0x212: {  	[tilespmem:s28+$0xFFFFFF80] =	vst v1;
	v1 =	vmul.f32 $3.125000000e-02, v7;
	v7 =	vld [tilespmem:s28+$0x0]  }
0x213: {  	[tilespmem:s28+$0xFFFFFF90] =	vst v2;
	v2 =	vmul.f32 $3.125000000e-02, v6;
	v6 =	vld [tilespmem:s28+$0x10]  }
0x214: {  	[tilespmem:s28+$0xFFFFFFA0] =	vst v1;
	v1 =	vmul.f32 $3.125000000e-02, v5;
	v5 =	vld [tilespmem:s28+$0x20]  }
0x215: {  	[tilespmem:s28+$0xFFFFFFB0] =	vst v2;
	v2 =	vmul.f32 $3.125000000e-02, v3;
	v3 =	vld [tilespmem:s28+$0x30]  }
0x216: {  	[tilespmem:s28+$0xFFFFFFC0] =	vst v1;
	v1 =	vmul.f32 $3.125000000e-02, v4;
	v4 =	vld [tilespmem:s28+$0x40]  }
0x217: {  	[tilespmem:s28+$0xFFFFFFD0] =	vst v2;
	v2 =	vmul.f32 $3.125000000e-02, v7;
	v7 =	vld [tilespmem:s28+$0x50]  }
0x218: {  	[tilespmem:s28+$0xFFFFFFE0] =	vst v1;
	v1 =	vmul.f32 $3.125000000e-02, v6;
	v6 =	vld [tilespmem:s28+$0x60]  }
0x219: {  	[tilespmem:s28+$0x0] =	vst v2;
	v2 =	vmul.f32 $3.125000000e-02, v5;
	v5 =	vld [tilespmem:s28+$0x70]  }
0x21a: {  	[tilespmem:s28+$0x10] =	vst v1;
	v1 =	vmul.f32 $3.125000000e-02, v3;
	v3 =	vld [tilespmem:s28+$0x80]  }
0x21b: {  	[tilespmem:s28+$0x20] =	vst v2;
	v2 =	vmul.f32 $3.125000000e-02, v4;
	v4 =	vld [tilespmem:s28+$0x90]  }
0x21c: {  	s26 =	sadd.s32 $0x4, s26;
	[tilespmem:s28+$0x30] =	vst v1;
	v1 =	vmul.f32 $3.125000000e-02, v7;
	v7 =	vld [tilespmem:s28+$0xA0]  }
0x21d: {  	p1 =	slt.u32 s26, $0x3C;
	[tilespmem:s28+$0x40] =	vst v2;
	v2 =	vmul.f32 $3.125000000e-02, v6;
	v8 =	vld [tilespmem:s28+$0xB0]  }
.Ltmp8:
0x21e: {  	[tilespmem:s28+$0x50] =	vst v1;
	v5 =	vmul.f32 $3.125000000e-02, v5;
	v1 =	vld [tilespmem:s28+$0xC0];
	(pc) =	sbr.rel @p1 .LBB2_18-.Ltmp8, $4  }
0x21f: {  	[tilespmem:s28+$0x60] =	vst v2;
	v6 =	vmul.f32 $3.125000000e-02, v3;
	v2 =	vld [tilespmem:s28+$0xD0]  }
0x220: {  	[tilespmem:s28+$0x70] =	vst v5;
	v9 =	vmul.f32 $3.125000000e-02, v4;
	v3 =	vld [tilespmem:s28+$0xE0]  }
0x221: {  	[tilespmem:s28+$0x80] =	vst v6;
	v6 =	vmul.f32 $3.125000000e-02, v7;
	v4 =	vld [tilespmem:s28+$0xF0]  }
0x222: {  	s28 =	sadd.s32 $0x200, s28;
	v5 =	vld [tilespmem:s25+$0xFFFFFFF0];
	[tilespmem:s25+$0x90] =	vst v9;
	v7 =	vmul.f32 $3.125000000e-02, v8  }
0x223: {  	[tilespmem:s25+$0xA0] =	vst v6;
	v1 =	vmul.f32 $3.125000000e-02, v1  }
0x224: {  	[tilespmem:s25+$0xB0] =	vst v7;
	v2 =	vmul.f32 $3.125000000e-02, v2  }
0x225: {  	[tilespmem:s25+$0xC0] =	vst v1;
	v1 =	vmul.f32 $3.125000000e-02, v3  }
0x226: {  	[tilespmem:s25+$0xD0] =	vst v2;
	v2 =	vmul.f32 $3.125000000e-02, v4  }
0x227: {  	v3 =	vmul.f32 $3.125000000e-02, v5;
	[tilespmem:s25+$0xE0] =	vst v1  }
0x228: {  	[tilespmem:s25+$0xF0] =	vst v2  }
0x229: {  	s24 =	sadd.s32 $0x1, s24;
	[tilespmem:s25+$0xFFFFFFF0] =	vst v3  }
0x22a: {  	[hbm4b:s10+s3] =	stream.linear.scatter [tilespmem:s17], [sflag:$0x3], $0x2000, $0x38;
	[tilespmem:$0x1E880] =	vst v63  }
0x22b: {  	p1 =	sne.s32 s24, s11;
	_ =	swait.ge [sflag:s22], $0x4000  }
.Ltmp9:
0x22c: {  	[sflag:s22] =	ssyncset.done $0x0;
	(pc) =	sbr.rel @p1 .LBB2_1-.Ltmp9, $4  }
0x22d: {  	[sflag:s22] =	ssyncadd.s32 $0xFFFFC000  }
0x22e: {  	_ =	swait.ge [sflag:s23], $0x2000  }
0x22f: {  	[sflag:s23] =	ssyncset.done $0x0  }
0x230: {  	[sflag:s23] =	ssyncadd.s32 $0xFFFFE000  }
0x231: {  	_ =	sfence.sel $0x180000  }
0x232: {  	[bflag:$0x0] =	sbarrier.arrive $0xFFFF  }
0x233: {  	p0 =	sne.s32 s0, $0x0;
	_ =	strace $0x90000047  }
0x234: {  	s0 =	sadd.s32 @!p0 $0x100000, s1;
	[bflag:$0x2] =	sbarrier.arrive $0xFFFF  }
0x235: {  	[sflag:s0] =	ssyncadd.tile.s32 @!p0 $0x1;
	_ =	shalt  }
.Lfunc_end2:
_tile_overlayer_lowered:
.L_overlay_start_2:
0x236: {  	(tag) =	ssettag $0x2  }
0x237: {  	s0 =	rddreg [dreg:$0x0];
	s2 =	stileid.u32  }
0x238: {  	s1 =	rddreg [dreg:$0x1];
	p0 =	sne.s32 s2, $0x0  }
0x239: {  	s3 =	rddreg [dreg:$0x2];
	[bflag:$0x3] =	sbarrier.arrive $0xFFFF;
	s2 =	simm.s32 @!p0 $0x1C06  }
0x23a: {  	[timem:s3], [sflag:s2] =	dma.local @!p0 [hbm:s0], s1  }
0x23b: {  	s0 =	simm.s32 @!p0 $0x6  }
0x23c: {  	_ =	swait.ge @!p0 [sflag:s0], s1  }
0x23d: {  	s1 =	ssub.s32 @!p0 $0x0, s1;
	[sflag:s0] =	ssyncset.done @!p0 $0x0  }
0x23e: {  	[sflag:s0] =	ssyncadd.s32 @!p0 s1  }
0x23f: {  	[bflag:$0x3] =	sbarrier.arrive $0xFFFF  }
0x240: {  	_ =	shalt  }

</sc_bundles>
